<compile_context>
chip_gen: v7x
topology: tpu7x:2x2x1
jax: 0.10.2.dev20260603
libtpu: 0.0.44.dev20260713+nightly
codegen_flags: <defaults>
</compile_context>

<pallas_src>
import functools
import math

import jax
import jax.numpy as jnp
from jax import lax
from jax.experimental import pallas as pl
from jax.experimental.pallas import tpu as pltpu
from jax.experimental.pallas import tpu_sc as plsc

NF = 26
V = 1001
D = 128
HID = 512
NC = 4
CS = 1024
NH = 4
NL = 2
DH = D // NH



def _sc_gather_body(n_chunks, chunk, tbl_hbm, idx_hbm, out_hbm, idx_v,
                    rows0, rows1, semg0, semg1, sems0, sems1):
    c = lax.axis_index("c")
    s = lax.axis_index("s")
    wid = s * 2 + c
    rows_per_w = n_chunks * chunk
    pltpu.sync_copy(idx_hbm.at[wid], idx_v)
    base = wid * rows_per_w

    bufs = [rows0, rows1]
    semg = [semg0, semg1]
    sems = [sems0, sems1]
    gath = {}
    scat = {}
    gath[0] = pltpu.async_copy(tbl_hbm.at[idx_v.at[0]], bufs[0], semg[0])
    for ch in range(n_chunks):
        nxt = ch + 1
        if nxt < n_chunks:
            if nxt >= 2:
                scat[nxt - 2].wait()
            gath[nxt] = pltpu.async_copy(tbl_hbm.at[idx_v.at[nxt]],
                                         bufs[nxt % 2], semg[nxt % 2])
        gath[ch].wait()
        scat[ch] = pltpu.async_copy(
            bufs[ch % 2], out_hbm.at[pl.ds(base + ch * chunk, chunk)],
            sems[ch % 2])
    scat[n_chunks - 1].wait()
    if n_chunks >= 2:
        scat[n_chunks - 2].wait()


def _sc_gather(flat_tables, idx3, total_rows, n_chunks, chunk):
    mesh = plsc.VectorSubcoreMesh(core_axis_name="c", subcore_axis_name="s")
    kern = functools.partial(
        pl.kernel,
        mesh=mesh,
        out_type=jax.ShapeDtypeStruct((total_rows, D), jnp.float32),
        scratch_types=[
            pltpu.VMEM((n_chunks, chunk), jnp.int32),
            pltpu.VMEM((chunk, D), jnp.float32),
            pltpu.VMEM((chunk, D), jnp.float32),
            pltpu.SemaphoreType.DMA,
            pltpu.SemaphoreType.DMA,
            pltpu.SemaphoreType.DMA,
            pltpu.SemaphoreType.DMA,
        ],
        compiler_params=pltpu.CompilerParams(use_tc_tiling_on_sc=False),
    )(functools.partial(_sc_gather_body, n_chunks, chunk))
    return kern(flat_tables, idx3)




def _dot(a, b, dims, precision=None):
    return lax.dot_general(a, b, (dims, ((), ())),
                           preferred_element_type=jnp.float32,
                           precision=precision)


_HI = lax.Precision.HIGHEST


def _ln(t, g, b):
    mu = jnp.mean(t, axis=1, keepdims=True)
    d = t - mu
    var = jnp.mean(d * d, axis=1, keepdims=True)
    return d * jax.lax.rsqrt(var + 1e-5) * g + b


def _tc_body(bsz, emb_ref, cW, cb, pW, pb, cbk, semt, qkvW, qkvb, oW, ob,
             ln1g, ln1b, ffW1, ffb1, ffW2, ffb2, ln2g, ln2b, hW1, hb1, hW2,
             hb2, logits_ref, loss_ref, c2_s):
    step = pl.program_id(0)

    @pl.when(step == 0)
    def _():
        for i in range(NC):
            c2_s[i:i + 1, :] = jnp.sum(cbk[i] * cbk[i], axis=1)[None, :]

    E = emb_ref[...]
    Ecat = jnp.concatenate([E[f] for f in range(NF)], axis=1)
    comp = _dot(Ecat, cW[...], (((1,), (1,))))
    comp = jnp.maximum(comp + cb[...], 0.0)

    S = comp.shape[0]
    iota_cs = lax.broadcasted_iota(jnp.int32, (S, CS), 1)
    loss_acc = jnp.float32(0.0)
    hpos = []
    for i in range(NC):
        z = _dot(comp, pW[i], (((1,), (1,)))) + pb[i, 0:1, :]
        cbi = cbk[i]
        zc = _dot(z, cbi, (((1,), (1,))))
        z2 = jnp.sum(z * z, axis=1, keepdims=True)
        c2 = c2_s[i:i + 1, :]
        dist = z2 - 2.0 * zc + c2
        md = jnp.min(dist, axis=1, keepdims=True)
        loss_acc = loss_acc + jnp.sum(md)
        ind = jnp.min(jnp.where(dist == md, iota_cs, CS), axis=1,
                      keepdims=True)
        onehot = (iota_cs == ind).astype(jnp.float32)
        hpos.append(_dot(onehot, semt[i], (((1,), (0,)))))

    r0 = lax.broadcasted_iota(jnp.int32, (NC * D, NC * NH), 0)
    c0 = lax.broadcasted_iota(jnp.int32, (NC * D, NC * NH), 1)
    HsumBD = ((r0 // D == c0 // NH) &
              ((r0 % D) // DH == c0 % NH)).astype(jnp.float32)
    r1 = lax.broadcasted_iota(jnp.int32, (NC * NH, NC * D), 0)
    c1 = lax.broadcasted_iota(jnp.int32, (NC * NH, NC * D), 1)
    E16 = ((c1 // D == r1 // NH) &
           ((c1 % D) // DH == r1 % NH)).astype(jnp.float32)

    scale = 1.0 / math.sqrt(DH)
    H = jnp.concatenate(hpos, axis=0)
    for l in range(NL):
        qkv = _dot(H, qkvW[l], (((1,), (1,)))) + qkvb[l]
        q = qkv[:, 0:D]
        k = qkv[:, D:2 * D]
        v = qkv[:, 2 * D:3 * D]
        Vcat = jnp.concatenate([v[j * S:(j + 1) * S] for j in range(NC)],
                               axis=1)
        aos = []
        for i in range(NC):
            qi = q[i * S:(i + 1) * S]
            P = jnp.concatenate([qi * k[j * S:(j + 1) * S]
                                 for j in range(NC)], axis=1)
            s = _dot(P, HsumBD, (((1,), (0,)))) * scale
            e = jnp.exp(s)
            den = (e[:, 0:NH] + e[:, NH:2 * NH] + e[:, 2 * NH:3 * NH] +
                   e[:, 3 * NH:4 * NH])
            dent = jnp.concatenate([den] * NC, axis=1)
            att = e / dent
            aoc = _dot(att, E16, (((1,), (0,)))) * Vcat
            aos.append(aoc[:, 0:D] + aoc[:, D:2 * D] +
                       aoc[:, 2 * D:3 * D] + aoc[:, 3 * D:4 * D])
        AO = jnp.concatenate(aos, axis=0)
        AO = _dot(AO, oW[l], (((1,), (1,)))) + ob[l, 0:1, :]
        H = _ln(H + AO, ln1g[l, 0:1, :], ln1b[l, 0:1, :])
        ff = jnp.maximum(_dot(H, ffW1[l], (((1,), (1,)))) +
                         ffb1[l, 0:1, :], 0.0)
        ff = _dot(ff, ffW2[l], (((1,), (1,)))) + ffb2[l, 0:1, :]
        H = _ln(H + ff, ln2g[l, 0:1, :], ln2b[l, 0:1, :])

    h1 = hb1[...]
    acc = jnp.zeros((S, HID), jnp.float32)
    for i in range(NC):
        acc = acc + _dot(H[i * S:(i + 1) * S], hW1[:, i * D:(i + 1) * D],
                         (((1,), (1,))))
    h1 = jnp.maximum(acc + h1, 0.0)
    logits = jnp.sum(h1 * hW2[...], axis=1, keepdims=True) + hb2[0, 0]
    logits_ref[...] = logits

    @pl.when(step == 0)
    def _():
        loss_ref[...] = jnp.zeros_like(loss_ref)

    loss_ref[...] += (loss_acc * (1.25 / (bsz * D))).reshape(1, 1)


def kernel(x, emb_tables, compress_W, compress_b, proj_W, proj_b, codebooks,
           sem_tables, qkv_W, qkv_b, o_W, o_b, ln1_g, ln1_b, ff_W1, ff_b1,
           ff_W2, ff_b2, ln2_g, ln2_b, head_W1, head_b1, head_W2, head_b2):
    bsz = x.shape[0]
    NW = 32
    chunk = 128
    halves = 2
    hb = bsz // halves
    total_rows = NF * hb
    n_chunks = total_rows // NW // chunk

    idx = jnp.clip(x, 0, V - 1).astype(jnp.int32)
    flat_tables = emb_tables.reshape(NF * V, D)
    foff = (jnp.arange(NF, dtype=jnp.int32) * V)[:, None]
    embeds_h = []
    for h in range(halves):
        flat_idx = idx[h * hb:(h + 1) * hb].T + foff
        idx3 = flat_idx.reshape(NW, n_chunks, chunk)
        emb_flat = _sc_gather(flat_tables, idx3, total_rows, n_chunks, chunk)
        embeds_h.append(emb_flat.reshape(NF, hb, D))

    S = 512
    grid = (hb // S,)
    full = lambda *shape: pl.BlockSpec(shape, lambda i: (0,) * len(shape))

    out_shape = [
        jax.ShapeDtypeStruct((hb, 1), jnp.float32),
        jax.ShapeDtypeStruct((1, 1), jnp.float32),
    ]
    in_specs = [
        pl.BlockSpec((NF, S, D), lambda i: (0, i, 0)),
        full(HID, NF * D),
        full(1, HID),
        full(NC, D, HID),
        full(NC, 1, D),
        full(NC, CS, D),
        full(NC, CS, D),
        full(NL, 3 * D, D),
        full(NL, 1, 3 * D),
        full(NL, D, D),
        full(NL, 1, D),
        full(NL, 1, D),
        full(NL, 1, D),
        full(NL, HID, D),
        full(NL, 1, HID),
        full(NL, D, HID),
        full(NL, 1, D),
        full(NL, 1, D),
        full(NL, 1, D),
        full(HID, NC * D),
        full(1, HID),
        full(1, HID),
        pl.BlockSpec(memory_space=pltpu.SMEM),
    ]
    out_specs = [
        pl.BlockSpec((S, 1), lambda i: (i, 0)),
        pl.BlockSpec((1, 1), lambda i: (0, 0)),
    ]

    tc = pl.pallas_call(
        functools.partial(_tc_body, bsz),
        grid=grid,
        in_specs=in_specs,
        out_specs=out_specs,
        out_shape=out_shape,
        scratch_shapes=[pltpu.VMEM((NC, CS), jnp.float32)],
    )
    outs = [tc(
        embeds,
        compress_W,
        compress_b.reshape(1, HID),
        proj_W,
        proj_b.reshape(NC, 1, D),
        codebooks,
        sem_tables,
        qkv_W,
        qkv_b.reshape(NL, 1, 3 * D),
        o_W,
        o_b.reshape(NL, 1, D),
        ln1_g.reshape(NL, 1, D),
        ln1_b.reshape(NL, 1, D),
        ff_W1,
        ff_b1.reshape(NL, 1, HID),
        ff_W2,
        ff_b2.reshape(NL, 1, D),
        ln2_g.reshape(NL, 1, D),
        ln2_b.reshape(NL, 1, D),
        head_W1,
        head_b1.reshape(1, HID),
        head_W2,
        head_b2.reshape(1, 1),
    ) for embeds in embeds_h]
    logits = jnp.concatenate([o[0][:, 0] for o in outs])
    loss = outs[0][1][0, 0] + outs[1][1][0, 0]
    return logits, loss

# --- scband reference (transcript-rebuilt; emitter-appended) ---
"""Pipeline reference for scband-semantic-idgen-ctr-26001732010080 (READ-ONLY COPY).

The authoritative reference and input builder live on the scoring server;
editing this copy changes nothing except your own understanding.
"""

import jax, jax.numpy as jnp
import numpy as np

NF = 26
V = 1001
D = 128
HID = 512
NC = 4
CS = 1024
NH = 4
NL = 2
B = 4096


def setup_inputs(seed: int = 0) -> dict:
    key = jax.random.key(seed)
    ks = [jax.random.fold_in(key, i) for i in range(16)]
    inp = {}
    inp['x'] = jax.random.randint(ks[0], (B, NF), 0, 1000)
    inp['emb_tables'] = jax.random.normal(ks[1], (NF, V, D), dtype=jnp.float32) * 0.02
    inp['compress_W'] = jax.random.normal(ks[2], (HID, NF * D), dtype=jnp.float32) * (1.0 / np.sqrt(NF * D))
    inp['compress_b'] = jnp.zeros((HID,), jnp.float32)
    inp['proj_W'] = jax.random.normal(ks[3], (NC, D, HID), dtype=jnp.float32) * (1.0 / np.sqrt(HID))
    inp['proj_b'] = jnp.zeros((NC, D), jnp.float32)
    inp['codebooks'] = jax.random.uniform(ks[4], (NC, CS, D), minval=-1.0 / CS, maxval=1.0 / CS, dtype=jnp.float32)
    inp['sem_tables'] = jax.random.normal(ks[5], (NC, CS, D), dtype=jnp.float32)
    inp['qkv_W'] = jax.random.normal(ks[6], (NL, 3 * D, D), dtype=jnp.float32) * (1.0 / np.sqrt(D))
    inp['qkv_b'] = jnp.zeros((NL, 3 * D), jnp.float32)
    inp['o_W'] = jax.random.normal(ks[7], (NL, D, D), dtype=jnp.float32) * (1.0 / np.sqrt(D))
    inp['o_b'] = jnp.zeros((NL, D), jnp.float32)
    inp['ln1_g'] = jnp.ones((NL, D), jnp.float32)
    inp['ln1_b'] = jnp.zeros((NL, D), jnp.float32)
    inp['ff_W1'] = jax.random.normal(ks[8], (NL, HID, D), dtype=jnp.float32) * (1.0 / np.sqrt(D))
    inp['ff_b1'] = jnp.zeros((NL, HID), jnp.float32)
    inp['ff_W2'] = jax.random.normal(ks[9], (NL, D, HID), dtype=jnp.float32) * (1.0 / np.sqrt(HID))
    inp['ff_b2'] = jnp.zeros((NL, D), jnp.float32)
    inp['ln2_g'] = jnp.ones((NL, D), jnp.float32)
    inp['ln2_b'] = jnp.zeros((NL, D), jnp.float32)
    inp['head_W1'] = jax.random.normal(ks[10], (HID, D * NC), dtype=jnp.float32) * (1.0 / np.sqrt(D * NC))
    inp['head_b1'] = jnp.zeros((HID,), jnp.float32)
    inp['head_W2'] = jax.random.normal(ks[11], (1, HID), dtype=jnp.float32) * (1.0 / np.sqrt(HID))
    inp['head_b2'] = jnp.zeros((1,), jnp.float32)
    return inp


def _layernorm(h, g, b):
    mu = jnp.mean(h, axis=-1, keepdims=True)
    var = jnp.var(h, axis=-1, keepdims=True)
    return (h - mu) / jnp.sqrt(var + 1e-5) * g + b


def reference(x, emb_tables, compress_W, compress_b, proj_W, proj_b, codebooks, sem_tables, qkv_W, qkv_b, o_W, o_b, ln1_g, ln1_b, ff_W1, ff_b1, ff_W2, ff_b2, ln2_g, ln2_b, head_W1, head_b1, head_W2, head_b2):
    bsz = x.shape[0]
    idx = jnp.clip(x, 0, V - 1)
    embeds = jnp.concatenate([jnp.take(emb_tables[i], idx[:, i], axis=0) for i in range(NF)], axis=-1)
    compressed = jax.nn.relu(embeds @ compress_W.T + compress_b)  # dropout in eval mode = identity
    total_vq_loss = jnp.float32(0.0)
    sem = []
    for i in range(NC):
        z = compressed @ proj_W[i].T + proj_b[i]
        cb = codebooks[i]
        dist = jnp.sum(z ** 2, axis=-1, keepdims=True) - 2.0 * (z @ cb.T) + jnp.sum(cb ** 2, axis=-1)
        ind = jnp.argmin(dist, axis=-1)
        qz = jnp.take(cb, ind, axis=0)
        e_loss = jnp.mean((jax.lax.stop_gradient(qz) - z) ** 2)
        q_loss = jnp.mean((qz - jax.lax.stop_gradient(z)) ** 2)
        total_vq_loss = total_vq_loss + q_loss + 0.25 * e_loss
        sem.append(jnp.take(sem_tables[i], ind, axis=0))
    h = jnp.stack(sem, axis=1)  # [B, NC, D]
    dh = D // NH
    for l in range(NL):
        qkv = h @ qkv_W[l].T + qkv_b[l]
        q_, k_, v_ = jnp.split(qkv, 3, axis=-1)
        qh = q_.reshape(bsz, NC, NH, dh).transpose(0, 2, 1, 3)
        kh = k_.reshape(bsz, NC, NH, dh).transpose(0, 2, 1, 3)
        vh = v_.reshape(bsz, NC, NH, dh).transpose(0, 2, 1, 3)
        att = jax.nn.softmax(qh @ kh.transpose(0, 1, 3, 2) / np.sqrt(dh), axis=-1)
        ao = (att @ vh).transpose(0, 2, 1, 3).reshape(bsz, NC, D)
        ao = ao @ o_W[l].T + o_b[l]
        h = _layernorm(h + ao, ln1_g[l], ln1_b[l])
        ff = jax.nn.relu(h @ ff_W1[l].T + ff_b1[l]) @ ff_W2[l].T + ff_b2[l]
        h = _layernorm(h + ff, ln2_g[l], ln2_b[l])
    flat = h.reshape(bsz, -1)
    h1 = jax.nn.relu(flat @ head_W1.T + head_b1)
    logits = (h1 @ head_W2.T + head_b2)[:, 0]
    return (logits, total_vq_loss)

if __name__ == "__main__":
    import jax
    _d = setup_inputs()
    print(jax.jit(kernel)(*tuple(_d.values())))

</pallas_src>

<mosaic_0001>
#map = affine_map<(d0, d1) -> (0, 0)>
#map1 = affine_map<(d0, d1) -> (0, 0, 0)>
module attributes {stable_mosaic.version = 14 : i64} {
  func.func @_sc_gather_body(%arg0: i32, %arg1: i32, %arg2: memref<26026x128xf32, #tpu.memory_space<hbm>>, %arg3: memref<32x13x128xi32, #tpu.memory_space<hbm>>, %arg4: memref<53248x128xf32, #tpu.memory_space<hbm>>, %arg5: memref<13x128xi32, #tpu.memory_space<vmem>>, %arg6: memref<128x128xf32, #tpu.memory_space<vmem>>, %arg7: memref<128x128xf32, #tpu.memory_space<vmem>>, %arg8: memref<!tpu.dma_semaphore, #tpu.memory_space<semaphore_mem>>, %arg9: memref<!tpu.dma_semaphore, #tpu.memory_space<semaphore_mem>>, %arg10: memref<!tpu.dma_semaphore, #tpu.memory_space<semaphore_mem>>, %arg11: memref<!tpu.dma_semaphore, #tpu.memory_space<semaphore_mem>>) attributes {dimension_semantics = [#tpu.dimension_semantics<core_parallel>, #tpu.dimension_semantics<subcore_parallel>], iteration_bounds = array<i64: 2, 16>, scalar_prefetch = 0 : i64, scratch_operands = 7 : i64, tpu.core_type = #tpu.core_type<sc_vector_subcore>, window_params = [{transform_indices = #map}, {transform_indices = #map1}, {transform_indices = #map}]} {
    %mul3A = arith.constant 2 : i32
    %mul3A_0 = arith.muli %arg1, %mul3A : i32
    %add3A = arith.addi %mul3A_0, %arg0 : i32
    "tpu.region"() ({
      %run_scoped3A = tpu.sem_alloc : memref<!tpu.dma_semaphore, #tpu.memory_space<semaphore_mem>>
      %dma_start3A_313 = arith.constant 0 : i32
      %dma_start3A_314 = arith.constant 0 : i32
      %dma_start3A_315 = tpu.memref_slice %arg3[%add3A, %dma_start3A_313, %dma_start3A_314] : memref<32x13x128xi32, #tpu.memory_space<hbm>> -> memref<1x13x128xi32, #tpu.memory_space<hbm>>
      %dma_start3A_316 = tpu.memref_squeeze %dma_start3A_315 : memref<1x13x128xi32, #tpu.memory_space<hbm>> -> memref<13x128xi32, #tpu.memory_space<hbm>>
      %dma_start3A_317 = arith.constant 0 : i32
      %dma_start3A_318 = arith.constant 0 : i32
      %dma_start3A_319 = tpu.memref_slice %arg3[%add3A, %dma_start3A_317, %dma_start3A_318] : memref<32x13x128xi32, #tpu.memory_space<hbm>> -> memref<1x13x128xi32, #tpu.memory_space<hbm>>
      %dma_start3A_320 = tpu.memref_squeeze %dma_start3A_319 : memref<1x13x128xi32, #tpu.memory_space<hbm>> -> memref<13x128xi32, #tpu.memory_space<hbm>>
      tpu.enqueue_dma source(%dma_start3A_320 : memref<13x128xi32, #tpu.memory_space<hbm>>) target(%arg5 : memref<13x128xi32, #tpu.memory_space<vmem>>) target_semaphore(%run_scoped3A : memref<!tpu.dma_semaphore, #tpu.memory_space<semaphore_mem>>)
      %dma_wait3A_321 = arith.constant 0 : i32
      %dma_wait3A_322 = arith.constant 0 : i32
      %dma_wait3A_323 = tpu.memref_slice %arg3[%add3A, %dma_wait3A_321, %dma_wait3A_322] : memref<32x13x128xi32, #tpu.memory_space<hbm>> -> memref<1x13x128xi32, #tpu.memory_space<hbm>>
      %dma_wait3A_324 = tpu.memref_squeeze %dma_wait3A_323 : memref<1x13x128xi32, #tpu.memory_space<hbm>> -> memref<13x128xi32, #tpu.memory_space<hbm>>
      %dma_wait3A_325 = arith.constant 0 : i32
      %dma_wait3A_326 = arith.constant 0 : i32
      %dma_wait3A_327 = tpu.memref_slice %arg3[%add3A, %dma_wait3A_325, %dma_wait3A_326] : memref<32x13x128xi32, #tpu.memory_space<hbm>> -> memref<1x13x128xi32, #tpu.memory_space<hbm>>
      %dma_wait3A_328 = tpu.memref_squeeze %dma_wait3A_327 : memref<1x13x128xi32, #tpu.memory_space<hbm>> -> memref<13x128xi32, #tpu.memory_space<hbm>>
      tpu.wait_dma2 semaphore(%run_scoped3A : memref<!tpu.dma_semaphore, #tpu.memory_space<semaphore_mem>>) src(%dma_wait3A_328 : memref<13x128xi32, #tpu.memory_space<hbm>>) dst(%arg5 : memref<13x128xi32, #tpu.memory_space<vmem>>)
      tpu.yield
    }) : () -> ()
    %mul3A_1 = arith.constant 1664 : i32
    %mul3A_2 = arith.muli %add3A, %mul3A_1 : i32
    %dma_start3A = arith.constant 0 : i32
    %dma_start3A_3 = arith.constant 0 : i32
    %dma_start3A_4 = tpu.memref_slice %arg5[%dma_start3A, %dma_start3A_3] : memref<13x128xi32, #tpu.memory_space<vmem>> -> memref<1x128xi32, #tpu.memory_space<vmem>>
    %dma_start3A_5 = tpu.memref_squeeze %dma_start3A_4 : memref<1x128xi32, #tpu.memory_space<vmem>> -> memref<128xi32, #tpu.memory_space<vmem>>
    %dma_start3A_6 = arith.constant 0 : i32
    %dma_start3A_7 = arith.constant 0 : i32
    %dma_start3A_8 = tpu.memref_slice %arg2[%dma_start3A_6, %dma_start3A_7] : memref<26026x128xf32, #tpu.memory_space<hbm>> -> memref<26026x128xf32, #tpu.memory_space<hbm>>
    tpu.enqueue_indirect_dma source(%dma_start3A_8 : memref<26026x128xf32, #tpu.memory_space<hbm>>) target(%arg6 : memref<128x128xf32, #tpu.memory_space<vmem>>) offsets(%dma_start3A_5 : memref<128xi32, #tpu.memory_space<vmem>>) semaphore(%arg8 : memref<!tpu.dma_semaphore, #tpu.memory_space<semaphore_mem>>)
    %dma_start3A_9 = arith.constant 1 : i32
    %dma_start3A_10 = arith.constant 0 : i32
    %dma_start3A_11 = tpu.memref_slice %arg5[%dma_start3A_9, %dma_start3A_10] : memref<13x128xi32, #tpu.memory_space<vmem>> -> memref<1x128xi32, #tpu.memory_space<vmem>>
    %dma_start3A_12 = tpu.memref_squeeze %dma_start3A_11 : memref<1x128xi32, #tpu.memory_space<vmem>> -> memref<128xi32, #tpu.memory_space<vmem>>
    %dma_start3A_13 = arith.constant 0 : i32
    %dma_start3A_14 = arith.constant 0 : i32
    %dma_start3A_15 = tpu.memref_slice %arg2[%dma_start3A_13, %dma_start3A_14] : memref<26026x128xf32, #tpu.memory_space<hbm>> -> memref<26026x128xf32, #tpu.memory_space<hbm>>
    tpu.enqueue_indirect_dma source(%dma_start3A_15 : memref<26026x128xf32, #tpu.memory_space<hbm>>) target(%arg7 : memref<128x128xf32, #tpu.memory_space<vmem>>) offsets(%dma_start3A_12 : memref<128xi32, #tpu.memory_space<vmem>>) semaphore(%arg9 : memref<!tpu.dma_semaphore, #tpu.memory_space<semaphore_mem>>)
    %dma_wait3A = arith.constant 0 : i32
    %dma_wait3A_16 = arith.constant 0 : i32
    %dma_wait3A_17 = tpu.memref_slice %arg5[%dma_wait3A, %dma_wait3A_16] : memref<13x128xi32, #tpu.memory_space<vmem>> -> memref<1x128xi32, #tpu.memory_space<vmem>>
    %dma_wait3A_18 = tpu.memref_squeeze %dma_wait3A_17 : memref<1x128xi32, #tpu.memory_space<vmem>> -> memref<128xi32, #tpu.memory_space<vmem>>
    %dma_wait3A_19 = arith.constant 0 : i32
    %dma_wait3A_20 = arith.constant 0 : i32
    %dma_wait3A_21 = tpu.memref_slice %arg2[%dma_wait3A_19, %dma_wait3A_20] : memref<26026x128xf32, #tpu.memory_space<hbm>> -> memref<26026x128xf32, #tpu.memory_space<hbm>>
    tpu.wait_indirect_dma semaphore(%arg8 : memref<!tpu.dma_semaphore, #tpu.memory_space<semaphore_mem>>) src(%dma_wait3A_21 : memref<26026x128xf32, #tpu.memory_space<hbm>>) dst(%arg6 : memref<128x128xf32, #tpu.memory_space<vmem>>)
    %add3A_22 = arith.constant 0 : i32
    %add3A_23 = arith.addi %mul3A_2, %add3A_22 : i32
    %dma_start3A_24 = arith.constant 0 : i32
    %dma_start3A_25 = tpu.memref_slice %arg4[%add3A_23, %dma_start3A_24] : memref<53248x128xf32, #tpu.memory_space<hbm>> -> memref<128x128xf32, #tpu.memory_space<hbm>>
    %dma_start3A_26 = arith.constant 0 : i32
    %dma_start3A_27 = tpu.memref_slice %arg4[%add3A_23, %dma_start3A_26] : memref<53248x128xf32, #tpu.memory_space<hbm>> -> memref<128x128xf32, #tpu.memory_space<hbm>>
    tpu.enqueue_dma source(%arg6 : memref<128x128xf32, #tpu.memory_space<vmem>>) target(%dma_start3A_27 : memref<128x128xf32, #tpu.memory_space<hbm>>) target_semaphore(%arg10 : memref<!tpu.dma_semaphore, #tpu.memory_space<semaphore_mem>>)
    %dma_wait3A_28 = arith.constant 0 : i32
    %dma_wait3A_29 = tpu.memref_slice %arg4[%add3A_23, %dma_wait3A_28] : memref<53248x128xf32, #tpu.memory_space<hbm>> -> memref<128x128xf32, #tpu.memory_space<hbm>>
    %dma_wait3A_30 = arith.constant 0 : i32
    %dma_wait3A_31 = tpu.memref_slice %arg4[%add3A_23, %dma_wait3A_30] : memref<53248x128xf32, #tpu.memory_space<hbm>> -> memref<128x128xf32, #tpu.memory_space<hbm>>
    tpu.wait_dma2 semaphore(%arg10 : memref<!tpu.dma_semaphore, #tpu.memory_space<semaphore_mem>>) src(%arg6 : memref<128x128xf32, #tpu.memory_space<vmem>>) dst(%dma_wait3A_31 : memref<128x128xf32, #tpu.memory_space<hbm>>)
    %dma_start3A_32 = arith.constant 2 : i32
    %dma_start3A_33 = arith.constant 0 : i32
    %dma_start3A_34 = tpu.memref_slice %arg5[%dma_start3A_32, %dma_start3A_33] : memref<13x128xi32, #tpu.memory_space<vmem>> -> memref<1x128xi32, #tpu.memory_space<vmem>>
    %dma_start3A_35 = tpu.memref_squeeze %dma_start3A_34 : memref<1x128xi32, #tpu.memory_space<vmem>> -> memref<128xi32, #tpu.memory_space<vmem>>
    %dma_start3A_36 = arith.constant 0 : i32
    %dma_start3A_37 = arith.constant 0 : i32
    %dma_start3A_38 = tpu.memref_slice %arg2[%dma_start3A_36, %dma_start3A_37] : memref<26026x128xf32, #tpu.memory_space<hbm>> -> memref<26026x128xf32, #tpu.memory_space<hbm>>
    tpu.enqueue_indirect_dma source(%dma_start3A_38 : memref<26026x128xf32, #tpu.memory_space<hbm>>) target(%arg6 : memref<128x128xf32, #tpu.memory_space<vmem>>) offsets(%dma_start3A_35 : memref<128xi32, #tpu.memory_space<vmem>>) semaphore(%arg8 : memref<!tpu.dma_semaphore, #tpu.memory_space<semaphore_mem>>)
    %dma_wait3A_39 = arith.constant 1 : i32
    %dma_wait3A_40 = arith.constant 0 : i32
    %dma_wait3A_41 = tpu.memref_slice %arg5[%dma_wait3A_39, %dma_wait3A_40] : memref<13x128xi32, #tpu.memory_space<vmem>> -> memref<1x128xi32, #tpu.memory_space<vmem>>
    %dma_wait3A_42 = tpu.memref_squeeze %dma_wait3A_41 : memref<1x128xi32, #tpu.memory_space<vmem>> -> memref<128xi32, #tpu.memory_space<vmem>>
    %dma_wait3A_43 = arith.constant 0 : i32
    %dma_wait3A_44 = arith.constant 0 : i32
    %dma_wait3A_45 = tpu.memref_slice %arg2[%dma_wait3A_43, %dma_wait3A_44] : memref<26026x128xf32, #tpu.memory_space<hbm>> -> memref<26026x128xf32, #tpu.memory_space<hbm>>
    tpu.wait_indirect_dma semaphore(%arg9 : memref<!tpu.dma_semaphore, #tpu.memory_space<semaphore_mem>>) src(%dma_wait3A_45 : memref<26026x128xf32, #tpu.memory_space<hbm>>) dst(%arg7 : memref<128x128xf32, #tpu.memory_space<vmem>>)
    %add3A_46 = arith.constant 128 : i32
    %add3A_47 = arith.addi %mul3A_2, %add3A_46 : i32
    %dma_start3A_48 = arith.constant 0 : i32
    %dma_start3A_49 = tpu.memref_slice %arg4[%add3A_47, %dma_start3A_48] : memref<53248x128xf32, #tpu.memory_space<hbm>> -> memref<128x128xf32, #tpu.memory_space<hbm>>
    %dma_start3A_50 = arith.constant 0 : i32
    %dma_start3A_51 = tpu.memref_slice %arg4[%add3A_47, %dma_start3A_50] : memref<53248x128xf32, #tpu.memory_space<hbm>> -> memref<128x128xf32, #tpu.memory_space<hbm>>
    tpu.enqueue_dma source(%arg7 : memref<128x128xf32, #tpu.memory_space<vmem>>) target(%dma_start3A_51 : memref<128x128xf32, #tpu.memory_space<hbm>>) target_semaphore(%arg11 : memref<!tpu.dma_semaphore, #tpu.memory_space<semaphore_mem>>)
    %dma_wait3A_52 = arith.constant 0 : i32
    %dma_wait3A_53 = tpu.memref_slice %arg4[%add3A_47, %dma_wait3A_52] : memref<53248x128xf32, #tpu.memory_space<hbm>> -> memref<128x128xf32, #tpu.memory_space<hbm>>
    %dma_wait3A_54 = arith.constant 0 : i32
    %dma_wait3A_55 = tpu.memref_slice %arg4[%add3A_47, %dma_wait3A_54] : memref<53248x128xf32, #tpu.memory_space<hbm>> -> memref<128x128xf32, #tpu.memory_space<hbm>>
    tpu.wait_dma2 semaphore(%arg11 : memref<!tpu.dma_semaphore, #tpu.memory_space<semaphore_mem>>) src(%arg7 : memref<128x128xf32, #tpu.memory_space<vmem>>) dst(%dma_wait3A_55 : memref<128x128xf32, #tpu.memory_space<hbm>>)
    %dma_start3A_56 = arith.constant 3 : i32
    %dma_start3A_57 = arith.constant 0 : i32
    %dma_start3A_58 = tpu.memref_slice %arg5[%dma_start3A_56, %dma_start3A_57] : memref<13x128xi32, #tpu.memory_space<vmem>> -> memref<1x128xi32, #tpu.memory_space<vmem>>
    %dma_start3A_59 = tpu.memref_squeeze %dma_start3A_58 : memref<1x128xi32, #tpu.memory_space<vmem>> -> memref<128xi32, #tpu.memory_space<vmem>>
    %dma_start3A_60 = arith.constant 0 : i32
    %dma_start3A_61 = arith.constant 0 : i32
    %dma_start3A_62 = tpu.memref_slice %arg2[%dma_start3A_60, %dma_start3A_61] : memref<26026x128xf32, #tpu.memory_space<hbm>> -> memref<26026x128xf32, #tpu.memory_space<hbm>>
    tpu.enqueue_indirect_dma source(%dma_start3A_62 : memref<26026x128xf32, #tpu.memory_space<hbm>>) target(%arg7 : memref<128x128xf32, #tpu.memory_space<vmem>>) offsets(%dma_start3A_59 : memref<128xi32, #tpu.memory_space<vmem>>) semaphore(%arg9 : memref<!tpu.dma_semaphore, #tpu.memory_space<semaphore_mem>>)
    %dma_wait3A_63 = arith.constant 2 : i32
    %dma_wait3A_64 = arith.constant 0 : i32
    %dma_wait3A_65 = tpu.memref_slice %arg5[%dma_wait3A_63, %dma_wait3A_64] : memref<13x128xi32, #tpu.memory_space<vmem>> -> memref<1x128xi32, #tpu.memory_space<vmem>>
    %dma_wait3A_66 = tpu.memref_squeeze %dma_wait3A_65 : memref<1x128xi32, #tpu.memory_space<vmem>> -> memref<128xi32, #tpu.memory_space<vmem>>
    %dma_wait3A_67 = arith.constant 0 : i32
    %dma_wait3A_68 = arith.constant 0 : i32
    %dma_wait3A_69 = tpu.memref_slice %arg2[%dma_wait3A_67, %dma_wait3A_68] : memref<26026x128xf32, #tpu.memory_space<hbm>> -> memref<26026x128xf32, #tpu.memory_space<hbm>>
    tpu.wait_indirect_dma semaphore(%arg8 : memref<!tpu.dma_semaphore, #tpu.memory_space<semaphore_mem>>) src(%dma_wait3A_69 : memref<26026x128xf32, #tpu.memory_space<hbm>>) dst(%arg6 : memref<128x128xf32, #tpu.memory_space<vmem>>)
    %add3A_70 = arith.constant 256 : i32
    %add3A_71 = arith.addi %mul3A_2, %add3A_70 : i32
    %dma_start3A_72 = arith.constant 0 : i32
    %dma_start3A_73 = tpu.memref_slice %arg4[%add3A_71, %dma_start3A_72] : memref<53248x128xf32, #tpu.memory_space<hbm>> -> memref<128x128xf32, #tpu.memory_space<hbm>>
    %dma_start3A_74 = arith.constant 0 : i32
    %dma_start3A_75 = tpu.memref_slice %arg4[%add3A_71, %dma_start3A_74] : memref<53248x128xf32, #tpu.memory_space<hbm>> -> memref<128x128xf32, #tpu.memory_space<hbm>>
    tpu.enqueue_dma source(%arg6 : memref<128x128xf32, #tpu.memory_space<vmem>>) target(%dma_start3A_75 : memref<128x128xf32, #tpu.memory_space<hbm>>) target_semaphore(%arg10 : memref<!tpu.dma_semaphore, #tpu.memory_space<semaphore_mem>>)
    %dma_wait3A_76 = arith.constant 0 : i32
    %dma_wait3A_77 = tpu.memref_slice %arg4[%add3A_71, %dma_wait3A_76] : memref<53248x128xf32, #tpu.memory_space<hbm>> -> memref<128x128xf32, #tpu.memory_space<hbm>>
    %dma_wait3A_78 = arith.constant 0 : i32
    %dma_wait3A_79 = tpu.memref_slice %arg4[%add3A_71, %dma_wait3A_78] : memref<53248x128xf32, #tpu.memory_space<hbm>> -> memref<128x128xf32, #tpu.memory_space<hbm>>
    tpu.wait_dma2 semaphore(%arg10 : memref<!tpu.dma_semaphore, #tpu.memory_space<semaphore_mem>>) src(%arg6 : memref<128x128xf32, #tpu.memory_space<vmem>>) dst(%dma_wait3A_79 : memref<128x128xf32, #tpu.memory_space<hbm>>)
    %dma_start3A_80 = arith.constant 4 : i32
    %dma_start3A_81 = arith.constant 0 : i32
    %dma_start3A_82 = tpu.memref_slice %arg5[%dma_start3A_80, %dma_start3A_81] : memref<13x128xi32, #tpu.memory_space<vmem>> -> memref<1x128xi32, #tpu.memory_space<vmem>>
    %dma_start3A_83 = tpu.memref_squeeze %dma_start3A_82 : memref<1x128xi32, #tpu.memory_space<vmem>> -> memref<128xi32, #tpu.memory_space<vmem>>
    %dma_start3A_84 = arith.constant 0 : i32
    %dma_start3A_85 = arith.constant 0 : i32
    %dma_start3A_86 = tpu.memref_slice %arg2[%dma_start3A_84, %dma_start3A_85] : memref<26026x128xf32, #tpu.memory_space<hbm>> -> memref<26026x128xf32, #tpu.memory_space<hbm>>
    tpu.enqueue_indirect_dma source(%dma_start3A_86 : memref<26026x128xf32, #tpu.memory_space<hbm>>) target(%arg6 : memref<128x128xf32, #tpu.memory_space<vmem>>) offsets(%dma_start3A_83 : memref<128xi32, #tpu.memory_space<vmem>>) semaphore(%arg8 : memref<!tpu.dma_semaphore, #tpu.memory_space<semaphore_mem>>)
    %dma_wait3A_87 = arith.constant 3 : i32
    %dma_wait3A_88 = arith.constant 0 : i32
    %dma_wait3A_89 = tpu.memref_slice %arg5[%dma_wait3A_87, %dma_wait3A_88] : memref<13x128xi32, #tpu.memory_space<vmem>> -> memref<1x128xi32, #tpu.memory_space<vmem>>
    %dma_wait3A_90 = tpu.memref_squeeze %dma_wait3A_89 : memref<1x128xi32, #tpu.memory_space<vmem>> -> memref<128xi32, #tpu.memory_space<vmem>>
    %dma_wait3A_91 = arith.constant 0 : i32
    %dma_wait3A_92 = arith.constant 0 : i32
    %dma_wait3A_93 = tpu.memref_slice %arg2[%dma_wait3A_91, %dma_wait3A_92] : memref<26026x128xf32, #tpu.memory_space<hbm>> -> memref<26026x128xf32, #tpu.memory_space<hbm>>
    tpu.wait_indirect_dma semaphore(%arg9 : memref<!tpu.dma_semaphore, #tpu.memory_space<semaphore_mem>>) src(%dma_wait3A_93 : memref<26026x128xf32, #tpu.memory_space<hbm>>) dst(%arg7 : memref<128x128xf32, #tpu.memory_space<vmem>>)
    %add3A_94 = arith.constant 384 : i32
    %add3A_95 = arith.addi %mul3A_2, %add3A_94 : i32
    %dma_start3A_96 = arith.constant 0 : i32
    %dma_start3A_97 = tpu.memref_slice %arg4[%add3A_95, %dma_start3A_96] : memref<53248x128xf32, #tpu.memory_space<hbm>> -> memref<128x128xf32, #tpu.memory_space<hbm>>
    %dma_start3A_98 = arith.constant 0 : i32
    %dma_start3A_99 = tpu.memref_slice %arg4[%add3A_95, %dma_start3A_98] : memref<53248x128xf32, #tpu.memory_space<hbm>> -> memref<128x128xf32, #tpu.memory_space<hbm>>
    tpu.enqueue_dma source(%arg7 : memref<128x128xf32, #tpu.memory_space<vmem>>) target(%dma_start3A_99 : memref<128x128xf32, #tpu.memory_space<hbm>>) target_semaphore(%arg11 : memref<!tpu.dma_semaphore, #tpu.memory_space<semaphore_mem>>)
    %dma_wait3A_100 = arith.constant 0 : i32
    %dma_wait3A_101 = tpu.memref_slice %arg4[%add3A_95, %dma_wait3A_100] : memref<53248x128xf32, #tpu.memory_space<hbm>> -> memref<128x128xf32, #tpu.memory_space<hbm>>
    %dma_wait3A_102 = arith.constant 0 : i32
    %dma_wait3A_103 = tpu.memref_slice %arg4[%add3A_95, %dma_wait3A_102] : memref<53248x128xf32, #tpu.memory_space<hbm>> -> memref<128x128xf32, #tpu.memory_space<hbm>>
    tpu.wait_dma2 semaphore(%arg11 : memref<!tpu.dma_semaphore, #tpu.memory_space<semaphore_mem>>) src(%arg7 : memref<128x128xf32, #tpu.memory_space<vmem>>) dst(%dma_wait3A_103 : memref<128x128xf32, #tpu.memory_space<hbm>>)
    %dma_start3A_104 = arith.constant 5 : i32
    %dma_start3A_105 = arith.constant 0 : i32
    %dma_start3A_106 = tpu.memref_slice %arg5[%dma_start3A_104, %dma_start3A_105] : memref<13x128xi32, #tpu.memory_space<vmem>> -> memref<1x128xi32, #tpu.memory_space<vmem>>
    %dma_start3A_107 = tpu.memref_squeeze %dma_start3A_106 : memref<1x128xi32, #tpu.memory_space<vmem>> -> memref<128xi32, #tpu.memory_space<vmem>>
    %dma_start3A_108 = arith.constant 0 : i32
    %dma_start3A_109 = arith.constant 0 : i32
    %dma_start3A_110 = tpu.memref_slice %arg2[%dma_start3A_108, %dma_start3A_109] : memref<26026x128xf32, #tpu.memory_space<hbm>> -> memref<26026x128xf32, #tpu.memory_space<hbm>>
    tpu.enqueue_indirect_dma source(%dma_start3A_110 : memref<26026x128xf32, #tpu.memory_space<hbm>>) target(%arg7 : memref<128x128xf32, #tpu.memory_space<vmem>>) offsets(%dma_start3A_107 : memref<128xi32, #tpu.memory_space<vmem>>) semaphore(%arg9 : memref<!tpu.dma_semaphore, #tpu.memory_space<semaphore_mem>>)
    %dma_wait3A_111 = arith.constant 4 : i32
    %dma_wait3A_112 = arith.constant 0 : i32
    %dma_wait3A_113 = tpu.memref_slice %arg5[%dma_wait3A_111, %dma_wait3A_112] : memref<13x128xi32, #tpu.memory_space<vmem>> -> memref<1x128xi32, #tpu.memory_space<vmem>>
    %dma_wait3A_114 = tpu.memref_squeeze %dma_wait3A_113 : memref<1x128xi32, #tpu.memory_space<vmem>> -> memref<128xi32, #tpu.memory_space<vmem>>
    %dma_wait3A_115 = arith.constant 0 : i32
    %dma_wait3A_116 = arith.constant 0 : i32
    %dma_wait3A_117 = tpu.memref_slice %arg2[%dma_wait3A_115, %dma_wait3A_116] : memref<26026x128xf32, #tpu.memory_space<hbm>> -> memref<26026x128xf32, #tpu.memory_space<hbm>>
    tpu.wait_indirect_dma semaphore(%arg8 : memref<!tpu.dma_semaphore, #tpu.memory_space<semaphore_mem>>) src(%dma_wait3A_117 : memref<26026x128xf32, #tpu.memory_space<hbm>>) dst(%arg6 : memref<128x128xf32, #tpu.memory_space<vmem>>)
    %add3A_118 = arith.constant 512 : i32
    %add3A_119 = arith.addi %mul3A_2, %add3A_118 : i32
    %dma_start3A_120 = arith.constant 0 : i32
    %dma_start3A_121 = tpu.memref_slice %arg4[%add3A_119, %dma_start3A_120] : memref<53248x128xf32, #tpu.memory_space<hbm>> -> memref<128x128xf32, #tpu.memory_space<hbm>>
    %dma_start3A_122 = arith.constant 0 : i32
    %dma_start3A_123 = tpu.memref_slice %arg4[%add3A_119, %dma_start3A_122] : memref<53248x128xf32, #tpu.memory_space<hbm>> -> memref<128x128xf32, #tpu.memory_space<hbm>>
    tpu.enqueue_dma source(%arg6 : memref<128x128xf32, #tpu.memory_space<vmem>>) target(%dma_start3A_123 : memref<128x128xf32, #tpu.memory_space<hbm>>) target_semaphore(%arg10 : memref<!tpu.dma_semaphore, #tpu.memory_space<semaphore_mem>>)
    %dma_wait3A_124 = arith.constant 0 : i32
    %dma_wait3A_125 = tpu.memref_slice %arg4[%add3A_119, %dma_wait3A_124] : memref<53248x128xf32, #tpu.memory_space<hbm>> -> memref<128x128xf32, #tpu.memory_space<hbm>>
    %dma_wait3A_126 = arith.constant 0 : i32
    %dma_wait3A_127 = tpu.memref_slice %arg4[%add3A_119, %dma_wait3A_126] : memref<53248x128xf32, #tpu.memory_space<hbm>> -> memref<128x128xf32, #tpu.memory_space<hbm>>
    tpu.wait_dma2 semaphore(%arg10 : memref<!tpu.dma_semaphore, #tpu.memory_space<semaphore_mem>>) src(%arg6 : memref<128x128xf32, #tpu.memory_space<vmem>>) dst(%dma_wait3A_127 : memref<128x128xf32, #tpu.memory_space<hbm>>)
    %dma_start3A_128 = arith.constant 6 : i32
    %dma_start3A_129 = arith.constant 0 : i32
    %dma_start3A_130 = tpu.memref_slice %arg5[%dma_start3A_128, %dma_start3A_129] : memref<13x128xi32, #tpu.memory_space<vmem>> -> memref<1x128xi32, #tpu.memory_space<vmem>>
    %dma_start3A_131 = tpu.memref_squeeze %dma_start3A_130 : memref<1x128xi32, #tpu.memory_space<vmem>> -> memref<128xi32, #tpu.memory_space<vmem>>
    %dma_start3A_132 = arith.constant 0 : i32
    %dma_start3A_133 = arith.constant 0 : i32
    %dma_start3A_134 = tpu.memref_slice %arg2[%dma_start3A_132, %dma_start3A_133] : memref<26026x128xf32, #tpu.memory_space<hbm>> -> memref<26026x128xf32, #tpu.memory_space<hbm>>
    tpu.enqueue_indirect_dma source(%dma_start3A_134 : memref<26026x128xf32, #tpu.memory_space<hbm>>) target(%arg6 : memref<128x128xf32, #tpu.memory_space<vmem>>) offsets(%dma_start3A_131 : memref<128xi32, #tpu.memory_space<vmem>>) semaphore(%arg8 : memref<!tpu.dma_semaphore, #tpu.memory_space<semaphore_mem>>)
    %dma_wait3A_135 = arith.constant 5 : i32
    %dma_wait3A_136 = arith.constant 0 : i32
    %dma_wait3A_137 = tpu.memref_slice %arg5[%dma_wait3A_135, %dma_wait3A_136] : memref<13x128xi32, #tpu.memory_space<vmem>> -> memref<1x128xi32, #tpu.memory_space<vmem>>
    %dma_wait3A_138 = tpu.memref_squeeze %dma_wait3A_137 : memref<1x128xi32, #tpu.memory_space<vmem>> -> memref<128xi32, #tpu.memory_space<vmem>>
    %dma_wait3A_139 = arith.constant 0 : i32
    %dma_wait3A_140 = arith.constant 0 : i32
    %dma_wait3A_141 = tpu.memref_slice %arg2[%dma_wait3A_139, %dma_wait3A_140] : memref<26026x128xf32, #tpu.memory_space<hbm>> -> memref<26026x128xf32, #tpu.memory_space<hbm>>
    tpu.wait_indirect_dma semaphore(%arg9 : memref<!tpu.dma_semaphore, #tpu.memory_space<semaphore_mem>>) src(%dma_wait3A_141 : memref<26026x128xf32, #tpu.memory_space<hbm>>) dst(%arg7 : memref<128x128xf32, #tpu.memory_space<vmem>>)
    %add3A_142 = arith.constant 640 : i32
    %add3A_143 = arith.addi %mul3A_2, %add3A_142 : i32
    %dma_start3A_144 = arith.constant 0 : i32
    %dma_start3A_145 = tpu.memref_slice %arg4[%add3A_143, %dma_start3A_144] : memref<53248x128xf32, #tpu.memory_space<hbm>> -> memref<128x128xf32, #tpu.memory_space<hbm>>
    %dma_start3A_146 = arith.constant 0 : i32
    %dma_start3A_147 = tpu.memref_slice %arg4[%add3A_143, %dma_start3A_146] : memref<53248x128xf32, #tpu.memory_space<hbm>> -> memref<128x128xf32, #tpu.memory_space<hbm>>
    tpu.enqueue_dma source(%arg7 : memref<128x128xf32, #tpu.memory_space<vmem>>) target(%dma_start3A_147 : memref<128x128xf32, #tpu.memory_space<hbm>>) target_semaphore(%arg11 : memref<!tpu.dma_semaphore, #tpu.memory_space<semaphore_mem>>)
    %dma_wait3A_148 = arith.constant 0 : i32
    %dma_wait3A_149 = tpu.memref_slice %arg4[%add3A_143, %dma_wait3A_148] : memref<53248x128xf32, #tpu.memory_space<hbm>> -> memref<128x128xf32, #tpu.memory_space<hbm>>
    %dma_wait3A_150 = arith.constant 0 : i32
    %dma_wait3A_151 = tpu.memref_slice %arg4[%add3A_143, %dma_wait3A_150] : memref<53248x128xf32, #tpu.memory_space<hbm>> -> memref<128x128xf32, #tpu.memory_space<hbm>>
    tpu.wait_dma2 semaphore(%arg11 : memref<!tpu.dma_semaphore, #tpu.memory_space<semaphore_mem>>) src(%arg7 : memref<128x128xf32, #tpu.memory_space<vmem>>) dst(%dma_wait3A_151 : memref<128x128xf32, #tpu.memory_space<hbm>>)
    %dma_start3A_152 = arith.constant 7 : i32
    %dma_start3A_153 = arith.constant 0 : i32
    %dma_start3A_154 = tpu.memref_slice %arg5[%dma_start3A_152, %dma_start3A_153] : memref<13x128xi32, #tpu.memory_space<vmem>> -> memref<1x128xi32, #tpu.memory_space<vmem>>
    %dma_start3A_155 = tpu.memref_squeeze %dma_start3A_154 : memref<1x128xi32, #tpu.memory_space<vmem>> -> memref<128xi32, #tpu.memory_space<vmem>>
    %dma_start3A_156 = arith.constant 0 : i32
    %dma_start3A_157 = arith.constant 0 : i32
    %dma_start3A_158 = tpu.memref_slice %arg2[%dma_start3A_156, %dma_start3A_157] : memref<26026x128xf32, #tpu.memory_space<hbm>> -> memref<26026x128xf32, #tpu.memory_space<hbm>>
    tpu.enqueue_indirect_dma source(%dma_start3A_158 : memref<26026x128xf32, #tpu.memory_space<hbm>>) target(%arg7 : memref<128x128xf32, #tpu.memory_space<vmem>>) offsets(%dma_start3A_155 : memref<128xi32, #tpu.memory_space<vmem>>) semaphore(%arg9 : memref<!tpu.dma_semaphore, #tpu.memory_space<semaphore_mem>>)
    %dma_wait3A_159 = arith.constant 6 : i32
    %dma_wait3A_160 = arith.constant 0 : i32
    %dma_wait3A_161 = tpu.memref_slice %arg5[%dma_wait3A_159, %dma_wait3A_160] : memref<13x128xi32, #tpu.memory_space<vmem>> -> memref<1x128xi32, #tpu.memory_space<vmem>>
    %dma_wait3A_162 = tpu.memref_squeeze %dma_wait3A_161 : memref<1x128xi32, #tpu.memory_space<vmem>> -> memref<128xi32, #tpu.memory_space<vmem>>
    %dma_wait3A_163 = arith.constant 0 : i32
    %dma_wait3A_164 = arith.constant 0 : i32
    %dma_wait3A_165 = tpu.memref_slice %arg2[%dma_wait3A_163, %dma_wait3A_164] : memref<26026x128xf32, #tpu.memory_space<hbm>> -> memref<26026x128xf32, #tpu.memory_space<hbm>>
    tpu.wait_indirect_dma semaphore(%arg8 : memref<!tpu.dma_semaphore, #tpu.memory_space<semaphore_mem>>) src(%dma_wait3A_165 : memref<26026x128xf32, #tpu.memory_space<hbm>>) dst(%arg6 : memref<128x128xf32, #tpu.memory_space<vmem>>)
    %add3A_166 = arith.constant 768 : i32
    %add3A_167 = arith.addi %mul3A_2, %add3A_166 : i32
    %dma_start3A_168 = arith.constant 0 : i32
    %dma_start3A_169 = tpu.memref_slice %arg4[%add3A_167, %dma_start3A_168] : memref<53248x128xf32, #tpu.memory_space<hbm>> -> memref<128x128xf32, #tpu.memory_space<hbm>>
    %dma_start3A_170 = arith.constant 0 : i32
    %dma_start3A_171 = tpu.memref_slice %arg4[%add3A_167, %dma_start3A_170] : memref<53248x128xf32, #tpu.memory_space<hbm>> -> memref<128x128xf32, #tpu.memory_space<hbm>>
    tpu.enqueue_dma source(%arg6 : memref<128x128xf32, #tpu.memory_space<vmem>>) target(%dma_start3A_171 : memref<128x128xf32, #tpu.memory_space<hbm>>) target_semaphore(%arg10 : memref<!tpu.dma_semaphore, #tpu.memory_space<semaphore_mem>>)
    %dma_wait3A_172 = arith.constant 0 : i32
    %dma_wait3A_173 = tpu.memref_slice %arg4[%add3A_167, %dma_wait3A_172] : memref<53248x128xf32, #tpu.memory_space<hbm>> -> memref<128x128xf32, #tpu.memory_space<hbm>>
    %dma_wait3A_174 = arith.constant 0 : i32
    %dma_wait3A_175 = tpu.memref_slice %arg4[%add3A_167, %dma_wait3A_174] : memref<53248x128xf32, #tpu.memory_space<hbm>> -> memref<128x128xf32, #tpu.memory_space<hbm>>
    tpu.wait_dma2 semaphore(%arg10 : memref<!tpu.dma_semaphore, #tpu.memory_space<semaphore_mem>>) src(%arg6 : memref<128x128xf32, #tpu.memory_space<vmem>>) dst(%dma_wait3A_175 : memref<128x128xf32, #tpu.memory_space<hbm>>)
    %dma_start3A_176 = arith.constant 8 : i32
    %dma_start3A_177 = arith.constant 0 : i32
    %dma_start3A_178 = tpu.memref_slice %arg5[%dma_start3A_176, %dma_start3A_177] : memref<13x128xi32, #tpu.memory_space<vmem>> -> memref<1x128xi32, #tpu.memory_space<vmem>>
    %dma_start3A_179 = tpu.memref_squeeze %dma_start3A_178 : memref<1x128xi32, #tpu.memory_space<vmem>> -> memref<128xi32, #tpu.memory_space<vmem>>
    %dma_start3A_180 = arith.constant 0 : i32
    %dma_start3A_181 = arith.constant 0 : i32
    %dma_start3A_182 = tpu.memref_slice %arg2[%dma_start3A_180, %dma_start3A_181] : memref<26026x128xf32, #tpu.memory_space<hbm>> -> memref<26026x128xf32, #tpu.memory_space<hbm>>
    tpu.enqueue_indirect_dma source(%dma_start3A_182 : memref<26026x128xf32, #tpu.memory_space<hbm>>) target(%arg6 : memref<128x128xf32, #tpu.memory_space<vmem>>) offsets(%dma_start3A_179 : memref<128xi32, #tpu.memory_space<vmem>>) semaphore(%arg8 : memref<!tpu.dma_semaphore, #tpu.memory_space<semaphore_mem>>)
    %dma_wait3A_183 = arith.constant 7 : i32
    %dma_wait3A_184 = arith.constant 0 : i32
    %dma_wait3A_185 = tpu.memref_slice %arg5[%dma_wait3A_183, %dma_wait3A_184] : memref<13x128xi32, #tpu.memory_space<vmem>> -> memref<1x128xi32, #tpu.memory_space<vmem>>
    %dma_wait3A_186 = tpu.memref_squeeze %dma_wait3A_185 : memref<1x128xi32, #tpu.memory_space<vmem>> -> memref<128xi32, #tpu.memory_space<vmem>>
    %dma_wait3A_187 = arith.constant 0 : i32
    %dma_wait3A_188 = arith.constant 0 : i32
    %dma_wait3A_189 = tpu.memref_slice %arg2[%dma_wait3A_187, %dma_wait3A_188] : memref<26026x128xf32, #tpu.memory_space<hbm>> -> memref<26026x128xf32, #tpu.memory_space<hbm>>
    tpu.wait_indirect_dma semaphore(%arg9 : memref<!tpu.dma_semaphore, #tpu.memory_space<semaphore_mem>>) src(%dma_wait3A_189 : memref<26026x128xf32, #tpu.memory_space<hbm>>) dst(%arg7 : memref<128x128xf32, #tpu.memory_space<vmem>>)
    %add3A_190 = arith.constant 896 : i32
    %add3A_191 = arith.addi %mul3A_2, %add3A_190 : i32
    %dma_start3A_192 = arith.constant 0 : i32
    %dma_start3A_193 = tpu.memref_slice %arg4[%add3A_191, %dma_start3A_192] : memref<53248x128xf32, #tpu.memory_space<hbm>> -> memref<128x128xf32, #tpu.memory_space<hbm>>
    %dma_start3A_194 = arith.constant 0 : i32
    %dma_start3A_195 = tpu.memref_slice %arg4[%add3A_191, %dma_start3A_194] : memref<53248x128xf32, #tpu.memory_space<hbm>> -> memref<128x128xf32, #tpu.memory_space<hbm>>
    tpu.enqueue_dma source(%arg7 : memref<128x128xf32, #tpu.memory_space<vmem>>) target(%dma_start3A_195 : memref<128x128xf32, #tpu.memory_space<hbm>>) target_semaphore(%arg11 : memref<!tpu.dma_semaphore, #tpu.memory_space<semaphore_mem>>)
    %dma_wait3A_196 = arith.constant 0 : i32
    %dma_wait3A_197 = tpu.memref_slice %arg4[%add3A_191, %dma_wait3A_196] : memref<53248x128xf32, #tpu.memory_space<hbm>> -> memref<128x128xf32, #tpu.memory_space<hbm>>
    %dma_wait3A_198 = arith.constant 0 : i32
    %dma_wait3A_199 = tpu.memref_slice %arg4[%add3A_191, %dma_wait3A_198] : memref<53248x128xf32, #tpu.memory_space<hbm>> -> memref<128x128xf32, #tpu.memory_space<hbm>>
    tpu.wait_dma2 semaphore(%arg11 : memref<!tpu.dma_semaphore, #tpu.memory_space<semaphore_mem>>) src(%arg7 : memref<128x128xf32, #tpu.memory_space<vmem>>) dst(%dma_wait3A_199 : memref<128x128xf32, #tpu.memory_space<hbm>>)
    %dma_start3A_200 = arith.constant 9 : i32
    %dma_start3A_201 = arith.constant 0 : i32
    %dma_start3A_202 = tpu.memref_slice %arg5[%dma_start3A_200, %dma_start3A_201] : memref<13x128xi32, #tpu.memory_space<vmem>> -> memref<1x128xi32, #tpu.memory_space<vmem>>
    %dma_start3A_203 = tpu.memref_squeeze %dma_start3A_202 : memref<1x128xi32, #tpu.memory_space<vmem>> -> memref<128xi32, #tpu.memory_space<vmem>>
    %dma_start3A_204 = arith.constant 0 : i32
    %dma_start3A_205 = arith.constant 0 : i32
    %dma_start3A_206 = tpu.memref_slice %arg2[%dma_start3A_204, %dma_start3A_205] : memref<26026x128xf32, #tpu.memory_space<hbm>> -> memref<26026x128xf32, #tpu.memory_space<hbm>>
    tpu.enqueue_indirect_dma source(%dma_start3A_206 : memref<26026x128xf32, #tpu.memory_space<hbm>>) target(%arg7 : memref<128x128xf32, #tpu.memory_space<vmem>>) offsets(%dma_start3A_203 : memref<128xi32, #tpu.memory_space<vmem>>) semaphore(%arg9 : memref<!tpu.dma_semaphore, #tpu.memory_space<semaphore_mem>>)
    %dma_wait3A_207 = arith.constant 8 : i32
    %dma_wait3A_208 = arith.constant 0 : i32
    %dma_wait3A_209 = tpu.memref_slice %arg5[%dma_wait3A_207, %dma_wait3A_208] : memref<13x128xi32, #tpu.memory_space<vmem>> -> memref<1x128xi32, #tpu.memory_space<vmem>>
    %dma_wait3A_210 = tpu.memref_squeeze %dma_wait3A_209 : memref<1x128xi32, #tpu.memory_space<vmem>> -> memref<128xi32, #tpu.memory_space<vmem>>
    %dma_wait3A_211 = arith.constant 0 : i32
    %dma_wait3A_212 = arith.constant 0 : i32
    %dma_wait3A_213 = tpu.memref_slice %arg2[%dma_wait3A_211, %dma_wait3A_212] : memref<26026x128xf32, #tpu.memory_space<hbm>> -> memref<26026x128xf32, #tpu.memory_space<hbm>>
    tpu.wait_indirect_dma semaphore(%arg8 : memref<!tpu.dma_semaphore, #tpu.memory_space<semaphore_mem>>) src(%dma_wait3A_213 : memref<26026x128xf32, #tpu.memory_space<hbm>>) dst(%arg6 : memref<128x128xf32, #tpu.memory_space<vmem>>)
    %add3A_214 = arith.constant 1024 : i32
    %add3A_215 = arith.addi %mul3A_2, %add3A_214 : i32
    %dma_start3A_216 = arith.constant 0 : i32
    %dma_start3A_217 = tpu.memref_slice %arg4[%add3A_215, %dma_start3A_216] : memref<53248x128xf32, #tpu.memory_space<hbm>> -> memref<128x128xf32, #tpu.memory_space<hbm>>
    %dma_start3A_218 = arith.constant 0 : i32
    %dma_start3A_219 = tpu.memref_slice %arg4[%add3A_215, %dma_start3A_218] : memref<53248x128xf32, #tpu.memory_space<hbm>> -> memref<128x128xf32, #tpu.memory_space<hbm>>
    tpu.enqueue_dma source(%arg6 : memref<128x128xf32, #tpu.memory_space<vmem>>) target(%dma_start3A_219 : memref<128x128xf32, #tpu.memory_space<hbm>>) target_semaphore(%arg10 : memref<!tpu.dma_semaphore, #tpu.memory_space<semaphore_mem>>)
    %dma_wait3A_220 = arith.constant 0 : i32
    %dma_wait3A_221 = tpu.memref_slice %arg4[%add3A_215, %dma_wait3A_220] : memref<53248x128xf32, #tpu.memory_space<hbm>> -> memref<128x128xf32, #tpu.memory_space<hbm>>
    %dma_wait3A_222 = arith.constant 0 : i32
    %dma_wait3A_223 = tpu.memref_slice %arg4[%add3A_215, %dma_wait3A_222] : memref<53248x128xf32, #tpu.memory_space<hbm>> -> memref<128x128xf32, #tpu.memory_space<hbm>>
    tpu.wait_dma2 semaphore(%arg10 : memref<!tpu.dma_semaphore, #tpu.memory_space<semaphore_mem>>) src(%arg6 : memref<128x128xf32, #tpu.memory_space<vmem>>) dst(%dma_wait3A_223 : memref<128x128xf32, #tpu.memory_space<hbm>>)
    %dma_start3A_224 = arith.constant 10 : i32
    %dma_start3A_225 = arith.constant 0 : i32
    %dma_start3A_226 = tpu.memref_slice %arg5[%dma_start3A_224, %dma_start3A_225] : memref<13x128xi32, #tpu.memory_space<vmem>> -> memref<1x128xi32, #tpu.memory_space<vmem>>
    %dma_start3A_227 = tpu.memref_squeeze %dma_start3A_226 : memref<1x128xi32, #tpu.memory_space<vmem>> -> memref<128xi32, #tpu.memory_space<vmem>>
    %dma_start3A_228 = arith.constant 0 : i32
    %dma_start3A_229 = arith.constant 0 : i32
    %dma_start3A_230 = tpu.memref_slice %arg2[%dma_start3A_228, %dma_start3A_229] : memref<26026x128xf32, #tpu.memory_space<hbm>> -> memref<26026x128xf32, #tpu.memory_space<hbm>>
    tpu.enqueue_indirect_dma source(%dma_start3A_230 : memref<26026x128xf32, #tpu.memory_space<hbm>>) target(%arg6 : memref<128x128xf32, #tpu.memory_space<vmem>>) offsets(%dma_start3A_227 : memref<128xi32, #tpu.memory_space<vmem>>) semaphore(%arg8 : memref<!tpu.dma_semaphore, #tpu.memory_space<semaphore_mem>>)
    %dma_wait3A_231 = arith.constant 9 : i32
    %dma_wait3A_232 = arith.constant 0 : i32
    %dma_wait3A_233 = tpu.memref_slice %arg5[%dma_wait3A_231, %dma_wait3A_232] : memref<13x128xi32, #tpu.memory_space<vmem>> -> memref<1x128xi32, #tpu.memory_space<vmem>>
    %dma_wait3A_234 = tpu.memref_squeeze %dma_wait3A_233 : memref<1x128xi32, #tpu.memory_space<vmem>> -> memref<128xi32, #tpu.memory_space<vmem>>
    %dma_wait3A_235 = arith.constant 0 : i32
    %dma_wait3A_236 = arith.constant 0 : i32
    %dma_wait3A_237 = tpu.memref_slice %arg2[%dma_wait3A_235, %dma_wait3A_236] : memref<26026x128xf32, #tpu.memory_space<hbm>> -> memref<26026x128xf32, #tpu.memory_space<hbm>>
    tpu.wait_indirect_dma semaphore(%arg9 : memref<!tpu.dma_semaphore, #tpu.memory_space<semaphore_mem>>) src(%dma_wait3A_237 : memref<26026x128xf32, #tpu.memory_space<hbm>>) dst(%arg7 : memref<128x128xf32, #tpu.memory_space<vmem>>)
    %add3A_238 = arith.constant 1152 : i32
    %add3A_239 = arith.addi %mul3A_2, %add3A_238 : i32
    %dma_start3A_240 = arith.constant 0 : i32
    %dma_start3A_241 = tpu.memref_slice %arg4[%add3A_239, %dma_start3A_240] : memref<53248x128xf32, #tpu.memory_space<hbm>> -> memref<128x128xf32, #tpu.memory_space<hbm>>
    %dma_start3A_242 = arith.constant 0 : i32
    %dma_start3A_243 = tpu.memref_slice %arg4[%add3A_239, %dma_start3A_242] : memref<53248x128xf32, #tpu.memory_space<hbm>> -> memref<128x128xf32, #tpu.memory_space<hbm>>
    tpu.enqueue_dma source(%arg7 : memref<128x128xf32, #tpu.memory_space<vmem>>) target(%dma_start3A_243 : memref<128x128xf32, #tpu.memory_space<hbm>>) target_semaphore(%arg11 : memref<!tpu.dma_semaphore, #tpu.memory_space<semaphore_mem>>)
    %dma_wait3A_244 = arith.constant 0 : i32
    %dma_wait3A_245 = tpu.memref_slice %arg4[%add3A_239, %dma_wait3A_244] : memref<53248x128xf32, #tpu.memory_space<hbm>> -> memref<128x128xf32, #tpu.memory_space<hbm>>
    %dma_wait3A_246 = arith.constant 0 : i32
    %dma_wait3A_247 = tpu.memref_slice %arg4[%add3A_239, %dma_wait3A_246] : memref<53248x128xf32, #tpu.memory_space<hbm>> -> memref<128x128xf32, #tpu.memory_space<hbm>>
    tpu.wait_dma2 semaphore(%arg11 : memref<!tpu.dma_semaphore, #tpu.memory_space<semaphore_mem>>) src(%arg7 : memref<128x128xf32, #tpu.memory_space<vmem>>) dst(%dma_wait3A_247 : memref<128x128xf32, #tpu.memory_space<hbm>>)
    %dma_start3A_248 = arith.constant 11 : i32
    %dma_start3A_249 = arith.constant 0 : i32
    %dma_start3A_250 = tpu.memref_slice %arg5[%dma_start3A_248, %dma_start3A_249] : memref<13x128xi32, #tpu.memory_space<vmem>> -> memref<1x128xi32, #tpu.memory_space<vmem>>
    %dma_start3A_251 = tpu.memref_squeeze %dma_start3A_250 : memref<1x128xi32, #tpu.memory_space<vmem>> -> memref<128xi32, #tpu.memory_space<vmem>>
    %dma_start3A_252 = arith.constant 0 : i32
    %dma_start3A_253 = arith.constant 0 : i32
    %dma_start3A_254 = tpu.memref_slice %arg2[%dma_start3A_252, %dma_start3A_253] : memref<26026x128xf32, #tpu.memory_space<hbm>> -> memref<26026x128xf32, #tpu.memory_space<hbm>>
    tpu.enqueue_indirect_dma source(%dma_start3A_254 : memref<26026x128xf32, #tpu.memory_space<hbm>>) target(%arg7 : memref<128x128xf32, #tpu.memory_space<vmem>>) offsets(%dma_start3A_251 : memref<128xi32, #tpu.memory_space<vmem>>) semaphore(%arg9 : memref<!tpu.dma_semaphore, #tpu.memory_space<semaphore_mem>>)
    %dma_wait3A_255 = arith.constant 10 : i32
    %dma_wait3A_256 = arith.constant 0 : i32
    %dma_wait3A_257 = tpu.memref_slice %arg5[%dma_wait3A_255, %dma_wait3A_256] : memref<13x128xi32, #tpu.memory_space<vmem>> -> memref<1x128xi32, #tpu.memory_space<vmem>>
    %dma_wait3A_258 = tpu.memref_squeeze %dma_wait3A_257 : memref<1x128xi32, #tpu.memory_space<vmem>> -> memref<128xi32, #tpu.memory_space<vmem>>
    %dma_wait3A_259 = arith.constant 0 : i32
    %dma_wait3A_260 = arith.constant 0 : i32
    %dma_wait3A_261 = tpu.memref_slice %arg2[%dma_wait3A_259, %dma_wait3A_260] : memref<26026x128xf32, #tpu.memory_space<hbm>> -> memref<26026x128xf32, #tpu.memory_space<hbm>>
    tpu.wait_indirect_dma semaphore(%arg8 : memref<!tpu.dma_semaphore, #tpu.memory_space<semaphore_mem>>) src(%dma_wait3A_261 : memref<26026x128xf32, #tpu.memory_space<hbm>>) dst(%arg6 : memref<128x128xf32, #tpu.memory_space<vmem>>)
    %add3A_262 = arith.constant 1280 : i32
    %add3A_263 = arith.addi %mul3A_2, %add3A_262 : i32
    %dma_start3A_264 = arith.constant 0 : i32
    %dma_start3A_265 = tpu.memref_slice %arg4[%add3A_263, %dma_start3A_264] : memref<53248x128xf32, #tpu.memory_space<hbm>> -> memref<128x128xf32, #tpu.memory_space<hbm>>
    %dma_start3A_266 = arith.constant 0 : i32
    %dma_start3A_267 = tpu.memref_slice %arg4[%add3A_263, %dma_start3A_266] : memref<53248x128xf32, #tpu.memory_space<hbm>> -> memref<128x128xf32, #tpu.memory_space<hbm>>
    tpu.enqueue_dma source(%arg6 : memref<128x128xf32, #tpu.memory_space<vmem>>) target(%dma_start3A_267 : memref<128x128xf32, #tpu.memory_space<hbm>>) target_semaphore(%arg10 : memref<!tpu.dma_semaphore, #tpu.memory_space<semaphore_mem>>)
    %dma_wait3A_268 = arith.constant 0 : i32
    %dma_wait3A_269 = tpu.memref_slice %arg4[%add3A_263, %dma_wait3A_268] : memref<53248x128xf32, #tpu.memory_space<hbm>> -> memref<128x128xf32, #tpu.memory_space<hbm>>
    %dma_wait3A_270 = arith.constant 0 : i32
    %dma_wait3A_271 = tpu.memref_slice %arg4[%add3A_263, %dma_wait3A_270] : memref<53248x128xf32, #tpu.memory_space<hbm>> -> memref<128x128xf32, #tpu.memory_space<hbm>>
    tpu.wait_dma2 semaphore(%arg10 : memref<!tpu.dma_semaphore, #tpu.memory_space<semaphore_mem>>) src(%arg6 : memref<128x128xf32, #tpu.memory_space<vmem>>) dst(%dma_wait3A_271 : memref<128x128xf32, #tpu.memory_space<hbm>>)
    %dma_start3A_272 = arith.constant 12 : i32
    %dma_start3A_273 = arith.constant 0 : i32
    %dma_start3A_274 = tpu.memref_slice %arg5[%dma_start3A_272, %dma_start3A_273] : memref<13x128xi32, #tpu.memory_space<vmem>> -> memref<1x128xi32, #tpu.memory_space<vmem>>
    %dma_start3A_275 = tpu.memref_squeeze %dma_start3A_274 : memref<1x128xi32, #tpu.memory_space<vmem>> -> memref<128xi32, #tpu.memory_space<vmem>>
    %dma_start3A_276 = arith.constant 0 : i32
    %dma_start3A_277 = arith.constant 0 : i32
    %dma_start3A_278 = tpu.memref_slice %arg2[%dma_start3A_276, %dma_start3A_277] : memref<26026x128xf32, #tpu.memory_space<hbm>> -> memref<26026x128xf32, #tpu.memory_space<hbm>>
    tpu.enqueue_indirect_dma source(%dma_start3A_278 : memref<26026x128xf32, #tpu.memory_space<hbm>>) target(%arg6 : memref<128x128xf32, #tpu.memory_space<vmem>>) offsets(%dma_start3A_275 : memref<128xi32, #tpu.memory_space<vmem>>) semaphore(%arg8 : memref<!tpu.dma_semaphore, #tpu.memory_space<semaphore_mem>>)
    %dma_wait3A_279 = arith.constant 11 : i32
    %dma_wait3A_280 = arith.constant 0 : i32
    %dma_wait3A_281 = tpu.memref_slice %arg5[%dma_wait3A_279, %dma_wait3A_280] : memref<13x128xi32, #tpu.memory_space<vmem>> -> memref<1x128xi32, #tpu.memory_space<vmem>>
    %dma_wait3A_282 = tpu.memref_squeeze %dma_wait3A_281 : memref<1x128xi32, #tpu.memory_space<vmem>> -> memref<128xi32, #tpu.memory_space<vmem>>
    %dma_wait3A_283 = arith.constant 0 : i32
    %dma_wait3A_284 = arith.constant 0 : i32
    %dma_wait3A_285 = tpu.memref_slice %arg2[%dma_wait3A_283, %dma_wait3A_284] : memref<26026x128xf32, #tpu.memory_space<hbm>> -> memref<26026x128xf32, #tpu.memory_space<hbm>>
    tpu.wait_indirect_dma semaphore(%arg9 : memref<!tpu.dma_semaphore, #tpu.memory_space<semaphore_mem>>) src(%dma_wait3A_285 : memref<26026x128xf32, #tpu.memory_space<hbm>>) dst(%arg7 : memref<128x128xf32, #tpu.memory_space<vmem>>)
    %add3A_286 = arith.constant 1408 : i32
    %add3A_287 = arith.addi %mul3A_2, %add3A_286 : i32
    %dma_start3A_288 = arith.constant 0 : i32
    %dma_start3A_289 = tpu.memref_slice %arg4[%add3A_287, %dma_start3A_288] : memref<53248x128xf32, #tpu.memory_space<hbm>> -> memref<128x128xf32, #tpu.memory_space<hbm>>
    %dma_start3A_290 = arith.constant 0 : i32
    %dma_start3A_291 = tpu.memref_slice %arg4[%add3A_287, %dma_start3A_290] : memref<53248x128xf32, #tpu.memory_space<hbm>> -> memref<128x128xf32, #tpu.memory_space<hbm>>
    tpu.enqueue_dma source(%arg7 : memref<128x128xf32, #tpu.memory_space<vmem>>) target(%dma_start3A_291 : memref<128x128xf32, #tpu.memory_space<hbm>>) target_semaphore(%arg11 : memref<!tpu.dma_semaphore, #tpu.memory_space<semaphore_mem>>)
    %dma_wait3A_292 = arith.constant 12 : i32
    %dma_wait3A_293 = arith.constant 0 : i32
    %dma_wait3A_294 = tpu.memref_slice %arg5[%dma_wait3A_292, %dma_wait3A_293] : memref<13x128xi32, #tpu.memory_space<vmem>> -> memref<1x128xi32, #tpu.memory_space<vmem>>
    %dma_wait3A_295 = tpu.memref_squeeze %dma_wait3A_294 : memref<1x128xi32, #tpu.memory_space<vmem>> -> memref<128xi32, #tpu.memory_space<vmem>>
    %dma_wait3A_296 = arith.constant 0 : i32
    %dma_wait3A_297 = arith.constant 0 : i32
    %dma_wait3A_298 = tpu.memref_slice %arg2[%dma_wait3A_296, %dma_wait3A_297] : memref<26026x128xf32, #tpu.memory_space<hbm>> -> memref<26026x128xf32, #tpu.memory_space<hbm>>
    tpu.wait_indirect_dma semaphore(%arg8 : memref<!tpu.dma_semaphore, #tpu.memory_space<semaphore_mem>>) src(%dma_wait3A_298 : memref<26026x128xf32, #tpu.memory_space<hbm>>) dst(%arg6 : memref<128x128xf32, #tpu.memory_space<vmem>>)
    %add3A_299 = arith.constant 1536 : i32
    %add3A_300 = arith.addi %mul3A_2, %add3A_299 : i32
    %dma_start3A_301 = arith.constant 0 : i32
    %dma_start3A_302 = tpu.memref_slice %arg4[%add3A_300, %dma_start3A_301] : memref<53248x128xf32, #tpu.memory_space<hbm>> -> memref<128x128xf32, #tpu.memory_space<hbm>>
    %dma_start3A_303 = arith.constant 0 : i32
    %dma_start3A_304 = tpu.memref_slice %arg4[%add3A_300, %dma_start3A_303] : memref<53248x128xf32, #tpu.memory_space<hbm>> -> memref<128x128xf32, #tpu.memory_space<hbm>>
    tpu.enqueue_dma source(%arg6 : memref<128x128xf32, #tpu.memory_space<vmem>>) target(%dma_start3A_304 : memref<128x128xf32, #tpu.memory_space<hbm>>) target_semaphore(%arg10 : memref<!tpu.dma_semaphore, #tpu.memory_space<semaphore_mem>>)
    %dma_wait3A_305 = arith.constant 0 : i32
    %dma_wait3A_306 = tpu.memref_slice %arg4[%add3A_300, %dma_wait3A_305] : memref<53248x128xf32, #tpu.memory_space<hbm>> -> memref<128x128xf32, #tpu.memory_space<hbm>>
    %dma_wait3A_307 = arith.constant 0 : i32
    %dma_wait3A_308 = tpu.memref_slice %arg4[%add3A_300, %dma_wait3A_307] : memref<53248x128xf32, #tpu.memory_space<hbm>> -> memref<128x128xf32, #tpu.memory_space<hbm>>
    tpu.wait_dma2 semaphore(%arg10 : memref<!tpu.dma_semaphore, #tpu.memory_space<semaphore_mem>>) src(%arg6 : memref<128x128xf32, #tpu.memory_space<vmem>>) dst(%dma_wait3A_308 : memref<128x128xf32, #tpu.memory_space<hbm>>)
    %dma_wait3A_309 = arith.constant 0 : i32
    %dma_wait3A_310 = tpu.memref_slice %arg4[%add3A_287, %dma_wait3A_309] : memref<53248x128xf32, #tpu.memory_space<hbm>> -> memref<128x128xf32, #tpu.memory_space<hbm>>
    %dma_wait3A_311 = arith.constant 0 : i32
    %dma_wait3A_312 = tpu.memref_slice %arg4[%add3A_287, %dma_wait3A_311] : memref<53248x128xf32, #tpu.memory_space<hbm>> -> memref<128x128xf32, #tpu.memory_space<hbm>>
    tpu.wait_dma2 semaphore(%arg11 : memref<!tpu.dma_semaphore, #tpu.memory_space<semaphore_mem>>) src(%arg7 : memref<128x128xf32, #tpu.memory_space<vmem>>) dst(%dma_wait3A_312 : memref<128x128xf32, #tpu.memory_space<hbm>>)
    return
  }
}

#map = affine_map<(d0, d1) -> (0, 0)>
#map1 = affine_map<(d0, d1) -> (0, 0, 0)>
module attributes {stable_mosaic.version = 14 : i64} {
  func.func @_sc_gather_body(%arg0: i32, %arg1: i32, %arg2: memref<26026x128xf32, #tpu.memory_space<hbm>>, %arg3: memref<32x13x128xi32, #tpu.memory_space<hbm>>, %arg4: memref<53248x128xf32, #tpu.memory_space<hbm>>, %arg5: memref<13x128xi32, #tpu.memory_space<vmem>>, %arg6: memref<128x128xf32, #tpu.memory_space<vmem>>, %arg7: memref<128x128xf32, #tpu.memory_space<vmem>>, %arg8: memref<!tpu.dma_semaphore, #tpu.memory_space<semaphore_mem>>, %arg9: memref<!tpu.dma_semaphore, #tpu.memory_space<semaphore_mem>>, %arg10: memref<!tpu.dma_semaphore, #tpu.memory_space<semaphore_mem>>, %arg11: memref<!tpu.dma_semaphore, #tpu.memory_space<semaphore_mem>>) attributes {dimension_semantics = [#tpu.dimension_semantics<core_parallel>, #tpu.dimension_semantics<subcore_parallel>], iteration_bounds = array<i64: 2, 16>, scalar_prefetch = 0 : i64, scratch_operands = 7 : i64, tpu.core_type = #tpu.core_type<sc_vector_subcore>, window_params = [{transform_indices = #map}, {transform_indices = #map1}, {transform_indices = #map}]} {
    %mul3A = arith.constant 2 : i32
    %mul3A_0 = arith.muli %arg1, %mul3A : i32
    %add3A = arith.addi %mul3A_0, %arg0 : i32
    "tpu.region"() ({
      %run_scoped3A = tpu.sem_alloc : memref<!tpu.dma_semaphore, #tpu.memory_space<semaphore_mem>>
      %dma_start3A_313 = arith.constant 0 : i32
      %dma_start3A_314 = arith.constant 0 : i32
      %dma_start3A_315 = tpu.memref_slice %arg3[%add3A, %dma_start3A_313, %dma_start3A_314] : memref<32x13x128xi32, #tpu.memory_space<hbm>> -> memref<1x13x128xi32, #tpu.memory_space<hbm>>
      %dma_start3A_316 = tpu.memref_squeeze %dma_start3A_315 : memref<1x13x128xi32, #tpu.memory_space<hbm>> -> memref<13x128xi32, #tpu.memory_space<hbm>>
      %dma_start3A_317 = arith.constant 0 : i32
      %dma_start3A_318 = arith.constant 0 : i32
      %dma_start3A_319 = tpu.memref_slice %arg3[%add3A, %dma_start3A_317, %dma_start3A_318] : memref<32x13x128xi32, #tpu.memory_space<hbm>> -> memref<1x13x128xi32, #tpu.memory_space<hbm>>
      %dma_start3A_320 = tpu.memref_squeeze %dma_start3A_319 : memref<1x13x128xi32, #tpu.memory_space<hbm>> -> memref<13x128xi32, #tpu.memory_space<hbm>>
      tpu.enqueue_dma source(%dma_start3A_320 : memref<13x128xi32, #tpu.memory_space<hbm>>) target(%arg5 : memref<13x128xi32, #tpu.memory_space<vmem>>) target_semaphore(%run_scoped3A : memref<!tpu.dma_semaphore, #tpu.memory_space<semaphore_mem>>)
      %dma_wait3A_321 = arith.constant 0 : i32
      %dma_wait3A_322 = arith.constant 0 : i32
      %dma_wait3A_323 = tpu.memref_slice %arg3[%add3A, %dma_wait3A_321, %dma_wait3A_322] : memref<32x13x128xi32, #tpu.memory_space<hbm>> -> memref<1x13x128xi32, #tpu.memory_space<hbm>>
      %dma_wait3A_324 = tpu.memref_squeeze %dma_wait3A_323 : memref<1x13x128xi32, #tpu.memory_space<hbm>> -> memref<13x128xi32, #tpu.memory_space<hbm>>
      %dma_wait3A_325 = arith.constant 0 : i32
      %dma_wait3A_326 = arith.constant 0 : i32
      %dma_wait3A_327 = tpu.memref_slice %arg3[%add3A, %dma_wait3A_325, %dma_wait3A_326] : memref<32x13x128xi32, #tpu.memory_space<hbm>> -> memref<1x13x128xi32, #tpu.memory_space<hbm>>
      %dma_wait3A_328 = tpu.memref_squeeze %dma_wait3A_327 : memref<1x13x128xi32, #tpu.memory_space<hbm>> -> memref<13x128xi32, #tpu.memory_space<hbm>>
      tpu.wait_dma2 semaphore(%run_scoped3A : memref<!tpu.dma_semaphore, #tpu.memory_space<semaphore_mem>>) src(%dma_wait3A_328 : memref<13x128xi32, #tpu.memory_space<hbm>>) dst(%arg5 : memref<13x128xi32, #tpu.memory_space<vmem>>)
      tpu.yield
    }) : () -> ()
    %mul3A_1 = arith.constant 1664 : i32
    %mul3A_2 = arith.muli %add3A, %mul3A_1 : i32
    %dma_start3A = arith.constant 0 : i32
    %dma_start3A_3 = arith.constant 0 : i32
    %dma_start3A_4 = tpu.memref_slice %arg5[%dma_start3A, %dma_start3A_3] : memref<13x128xi32, #tpu.memory_space<vmem>> -> memref<1x128xi32, #tpu.memory_space<vmem>>
    %dma_start3A_5 = tpu.memref_squeeze %dma_start3A_4 : memref<1x128xi32, #tpu.memory_space<vmem>> -> memref<128xi32, #tpu.memory_space<vmem>>
    %dma_start3A_6 = arith.constant 0 : i32
    %dma_start3A_7 = arith.constant 0 : i32
    %dma_start3A_8 = tpu.memref_slice %arg2[%dma_start3A_6, %dma_start3A_7] : memref<26026x128xf32, #tpu.memory_space<hbm>> -> memref<26026x128xf32, #tpu.memory_space<hbm>>
    tpu.enqueue_indirect_dma source(%dma_start3A_8 : memref<26026x128xf32, #tpu.memory_space<hbm>>) target(%arg6 : memref<128x128xf32, #tpu.memory_space<vmem>>) offsets(%dma_start3A_5 : memref<128xi32, #tpu.memory_space<vmem>>) semaphore(%arg8 : memref<!tpu.dma_semaphore, #tpu.memory_space<semaphore_mem>>)
    %dma_start3A_9 = arith.constant 1 : i32
    %dma_start3A_10 = arith.constant 0 : i32
    %dma_start3A_11 = tpu.memref_slice %arg5[%dma_start3A_9, %dma_start3A_10] : memref<13x128xi32, #tpu.memory_space<vmem>> -> memref<1x128xi32, #tpu.memory_space<vmem>>
    %dma_start3A_12 = tpu.memref_squeeze %dma_start3A_11 : memref<1x128xi32, #tpu.memory_space<vmem>> -> memref<128xi32, #tpu.memory_space<vmem>>
    %dma_start3A_13 = arith.constant 0 : i32
    %dma_start3A_14 = arith.constant 0 : i32
    %dma_start3A_15 = tpu.memref_slice %arg2[%dma_start3A_13, %dma_start3A_14] : memref<26026x128xf32, #tpu.memory_space<hbm>> -> memref<26026x128xf32, #tpu.memory_space<hbm>>
    tpu.enqueue_indirect_dma source(%dma_start3A_15 : memref<26026x128xf32, #tpu.memory_space<hbm>>) target(%arg7 : memref<128x128xf32, #tpu.memory_space<vmem>>) offsets(%dma_start3A_12 : memref<128xi32, #tpu.memory_space<vmem>>) semaphore(%arg9 : memref<!tpu.dma_semaphore, #tpu.memory_space<semaphore_mem>>)
    %dma_wait3A = arith.constant 0 : i32
    %dma_wait3A_16 = arith.constant 0 : i32
    %dma_wait3A_17 = tpu.memref_slice %arg5[%dma_wait3A, %dma_wait3A_16] : memref<13x128xi32, #tpu.memory_space<vmem>> -> memref<1x128xi32, #tpu.memory_space<vmem>>
    %dma_wait3A_18 = tpu.memref_squeeze %dma_wait3A_17 : memref<1x128xi32, #tpu.memory_space<vmem>> -> memref<128xi32, #tpu.memory_space<vmem>>
    %dma_wait3A_19 = arith.constant 0 : i32
    %dma_wait3A_20 = arith.constant 0 : i32
    %dma_wait3A_21 = tpu.memref_slice %arg2[%dma_wait3A_19, %dma_wait3A_20] : memref<26026x128xf32, #tpu.memory_space<hbm>> -> memref<26026x128xf32, #tpu.memory_space<hbm>>
    tpu.wait_indirect_dma semaphore(%arg8 : memref<!tpu.dma_semaphore, #tpu.memory_space<semaphore_mem>>) src(%dma_wait3A_21 : memref<26026x128xf32, #tpu.memory_space<hbm>>) dst(%arg6 : memref<128x128xf32, #tpu.memory_space<vmem>>)
    %add3A_22 = arith.constant 0 : i32
    %add3A_23 = arith.addi %mul3A_2, %add3A_22 : i32
    %dma_start3A_24 = arith.constant 0 : i32
    %dma_start3A_25 = tpu.memref_slice %arg4[%add3A_23, %dma_start3A_24] : memref<53248x128xf32, #tpu.memory_space<hbm>> -> memref<128x128xf32, #tpu.memory_space<hbm>>
    %dma_start3A_26 = arith.constant 0 : i32
    %dma_start3A_27 = tpu.memref_slice %arg4[%add3A_23, %dma_start3A_26] : memref<53248x128xf32, #tpu.memory_space<hbm>> -> memref<128x128xf32, #tpu.memory_space<hbm>>
    tpu.enqueue_dma source(%arg6 : memref<128x128xf32, #tpu.memory_space<vmem>>) target(%dma_start3A_27 : memref<128x128xf32, #tpu.memory_space<hbm>>) target_semaphore(%arg10 : memref<!tpu.dma_semaphore, #tpu.memory_space<semaphore_mem>>)
    %dma_wait3A_28 = arith.constant 0 : i32
    %dma_wait3A_29 = tpu.memref_slice %arg4[%add3A_23, %dma_wait3A_28] : memref<53248x128xf32, #tpu.memory_space<hbm>> -> memref<128x128xf32, #tpu.memory_space<hbm>>
    %dma_wait3A_30 = arith.constant 0 : i32
    %dma_wait3A_31 = tpu.memref_slice %arg4[%add3A_23, %dma_wait3A_30] : memref<53248x128xf32, #tpu.memory_space<hbm>> -> memref<128x128xf32, #tpu.memory_space<hbm>>
    tpu.wait_dma2 semaphore(%arg10 : memref<!tpu.dma_semaphore, #tpu.memory_space<semaphore_mem>>) src(%arg6 : memref<128x128xf32, #tpu.memory_space<vmem>>) dst(%dma_wait3A_31 : memref<128x128xf32, #tpu.memory_space<hbm>>)
    %dma_start3A_32 = arith.constant 2 : i32
    %dma_start3A_33 = arith.constant 0 : i32
    %dma_start3A_34 = tpu.memref_slice %arg5[%dma_start3A_32, %dma_start3A_33] : memref<13x128xi32, #tpu.memory_space<vmem>> -> memref<1x128xi32, #tpu.memory_space<vmem>>
    %dma_start3A_35 = tpu.memref_squeeze %dma_start3A_34 : memref<1x128xi32, #tpu.memory_space<vmem>> -> memref<128xi32, #tpu.memory_space<vmem>>
    %dma_start3A_36 = arith.constant 0 : i32
    %dma_start3A_37 = arith.constant 0 : i32
    %dma_start3A_38 = tpu.memref_slice %arg2[%dma_start3A_36, %dma_start3A_37] : memref<26026x128xf32, #tpu.memory_space<hbm>> -> memref<26026x128xf32, #tpu.memory_space<hbm>>
    tpu.enqueue_indirect_dma source(%dma_start3A_38 : memref<26026x128xf32, #tpu.memory_space<hbm>>) target(%arg6 : memref<128x128xf32, #tpu.memory_space<vmem>>) offsets(%dma_start3A_35 : memref<128xi32, #tpu.memory_space<vmem>>) semaphore(%arg8 : memref<!tpu.dma_semaphore, #tpu.memory_space<semaphore_mem>>)
    %dma_wait3A_39 = arith.constant 1 : i32
    %dma_wait3A_40 = arith.constant 0 : i32
    %dma_wait3A_41 = tpu.memref_slice %arg5[%dma_wait3A_39, %dma_wait3A_40] : memref<13x128xi32, #tpu.memory_space<vmem>> -> memref<1x128xi32, #tpu.memory_space<vmem>>
    %dma_wait3A_42 = tpu.memref_squeeze %dma_wait3A_41 : memref<1x128xi32, #tpu.memory_space<vmem>> -> memref<128xi32, #tpu.memory_space<vmem>>
    %dma_wait3A_43 = arith.constant 0 : i32
    %dma_wait3A_44 = arith.constant 0 : i32
    %dma_wait3A_45 = tpu.memref_slice %arg2[%dma_wait3A_43, %dma_wait3A_44] : memref<26026x128xf32, #tpu.memory_space<hbm>> -> memref<26026x128xf32, #tpu.memory_space<hbm>>
    tpu.wait_indirect_dma semaphore(%arg9 : memref<!tpu.dma_semaphore, #tpu.memory_space<semaphore_mem>>) src(%dma_wait3A_45 : memref<26026x128xf32, #tpu.memory_space<hbm>>) dst(%arg7 : memref<128x128xf32, #tpu.memory_space<vmem>>)
    %add3A_46 = arith.constant 128 : i32
    %add3A_47 = arith.addi %mul3A_2, %add3A_46 : i32
    %dma_start3A_48 = arith.constant 0 : i32
    %dma_start3A_49 = tpu.memref_slice %arg4[%add3A_47, %dma_start3A_48] : memref<53248x128xf32, #tpu.memory_space<hbm>> -> memref<128x128xf32, #tpu.memory_space<hbm>>
    %dma_start3A_50 = arith.constant 0 : i32
    %dma_start3A_51 = tpu.memref_slice %arg4[%add3A_47, %dma_start3A_50] : memref<53248x128xf32, #tpu.memory_space<hbm>> -> memref<128x128xf32, #tpu.memory_space<hbm>>
    tpu.enqueue_dma source(%arg7 : memref<128x128xf32, #tpu.memory_space<vmem>>) target(%dma_start3A_51 : memref<128x128xf32, #tpu.memory_space<hbm>>) target_semaphore(%arg11 : memref<!tpu.dma_semaphore, #tpu.memory_space<semaphore_mem>>)
    %dma_wait3A_52 = arith.constant 0 : i32
    %dma_wait3A_53 = tpu.memref_slice %arg4[%add3A_47, %dma_wait3A_52] : memref<53248x128xf32, #tpu.memory_space<hbm>> -> memref<128x128xf32, #tpu.memory_space<hbm>>
    %dma_wait3A_54 = arith.constant 0 : i32
    %dma_wait3A_55 = tpu.memref_slice %arg4[%add3A_47, %dma_wait3A_54] : memref<53248x128xf32, #tpu.memory_space<hbm>> -> memref<128x128xf32, #tpu.memory_space<hbm>>
    tpu.wait_dma2 semaphore(%arg11 : memref<!tpu.dma_semaphore, #tpu.memory_space<semaphore_mem>>) src(%arg7 : memref<128x128xf32, #tpu.memory_space<vmem>>) dst(%dma_wait3A_55 : memref<128x128xf32, #tpu.memory_space<hbm>>)
    %dma_start3A_56 = arith.constant 3 : i32
    %dma_start3A_57 = arith.constant 0 : i32
    %dma_start3A_58 = tpu.memref_slice %arg5[%dma_start3A_56, %dma_start3A_57] : memref<13x128xi32, #tpu.memory_space<vmem>> -> memref<1x128xi32, #tpu.memory_space<vmem>>
    %dma_start3A_59 = tpu.memref_squeeze %dma_start3A_58 : memref<1x128xi32, #tpu.memory_space<vmem>> -> memref<128xi32, #tpu.memory_space<vmem>>
    %dma_start3A_60 = arith.constant 0 : i32
    %dma_start3A_61 = arith.constant 0 : i32
    %dma_start3A_62 = tpu.memref_slice %arg2[%dma_start3A_60, %dma_start3A_61] : memref<26026x128xf32, #tpu.memory_space<hbm>> -> memref<26026x128xf32, #tpu.memory_space<hbm>>
    tpu.enqueue_indirect_dma source(%dma_start3A_62 : memref<26026x128xf32, #tpu.memory_space<hbm>>) target(%arg7 : memref<128x128xf32, #tpu.memory_space<vmem>>) offsets(%dma_start3A_59 : memref<128xi32, #tpu.memory_space<vmem>>) semaphore(%arg9 : memref<!tpu.dma_semaphore, #tpu.memory_space<semaphore_mem>>)
    %dma_wait3A_63 = arith.constant 2 : i32
    %dma_wait3A_64 = arith.constant 0 : i32
    %dma_wait3A_65 = tpu.memref_slice %arg5[%dma_wait3A_63, %dma_wait3A_64] : memref<13x128xi32, #tpu.memory_space<vmem>> -> memref<1x128xi32, #tpu.memory_space<vmem>>
    %dma_wait3A_66 = tpu.memref_squeeze %dma_wait3A_65 : memref<1x128xi32, #tpu.memory_space<vmem>> -> memref<128xi32, #tpu.memory_space<vmem>>
    %dma_wait3A_67 = arith.constant 0 : i32
    %dma_wait3A_68 = arith.constant 0 : i32
    %dma_wait3A_69 = tpu.memref_slice %arg2[%dma_wait3A_67, %dma_wait3A_68] : memref<26026x128xf32, #tpu.memory_space<hbm>> -> memref<26026x128xf32, #tpu.memory_space<hbm>>
    tpu.wait_indirect_dma semaphore(%arg8 : memref<!tpu.dma_semaphore, #tpu.memory_space<semaphore_mem>>) src(%dma_wait3A_69 : memref<26026x128xf32, #tpu.memory_space<hbm>>) dst(%arg6 : memref<128x128xf32, #tpu.memory_space<vmem>>)
    %add3A_70 = arith.constant 256 : i32
    %add3A_71 = arith.addi %mul3A_2, %add3A_70 : i32
    %dma_start3A_72 = arith.constant 0 : i32
    %dma_start3A_73 = tpu.memref_slice %arg4[%add3A_71, %dma_start3A_72] : memref<53248x128xf32, #tpu.memory_space<hbm>> -> memref<128x128xf32, #tpu.memory_space<hbm>>
    %dma_start3A_74 = arith.constant 0 : i32
    %dma_start3A_75 = tpu.memref_slice %arg4[%add3A_71, %dma_start3A_74] : memref<53248x128xf32, #tpu.memory_space<hbm>> -> memref<128x128xf32, #tpu.memory_space<hbm>>
    tpu.enqueue_dma source(%arg6 : memref<128x128xf32, #tpu.memory_space<vmem>>) target(%dma_start3A_75 : memref<128x128xf32, #tpu.memory_space<hbm>>) target_semaphore(%arg10 : memref<!tpu.dma_semaphore, #tpu.memory_space<semaphore_mem>>)
    %dma_wait3A_76 = arith.constant 0 : i32
    %dma_wait3A_77 = tpu.memref_slice %arg4[%add3A_71, %dma_wait3A_76] : memref<53248x128xf32, #tpu.memory_space<hbm>> -> memref<128x128xf32, #tpu.memory_space<hbm>>
    %dma_wait3A_78 = arith.constant 0 : i32
    %dma_wait3A_79 = tpu.memref_slice %arg4[%add3A_71, %dma_wait3A_78] : memref<53248x128xf32, #tpu.memory_space<hbm>> -> memref<128x128xf32, #tpu.memory_space<hbm>>
    tpu.wait_dma2 semaphore(%arg10 : memref<!tpu.dma_semaphore, #tpu.memory_space<semaphore_mem>>) src(%arg6 : memref<128x128xf32, #tpu.memory_space<vmem>>) dst(%dma_wait3A_79 : memref<128x128xf32, #tpu.memory_space<hbm>>)
    %dma_start3A_80 = arith.constant 4 : i32
    %dma_start3A_81 = arith.constant 0 : i32
    %dma_start3A_82 = tpu.memref_slice %arg5[%dma_start3A_80, %dma_start3A_81] : memref<13x128xi32, #tpu.memory_space<vmem>> -> memref<1x128xi32, #tpu.memory_space<vmem>>
    %dma_start3A_83 = tpu.memref_squeeze %dma_start3A_82 : memref<1x128xi32, #tpu.memory_space<vmem>> -> memref<128xi32, #tpu.memory_space<vmem>>
    %dma_start3A_84 = arith.constant 0 : i32
    %dma_start3A_85 = arith.constant 0 : i32
    %dma_start3A_86 = tpu.memref_slice %arg2[%dma_start3A_84, %dma_start3A_85] : memref<26026x128xf32, #tpu.memory_space<hbm>> -> memref<26026x128xf32, #tpu.memory_space<hbm>>
    tpu.enqueue_indirect_dma source(%dma_start3A_86 : memref<26026x128xf32, #tpu.memory_space<hbm>>) target(%arg6 : memref<128x128xf32, #tpu.memory_space<vmem>>) offsets(%dma_start3A_83 : memref<128xi32, #tpu.memory_space<vmem>>) semaphore(%arg8 : memref<!tpu.dma_semaphore, #tpu.memory_space<semaphore_mem>>)
    %dma_wait3A_87 = arith.constant 3 : i32
    %dma_wait3A_88 = arith.constant 0 : i32
    %dma_wait3A_89 = tpu.memref_slice %arg5[%dma_wait3A_87, %dma_wait3A_88] : memref<13x128xi32, #tpu.memory_space<vmem>> -> memref<1x128xi32, #tpu.memory_space<vmem>>
    %dma_wait3A_90 = tpu.memref_squeeze %dma_wait3A_89 : memref<1x128xi32, #tpu.memory_space<vmem>> -> memref<128xi32, #tpu.memory_space<vmem>>
    %dma_wait3A_91 = arith.constant 0 : i32
    %dma_wait3A_92 = arith.constant 0 : i32
    %dma_wait3A_93 = tpu.memref_slice %arg2[%dma_wait3A_91, %dma_wait3A_92] : memref<26026x128xf32, #tpu.memory_space<hbm>> -> memref<26026x128xf32, #tpu.memory_space<hbm>>
    tpu.wait_indirect_dma semaphore(%arg9 : memref<!tpu.dma_semaphore, #tpu.memory_space<semaphore_mem>>) src(%dma_wait3A_93 : memref<26026x128xf32, #tpu.memory_space<hbm>>) dst(%arg7 : memref<128x128xf32, #tpu.memory_space<vmem>>)
    %add3A_94 = arith.constant 384 : i32
    %add3A_95 = arith.addi %mul3A_2, %add3A_94 : i32
    %dma_start3A_96 = arith.constant 0 : i32
    %dma_start3A_97 = tpu.memref_slice %arg4[%add3A_95, %dma_start3A_96] : memref<53248x128xf32, #tpu.memory_space<hbm>> -> memref<128x128xf32, #tpu.memory_space<hbm>>
    %dma_start3A_98 = arith.constant 0 : i32
    %dma_start3A_99 = tpu.memref_slice %arg4[%add3A_95, %dma_start3A_98] : memref<53248x128xf32, #tpu.memory_space<hbm>> -> memref<128x128xf32, #tpu.memory_space<hbm>>
    tpu.enqueue_dma source(%arg7 : memref<128x128xf32, #tpu.memory_space<vmem>>) target(%dma_start3A_99 : memref<128x128xf32, #tpu.memory_space<hbm>>) target_semaphore(%arg11 : memref<!tpu.dma_semaphore, #tpu.memory_space<semaphore_mem>>)
    %dma_wait3A_100 = arith.constant 0 : i32
    %dma_wait3A_101 = tpu.memref_slice %arg4[%add3A_95, %dma_wait3A_100] : memref<53248x128xf32, #tpu.memory_space<hbm>> -> memref<128x128xf32, #tpu.memory_space<hbm>>
    %dma_wait3A_102 = arith.constant 0 : i32
    %dma_wait3A_103 = tpu.memref_slice %arg4[%add3A_95, %dma_wait3A_102] : memref<53248x128xf32, #tpu.memory_space<hbm>> -> memref<128x128xf32, #tpu.memory_space<hbm>>
    tpu.wait_dma2 semaphore(%arg11 : memref<!tpu.dma_semaphore, #tpu.memory_space<semaphore_mem>>) src(%arg7 : memref<128x128xf32, #tpu.memory_space<vmem>>) dst(%dma_wait3A_103 : memref<128x128xf32, #tpu.memory_space<hbm>>)
    %dma_start3A_104 = arith.constant 5 : i32
    %dma_start3A_105 = arith.constant 0 : i32
    %dma_start3A_106 = tpu.memref_slice %arg5[%dma_start3A_104, %dma_start3A_105] : memref<13x128xi32, #tpu.memory_space<vmem>> -> memref<1x128xi32, #tpu.memory_space<vmem>>
    %dma_start3A_107 = tpu.memref_squeeze %dma_start3A_106 : memref<1x128xi32, #tpu.memory_space<vmem>> -> memref<128xi32, #tpu.memory_space<vmem>>
    %dma_start3A_108 = arith.constant 0 : i32
    %dma_start3A_109 = arith.constant 0 : i32
    %dma_start3A_110 = tpu.memref_slice %arg2[%dma_start3A_108, %dma_start3A_109] : memref<26026x128xf32, #tpu.memory_space<hbm>> -> memref<26026x128xf32, #tpu.memory_space<hbm>>
    tpu.enqueue_indirect_dma source(%dma_start3A_110 : memref<26026x128xf32, #tpu.memory_space<hbm>>) target(%arg7 : memref<128x128xf32, #tpu.memory_space<vmem>>) offsets(%dma_start3A_107 : memref<128xi32, #tpu.memory_space<vmem>>) semaphore(%arg9 : memref<!tpu.dma_semaphore, #tpu.memory_space<semaphore_mem>>)
    %dma_wait3A_111 = arith.constant 4 : i32
    %dma_wait3A_112 = arith.constant 0 : i32
    %dma_wait3A_113 = tpu.memref_slice %arg5[%dma_wait3A_111, %dma_wait3A_112] : memref<13x128xi32, #tpu.memory_space<vmem>> -> memref<1x128xi32, #tpu.memory_space<vmem>>
    %dma_wait3A_114 = tpu.memref_squeeze %dma_wait3A_113 : memref<1x128xi32, #tpu.memory_space<vmem>> -> memref<128xi32, #tpu.memory_space<vmem>>
    %dma_wait3A_115 = arith.constant 0 : i32
    %dma_wait3A_116 = arith.constant 0 : i32
    %dma_wait3A_117 = tpu.memref_slice %arg2[%dma_wait3A_115, %dma_wait3A_116] : memref<26026x128xf32, #tpu.memory_space<hbm>> -> memref<26026x128xf32, #tpu.memory_space<hbm>>
    tpu.wait_indirect_dma semaphore(%arg8 : memref<!tpu.dma_semaphore, #tpu.memory_space<semaphore_mem>>) src(%dma_wait3A_117 : memref<26026x128xf32, #tpu.memory_space<hbm>>) dst(%arg6 : memref<128x128xf32, #tpu.memory_space<vmem>>)
    %add3A_118 = arith.constant 512 : i32
    %add3A_119 = arith.addi %mul3A_2, %add3A_118 : i32
    %dma_start3A_120 = arith.constant 0 : i32
    %dma_start3A_121 = tpu.memref_slice %arg4[%add3A_119, %dma_start3A_120] : memref<53248x128xf32, #tpu.memory_space<hbm>> -> memref<128x128xf32, #tpu.memory_space<hbm>>
    %dma_start3A_122 = arith.constant 0 : i32
    %dma_start3A_123 = tpu.memref_slice %arg4[%add3A_119, %dma_start3A_122] : memref<53248x128xf32, #tpu.memory_space<hbm>> -> memref<128x128xf32, #tpu.memory_space<hbm>>
    tpu.enqueue_dma source(%arg6 : memref<128x128xf32, #tpu.memory_space<vmem>>) target(%dma_start3A_123 : memref<128x128xf32, #tpu.memory_space<hbm>>) target_semaphore(%arg10 : memref<!tpu.dma_semaphore, #tpu.memory_space<semaphore_mem>>)
    %dma_wait3A_124 = arith.constant 0 : i32
    %dma_wait3A_125 = tpu.memref_slice %arg4[%add3A_119, %dma_wait3A_124] : memref<53248x128xf32, #tpu.memory_space<hbm>> -> memref<128x128xf32, #tpu.memory_space<hbm>>
    %dma_wait3A_126 = arith.constant 0 : i32
    %dma_wait3A_127 = tpu.memref_slice %arg4[%add3A_119, %dma_wait3A_126] : memref<53248x128xf32, #tpu.memory_space<hbm>> -> memref<128x128xf32, #tpu.memory_space<hbm>>
    tpu.wait_dma2 semaphore(%arg10 : memref<!tpu.dma_semaphore, #tpu.memory_space<semaphore_mem>>) src(%arg6 : memref<128x128xf32, #tpu.memory_space<vmem>>) dst(%dma_wait3A_127 : memref<128x128xf32, #tpu.memory_space<hbm>>)
    %dma_start3A_128 = arith.constant 6 : i32
    %dma_start3A_129 = arith.constant 0 : i32
    %dma_start3A_130 = tpu.memref_slice %arg5[%dma_start3A_128, %dma_start3A_129] : memref<13x128xi32, #tpu.memory_space<vmem>> -> memref<1x128xi32, #tpu.memory_space<vmem>>
    %dma_start3A_131 = tpu.memref_squeeze %dma_start3A_130 : memref<1x128xi32, #tpu.memory_space<vmem>> -> memref<128xi32, #tpu.memory_space<vmem>>
    %dma_start3A_132 = arith.constant 0 : i32
    %dma_start3A_133 = arith.constant 0 : i32
    %dma_start3A_134 = tpu.memref_slice %arg2[%dma_start3A_132, %dma_start3A_133] : memref<26026x128xf32, #tpu.memory_space<hbm>> -> memref<26026x128xf32, #tpu.memory_space<hbm>>
    tpu.enqueue_indirect_dma source(%dma_start3A_134 : memref<26026x128xf32, #tpu.memory_space<hbm>>) target(%arg6 : memref<128x128xf32, #tpu.memory_space<vmem>>) offsets(%dma_start3A_131 : memref<128xi32, #tpu.memory_space<vmem>>) semaphore(%arg8 : memref<!tpu.dma_semaphore, #tpu.memory_space<semaphore_mem>>)
    %dma_wait3A_135 = arith.constant 5 : i32
    %dma_wait3A_136 = arith.constant 0 : i32
    %dma_wait3A_137 = tpu.memref_slice %arg5[%dma_wait3A_135, %dma_wait3A_136] : memref<13x128xi32, #tpu.memory_space<vmem>> -> memref<1x128xi32, #tpu.memory_space<vmem>>
    %dma_wait3A_138 = tpu.memref_squeeze %dma_wait3A_137 : memref<1x128xi32, #tpu.memory_space<vmem>> -> memref<128xi32, #tpu.memory_space<vmem>>
    %dma_wait3A_139 = arith.constant 0 : i32
    %dma_wait3A_140 = arith.constant 0 : i32
    %dma_wait3A_141 = tpu.memref_slice %arg2[%dma_wait3A_139, %dma_wait3A_140] : memref<26026x128xf32, #tpu.memory_space<hbm>> -> memref<26026x128xf32, #tpu.memory_space<hbm>>
    tpu.wait_indirect_dma semaphore(%arg9 : memref<!tpu.dma_semaphore, #tpu.memory_space<semaphore_mem>>) src(%dma_wait3A_141 : memref<26026x128xf32, #tpu.memory_space<hbm>>) dst(%arg7 : memref<128x128xf32, #tpu.memory_space<vmem>>)
    %add3A_142 = arith.constant 640 : i32
    %add3A_143 = arith.addi %mul3A_2, %add3A_142 : i32
    %dma_start3A_144 = arith.constant 0 : i32
    %dma_start3A_145 = tpu.memref_slice %arg4[%add3A_143, %dma_start3A_144] : memref<53248x128xf32, #tpu.memory_space<hbm>> -> memref<128x128xf32, #tpu.memory_space<hbm>>
    %dma_start3A_146 = arith.constant 0 : i32
    %dma_start3A_147 = tpu.memref_slice %arg4[%add3A_143, %dma_start3A_146] : memref<53248x128xf32, #tpu.memory_space<hbm>> -> memref<128x128xf32, #tpu.memory_space<hbm>>
    tpu.enqueue_dma source(%arg7 : memref<128x128xf32, #tpu.memory_space<vmem>>) target(%dma_start3A_147 : memref<128x128xf32, #tpu.memory_space<hbm>>) target_semaphore(%arg11 : memref<!tpu.dma_semaphore, #tpu.memory_space<semaphore_mem>>)
    %dma_wait3A_148 = arith.constant 0 : i32
    %dma_wait3A_149 = tpu.memref_slice %arg4[%add3A_143, %dma_wait3A_148] : memref<53248x128xf32, #tpu.memory_space<hbm>> -> memref<128x128xf32, #tpu.memory_space<hbm>>
    %dma_wait3A_150 = arith.constant 0 : i32
    %dma_wait3A_151 = tpu.memref_slice %arg4[%add3A_143, %dma_wait3A_150] : memref<53248x128xf32, #tpu.memory_space<hbm>> -> memref<128x128xf32, #tpu.memory_space<hbm>>
    tpu.wait_dma2 semaphore(%arg11 : memref<!tpu.dma_semaphore, #tpu.memory_space<semaphore_mem>>) src(%arg7 : memref<128x128xf32, #tpu.memory_space<vmem>>) dst(%dma_wait3A_151 : memref<128x128xf32, #tpu.memory_space<hbm>>)
    %dma_start3A_152 = arith.constant 7 : i32
    %dma_start3A_153 = arith.constant 0 : i32
    %dma_start3A_154 = tpu.memref_slice %arg5[%dma_start3A_152, %dma_start3A_153] : memref<13x128xi32, #tpu.memory_space<vmem>> -> memref<1x128xi32, #tpu.memory_space<vmem>>
    %dma_start3A_155 = tpu.memref_squeeze %dma_start3A_154 : memref<1x128xi32, #tpu.memory_space<vmem>> -> memref<128xi32, #tpu.memory_space<vmem>>
    %dma_start3A_156 = arith.constant 0 : i32
    %dma_start3A_157 = arith.constant 0 : i32
    %dma_start3A_158 = tpu.memref_slice %arg2[%dma_start3A_156, %dma_start3A_157] : memref<26026x128xf32, #tpu.memory_space<hbm>> -> memref<26026x128xf32, #tpu.memory_space<hbm>>
    tpu.enqueue_indirect_dma source(%dma_start3A_158 : memref<26026x128xf32, #tpu.memory_space<hbm>>) target(%arg7 : memref<128x128xf32, #tpu.memory_space<vmem>>) offsets(%dma_start3A_155 : memref<128xi32, #tpu.memory_space<vmem>>) semaphore(%arg9 : memref<!tpu.dma_semaphore, #tpu.memory_space<semaphore_mem>>)
    %dma_wait3A_159 = arith.constant 6 : i32
    %dma_wait3A_160 = arith.constant 0 : i32
    %dma_wait3A_161 = tpu.memref_slice %arg5[%dma_wait3A_159, %dma_wait3A_160] : memref<13x128xi32, #tpu.memory_space<vmem>> -> memref<1x128xi32, #tpu.memory_space<vmem>>
    %dma_wait3A_162 = tpu.memref_squeeze %dma_wait3A_161 : memref<1x128xi32, #tpu.memory_space<vmem>> -> memref<128xi32, #tpu.memory_space<vmem>>
    %dma_wait3A_163 = arith.constant 0 : i32
    %dma_wait3A_164 = arith.constant 0 : i32
    %dma_wait3A_165 = tpu.memref_slice %arg2[%dma_wait3A_163, %dma_wait3A_164] : memref<26026x128xf32, #tpu.memory_space<hbm>> -> memref<26026x128xf32, #tpu.memory_space<hbm>>
    tpu.wait_indirect_dma semaphore(%arg8 : memref<!tpu.dma_semaphore, #tpu.memory_space<semaphore_mem>>) src(%dma_wait3A_165 : memref<26026x128xf32, #tpu.memory_space<hbm>>) dst(%arg6 : memref<128x128xf32, #tpu.memory_space<vmem>>)
    %add3A_166 = arith.constant 768 : i32
    %add3A_167 = arith.addi %mul3A_2, %add3A_166 : i32
    %dma_start3A_168 = arith.constant 0 : i32
    %dma_start3A_169 = tpu.memref_slice %arg4[%add3A_167, %dma_start3A_168] : memref<53248x128xf32, #tpu.memory_space<hbm>> -> memref<128x128xf32, #tpu.memory_space<hbm>>
    %dma_start3A_170 = arith.constant 0 : i32
    %dma_start3A_171 = tpu.memref_slice %arg4[%add3A_167, %dma_start3A_170] : memref<53248x128xf32, #tpu.memory_space<hbm>> -> memref<128x128xf32, #tpu.memory_space<hbm>>
    tpu.enqueue_dma source(%arg6 : memref<128x128xf32, #tpu.memory_space<vmem>>) target(%dma_start3A_171 : memref<128x128xf32, #tpu.memory_space<hbm>>) target_semaphore(%arg10 : memref<!tpu.dma_semaphore, #tpu.memory_space<semaphore_mem>>)
    %dma_wait3A_172 = arith.constant 0 : i32
    %dma_wait3A_173 = tpu.memref_slice %arg4[%add3A_167, %dma_wait3A_172] : memref<53248x128xf32, #tpu.memory_space<hbm>> -> memref<128x128xf32, #tpu.memory_space<hbm>>
    %dma_wait3A_174 = arith.constant 0 : i32
    %dma_wait3A_175 = tpu.memref_slice %arg4[%add3A_167, %dma_wait3A_174] : memref<53248x128xf32, #tpu.memory_space<hbm>> -> memref<128x128xf32, #tpu.memory_space<hbm>>
    tpu.wait_dma2 semaphore(%arg10 : memref<!tpu.dma_semaphore, #tpu.memory_space<semaphore_mem>>) src(%arg6 : memref<128x128xf32, #tpu.memory_space<vmem>>) dst(%dma_wait3A_175 : memref<128x128xf32, #tpu.memory_space<hbm>>)
    %dma_start3A_176 = arith.constant 8 : i32
    %dma_start3A_177 = arith.constant 0 : i32
    %dma_start3A_178 = tpu.memref_slice %arg5[%dma_start3A_176, %dma_start3A_177] : memref<13x128xi32, #tpu.memory_space<vmem>> -> memref<1x128xi32, #tpu.memory_space<vmem>>
    %dma_start3A_179 = tpu.memref_squeeze %dma_start3A_178 : memref<1x128xi32, #tpu.memory_space<vmem>> -> memref<128xi32, #tpu.memory_space<vmem>>
    %dma_start3A_180 = arith.constant 0 : i32
    %dma_start3A_181 = arith.constant 0 : i32
    %dma_start3A_182 = tpu.memref_slice %arg2[%dma_start3A_180, %dma_start3A_181] : memref<26026x128xf32, #tpu.memory_space<hbm>> -> memref<26026x128xf32, #tpu.memory_space<hbm>>
    tpu.enqueue_indirect_dma source(%dma_start3A_182 : memref<26026x128xf32, #tpu.memory_space<hbm>>) target(%arg6 : memref<128x128xf32, #tpu.memory_space<vmem>>) offsets(%dma_start3A_179 : memref<128xi32, #tpu.memory_space<vmem>>) semaphore(%arg8 : memref<!tpu.dma_semaphore, #tpu.memory_space<semaphore_mem>>)
    %dma_wait3A_183 = arith.constant 7 : i32
    %dma_wait3A_184 = arith.constant 0 : i32
    %dma_wait3A_185 = tpu.memref_slice %arg5[%dma_wait3A_183, %dma_wait3A_184] : memref<13x128xi32, #tpu.memory_space<vmem>> -> memref<1x128xi32, #tpu.memory_space<vmem>>
    %dma_wait3A_186 = tpu.memref_squeeze %dma_wait3A_185 : memref<1x128xi32, #tpu.memory_space<vmem>> -> memref<128xi32, #tpu.memory_space<vmem>>
    %dma_wait3A_187 = arith.constant 0 : i32
    %dma_wait3A_188 = arith.constant 0 : i32
    %dma_wait3A_189 = tpu.memref_slice %arg2[%dma_wait3A_187, %dma_wait3A_188] : memref<26026x128xf32, #tpu.memory_space<hbm>> -> memref<26026x128xf32, #tpu.memory_space<hbm>>
    tpu.wait_indirect_dma semaphore(%arg9 : memref<!tpu.dma_semaphore, #tpu.memory_space<semaphore_mem>>) src(%dma_wait3A_189 : memref<26026x128xf32, #tpu.memory_space<hbm>>) dst(%arg7 : memref<128x128xf32, #tpu.memory_space<vmem>>)
    %add3A_190 = arith.constant 896 : i32
    %add3A_191 = arith.addi %mul3A_2, %add3A_190 : i32
    %dma_start3A_192 = arith.constant 0 : i32
    %dma_start3A_193 = tpu.memref_slice %arg4[%add3A_191, %dma_start3A_192] : memref<53248x128xf32, #tpu.memory_space<hbm>> -> memref<128x128xf32, #tpu.memory_space<hbm>>
    %dma_start3A_194 = arith.constant 0 : i32
    %dma_start3A_195 = tpu.memref_slice %arg4[%add3A_191, %dma_start3A_194] : memref<53248x128xf32, #tpu.memory_space<hbm>> -> memref<128x128xf32, #tpu.memory_space<hbm>>
    tpu.enqueue_dma source(%arg7 : memref<128x128xf32, #tpu.memory_space<vmem>>) target(%dma_start3A_195 : memref<128x128xf32, #tpu.memory_space<hbm>>) target_semaphore(%arg11 : memref<!tpu.dma_semaphore, #tpu.memory_space<semaphore_mem>>)
    %dma_wait3A_196 = arith.constant 0 : i32
    %dma_wait3A_197 = tpu.memref_slice %arg4[%add3A_191, %dma_wait3A_196] : memref<53248x128xf32, #tpu.memory_space<hbm>> -> memref<128x128xf32, #tpu.memory_space<hbm>>
    %dma_wait3A_198 = arith.constant 0 : i32
    %dma_wait3A_199 = tpu.memref_slice %arg4[%add3A_191, %dma_wait3A_198] : memref<53248x128xf32, #tpu.memory_space<hbm>> -> memref<128x128xf32, #tpu.memory_space<hbm>>
    tpu.wait_dma2 semaphore(%arg11 : memref<!tpu.dma_semaphore, #tpu.memory_space<semaphore_mem>>) src(%arg7 : memref<128x128xf32, #tpu.memory_space<vmem>>) dst(%dma_wait3A_199 : memref<128x128xf32, #tpu.memory_space<hbm>>)
    %dma_start3A_200 = arith.constant 9 : i32
    %dma_start3A_201 = arith.constant 0 : i32
    %dma_start3A_202 = tpu.memref_slice %arg5[%dma_start3A_200, %dma_start3A_201] : memref<13x128xi32, #tpu.memory_space<vmem>> -> memref<1x128xi32, #tpu.memory_space<vmem>>
    %dma_start3A_203 = tpu.memref_squeeze %dma_start3A_202 : memref<1x128xi32, #tpu.memory_space<vmem>> -> memref<128xi32, #tpu.memory_space<vmem>>
    %dma_start3A_204 = arith.constant 0 : i32
    %dma_start3A_205 = arith.constant 0 : i32
    %dma_start3A_206 = tpu.memref_slice %arg2[%dma_start3A_204, %dma_start3A_205] : memref<26026x128xf32, #tpu.memory_space<hbm>> -> memref<26026x128xf32, #tpu.memory_space<hbm>>
    tpu.enqueue_indirect_dma source(%dma_start3A_206 : memref<26026x128xf32, #tpu.memory_space<hbm>>) target(%arg7 : memref<128x128xf32, #tpu.memory_space<vmem>>) offsets(%dma_start3A_203 : memref<128xi32, #tpu.memory_space<vmem>>) semaphore(%arg9 : memref<!tpu.dma_semaphore, #tpu.memory_space<semaphore_mem>>)
    %dma_wait3A_207 = arith.constant 8 : i32
    %dma_wait3A_208 = arith.constant 0 : i32
    %dma_wait3A_209 = tpu.memref_slice %arg5[%dma_wait3A_207, %dma_wait3A_208] : memref<13x128xi32, #tpu.memory_space<vmem>> -> memref<1x128xi32, #tpu.memory_space<vmem>>
    %dma_wait3A_210 = tpu.memref_squeeze %dma_wait3A_209 : memref<1x128xi32, #tpu.memory_space<vmem>> -> memref<128xi32, #tpu.memory_space<vmem>>
    %dma_wait3A_211 = arith.constant 0 : i32
    %dma_wait3A_212 = arith.constant 0 : i32
    %dma_wait3A_213 = tpu.memref_slice %arg2[%dma_wait3A_211, %dma_wait3A_212] : memref<26026x128xf32, #tpu.memory_space<hbm>> -> memref<26026x128xf32, #tpu.memory_space<hbm>>
    tpu.wait_indirect_dma semaphore(%arg8 : memref<!tpu.dma_semaphore, #tpu.memory_space<semaphore_mem>>) src(%dma_wait3A_213 : memref<26026x128xf32, #tpu.memory_space<hbm>>) dst(%arg6 : memref<128x128xf32, #tpu.memory_space<vmem>>)
    %add3A_214 = arith.constant 1024 : i32
    %add3A_215 = arith.addi %mul3A_2, %add3A_214 : i32
    %dma_start3A_216 = arith.constant 0 : i32
    %dma_start3A_217 = tpu.memref_slice %arg4[%add3A_215, %dma_start3A_216] : memref<53248x128xf32, #tpu.memory_space<hbm>> -> memref<128x128xf32, #tpu.memory_space<hbm>>
    %dma_start3A_218 = arith.constant 0 : i32
    %dma_start3A_219 = tpu.memref_slice %arg4[%add3A_215, %dma_start3A_218] : memref<53248x128xf32, #tpu.memory_space<hbm>> -> memref<128x128xf32, #tpu.memory_space<hbm>>
    tpu.enqueue_dma source(%arg6 : memref<128x128xf32, #tpu.memory_space<vmem>>) target(%dma_start3A_219 : memref<128x128xf32, #tpu.memory_space<hbm>>) target_semaphore(%arg10 : memref<!tpu.dma_semaphore, #tpu.memory_space<semaphore_mem>>)
    %dma_wait3A_220 = arith.constant 0 : i32
    %dma_wait3A_221 = tpu.memref_slice %arg4[%add3A_215, %dma_wait3A_220] : memref<53248x128xf32, #tpu.memory_space<hbm>> -> memref<128x128xf32, #tpu.memory_space<hbm>>
    %dma_wait3A_222 = arith.constant 0 : i32
    %dma_wait3A_223 = tpu.memref_slice %arg4[%add3A_215, %dma_wait3A_222] : memref<53248x128xf32, #tpu.memory_space<hbm>> -> memref<128x128xf32, #tpu.memory_space<hbm>>
    tpu.wait_dma2 semaphore(%arg10 : memref<!tpu.dma_semaphore, #tpu.memory_space<semaphore_mem>>) src(%arg6 : memref<128x128xf32, #tpu.memory_space<vmem>>) dst(%dma_wait3A_223 : memref<128x128xf32, #tpu.memory_space<hbm>>)
    %dma_start3A_224 = arith.constant 10 : i32
    %dma_start3A_225 = arith.constant 0 : i32
    %dma_start3A_226 = tpu.memref_slice %arg5[%dma_start3A_224, %dma_start3A_225] : memref<13x128xi32, #tpu.memory_space<vmem>> -> memref<1x128xi32, #tpu.memory_space<vmem>>
    %dma_start3A_227 = tpu.memref_squeeze %dma_start3A_226 : memref<1x128xi32, #tpu.memory_space<vmem>> -> memref<128xi32, #tpu.memory_space<vmem>>
    %dma_start3A_228 = arith.constant 0 : i32
    %dma_start3A_229 = arith.constant 0 : i32
    %dma_start3A_230 = tpu.memref_slice %arg2[%dma_start3A_228, %dma_start3A_229] : memref<26026x128xf32, #tpu.memory_space<hbm>> -> memref<26026x128xf32, #tpu.memory_space<hbm>>
    tpu.enqueue_indirect_dma source(%dma_start3A_230 : memref<26026x128xf32, #tpu.memory_space<hbm>>) target(%arg6 : memref<128x128xf32, #tpu.memory_space<vmem>>) offsets(%dma_start3A_227 : memref<128xi32, #tpu.memory_space<vmem>>) semaphore(%arg8 : memref<!tpu.dma_semaphore, #tpu.memory_space<semaphore_mem>>)
    %dma_wait3A_231 = arith.constant 9 : i32
    %dma_wait3A_232 = arith.constant 0 : i32
    %dma_wait3A_233 = tpu.memref_slice %arg5[%dma_wait3A_231, %dma_wait3A_232] : memref<13x128xi32, #tpu.memory_space<vmem>> -> memref<1x128xi32, #tpu.memory_space<vmem>>
    %dma_wait3A_234 = tpu.memref_squeeze %dma_wait3A_233 : memref<1x128xi32, #tpu.memory_space<vmem>> -> memref<128xi32, #tpu.memory_space<vmem>>
    %dma_wait3A_235 = arith.constant 0 : i32
    %dma_wait3A_236 = arith.constant 0 : i32
    %dma_wait3A_237 = tpu.memref_slice %arg2[%dma_wait3A_235, %dma_wait3A_236] : memref<26026x128xf32, #tpu.memory_space<hbm>> -> memref<26026x128xf32, #tpu.memory_space<hbm>>
    tpu.wait_indirect_dma semaphore(%arg9 : memref<!tpu.dma_semaphore, #tpu.memory_space<semaphore_mem>>) src(%dma_wait3A_237 : memref<26026x128xf32, #tpu.memory_space<hbm>>) dst(%arg7 : memref<128x128xf32, #tpu.memory_space<vmem>>)
    %add3A_238 = arith.constant 1152 : i32
    %add3A_239 = arith.addi %mul3A_2, %add3A_238 : i32
    %dma_start3A_240 = arith.constant 0 : i32
    %dma_start3A_241 = tpu.memref_slice %arg4[%add3A_239, %dma_start3A_240] : memref<53248x128xf32, #tpu.memory_space<hbm>> -> memref<128x128xf32, #tpu.memory_space<hbm>>
    %dma_start3A_242 = arith.constant 0 : i32
    %dma_start3A_243 = tpu.memref_slice %arg4[%add3A_239, %dma_start3A_242] : memref<53248x128xf32, #tpu.memory_space<hbm>> -> memref<128x128xf32, #tpu.memory_space<hbm>>
    tpu.enqueue_dma source(%arg7 : memref<128x128xf32, #tpu.memory_space<vmem>>) target(%dma_start3A_243 : memref<128x128xf32, #tpu.memory_space<hbm>>) target_semaphore(%arg11 : memref<!tpu.dma_semaphore, #tpu.memory_space<semaphore_mem>>)
    %dma_wait3A_244 = arith.constant 0 : i32
    %dma_wait3A_245 = tpu.memref_slice %arg4[%add3A_239, %dma_wait3A_244] : memref<53248x128xf32, #tpu.memory_space<hbm>> -> memref<128x128xf32, #tpu.memory_space<hbm>>
    %dma_wait3A_246 = arith.constant 0 : i32
    %dma_wait3A_247 = tpu.memref_slice %arg4[%add3A_239, %dma_wait3A_246] : memref<53248x128xf32, #tpu.memory_space<hbm>> -> memref<128x128xf32, #tpu.memory_space<hbm>>
    tpu.wait_dma2 semaphore(%arg11 : memref<!tpu.dma_semaphore, #tpu.memory_space<semaphore_mem>>) src(%arg7 : memref<128x128xf32, #tpu.memory_space<vmem>>) dst(%dma_wait3A_247 : memref<128x128xf32, #tpu.memory_space<hbm>>)
    %dma_start3A_248 = arith.constant 11 : i32
    %dma_start3A_249 = arith.constant 0 : i32
    %dma_start3A_250 = tpu.memref_slice %arg5[%dma_start3A_248, %dma_start3A_249] : memref<13x128xi32, #tpu.memory_space<vmem>> -> memref<1x128xi32, #tpu.memory_space<vmem>>
    %dma_start3A_251 = tpu.memref_squeeze %dma_start3A_250 : memref<1x128xi32, #tpu.memory_space<vmem>> -> memref<128xi32, #tpu.memory_space<vmem>>
    %dma_start3A_252 = arith.constant 0 : i32
    %dma_start3A_253 = arith.constant 0 : i32
    %dma_start3A_254 = tpu.memref_slice %arg2[%dma_start3A_252, %dma_start3A_253] : memref<26026x128xf32, #tpu.memory_space<hbm>> -> memref<26026x128xf32, #tpu.memory_space<hbm>>
    tpu.enqueue_indirect_dma source(%dma_start3A_254 : memref<26026x128xf32, #tpu.memory_space<hbm>>) target(%arg7 : memref<128x128xf32, #tpu.memory_space<vmem>>) offsets(%dma_start3A_251 : memref<128xi32, #tpu.memory_space<vmem>>) semaphore(%arg9 : memref<!tpu.dma_semaphore, #tpu.memory_space<semaphore_mem>>)
    %dma_wait3A_255 = arith.constant 10 : i32
    %dma_wait3A_256 = arith.constant 0 : i32
    %dma_wait3A_257 = tpu.memref_slice %arg5[%dma_wait3A_255, %dma_wait3A_256] : memref<13x128xi32, #tpu.memory_space<vmem>> -> memref<1x128xi32, #tpu.memory_space<vmem>>
    %dma_wait3A_258 = tpu.memref_squeeze %dma_wait3A_257 : memref<1x128xi32, #tpu.memory_space<vmem>> -> memref<128xi32, #tpu.memory_space<vmem>>
    %dma_wait3A_259 = arith.constant 0 : i32
    %dma_wait3A_260 = arith.constant 0 : i32
    %dma_wait3A_261 = tpu.memref_slice %arg2[%dma_wait3A_259, %dma_wait3A_260] : memref<26026x128xf32, #tpu.memory_space<hbm>> -> memref<26026x128xf32, #tpu.memory_space<hbm>>
    tpu.wait_indirect_dma semaphore(%arg8 : memref<!tpu.dma_semaphore, #tpu.memory_space<semaphore_mem>>) src(%dma_wait3A_261 : memref<26026x128xf32, #tpu.memory_space<hbm>>) dst(%arg6 : memref<128x128xf32, #tpu.memory_space<vmem>>)
    %add3A_262 = arith.constant 1280 : i32
    %add3A_263 = arith.addi %mul3A_2, %add3A_262 : i32
    %dma_start3A_264 = arith.constant 0 : i32
    %dma_start3A_265 = tpu.memref_slice %arg4[%add3A_263, %dma_start3A_264] : memref<53248x128xf32, #tpu.memory_space<hbm>> -> memref<128x128xf32, #tpu.memory_space<hbm>>
    %dma_start3A_266 = arith.constant 0 : i32
    %dma_start3A_267 = tpu.memref_slice %arg4[%add3A_263, %dma_start3A_266] : memref<53248x128xf32, #tpu.memory_space<hbm>> -> memref<128x128xf32, #tpu.memory_space<hbm>>
    tpu.enqueue_dma source(%arg6 : memref<128x128xf32, #tpu.memory_space<vmem>>) target(%dma_start3A_267 : memref<128x128xf32, #tpu.memory_space<hbm>>) target_semaphore(%arg10 : memref<!tpu.dma_semaphore, #tpu.memory_space<semaphore_mem>>)
    %dma_wait3A_268 = arith.constant 0 : i32
    %dma_wait3A_269 = tpu.memref_slice %arg4[%add3A_263, %dma_wait3A_268] : memref<53248x128xf32, #tpu.memory_space<hbm>> -> memref<128x128xf32, #tpu.memory_space<hbm>>
    %dma_wait3A_270 = arith.constant 0 : i32
    %dma_wait3A_271 = tpu.memref_slice %arg4[%add3A_263, %dma_wait3A_270] : memref<53248x128xf32, #tpu.memory_space<hbm>> -> memref<128x128xf32, #tpu.memory_space<hbm>>
    tpu.wait_dma2 semaphore(%arg10 : memref<!tpu.dma_semaphore, #tpu.memory_space<semaphore_mem>>) src(%arg6 : memref<128x128xf32, #tpu.memory_space<vmem>>) dst(%dma_wait3A_271 : memref<128x128xf32, #tpu.memory_space<hbm>>)
    %dma_start3A_272 = arith.constant 12 : i32
    %dma_start3A_273 = arith.constant 0 : i32
    %dma_start3A_274 = tpu.memref_slice %arg5[%dma_start3A_272, %dma_start3A_273] : memref<13x128xi32, #tpu.memory_space<vmem>> -> memref<1x128xi32, #tpu.memory_space<vmem>>
    %dma_start3A_275 = tpu.memref_squeeze %dma_start3A_274 : memref<1x128xi32, #tpu.memory_space<vmem>> -> memref<128xi32, #tpu.memory_space<vmem>>
    %dma_start3A_276 = arith.constant 0 : i32
    %dma_start3A_277 = arith.constant 0 : i32
    %dma_start3A_278 = tpu.memref_slice %arg2[%dma_start3A_276, %dma_start3A_277] : memref<26026x128xf32, #tpu.memory_space<hbm>> -> memref<26026x128xf32, #tpu.memory_space<hbm>>
    tpu.enqueue_indirect_dma source(%dma_start3A_278 : memref<26026x128xf32, #tpu.memory_space<hbm>>) target(%arg6 : memref<128x128xf32, #tpu.memory_space<vmem>>) offsets(%dma_start3A_275 : memref<128xi32, #tpu.memory_space<vmem>>) semaphore(%arg8 : memref<!tpu.dma_semaphore, #tpu.memory_space<semaphore_mem>>)
    %dma_wait3A_279 = arith.constant 11 : i32
    %dma_wait3A_280 = arith.constant 0 : i32
    %dma_wait3A_281 = tpu.memref_slice %arg5[%dma_wait3A_279, %dma_wait3A_280] : memref<13x128xi32, #tpu.memory_space<vmem>> -> memref<1x128xi32, #tpu.memory_space<vmem>>
    %dma_wait3A_282 = tpu.memref_squeeze %dma_wait3A_281 : memref<1x128xi32, #tpu.memory_space<vmem>> -> memref<128xi32, #tpu.memory_space<vmem>>
    %dma_wait3A_283 = arith.constant 0 : i32
    %dma_wait3A_284 = arith.constant 0 : i32
    %dma_wait3A_285 = tpu.memref_slice %arg2[%dma_wait3A_283, %dma_wait3A_284] : memref<26026x128xf32, #tpu.memory_space<hbm>> -> memref<26026x128xf32, #tpu.memory_space<hbm>>
    tpu.wait_indirect_dma semaphore(%arg9 : memref<!tpu.dma_semaphore, #tpu.memory_space<semaphore_mem>>) src(%dma_wait3A_285 : memref<26026x128xf32, #tpu.memory_space<hbm>>) dst(%arg7 : memref<128x128xf32, #tpu.memory_space<vmem>>)
    %add3A_286 = arith.constant 1408 : i32
    %add3A_287 = arith.addi %mul3A_2, %add3A_286 : i32
    %dma_start3A_288 = arith.constant 0 : i32
    %dma_start3A_289 = tpu.memref_slice %arg4[%add3A_287, %dma_start3A_288] : memref<53248x128xf32, #tpu.memory_space<hbm>> -> memref<128x128xf32, #tpu.memory_space<hbm>>
    %dma_start3A_290 = arith.constant 0 : i32
    %dma_start3A_291 = tpu.memref_slice %arg4[%add3A_287, %dma_start3A_290] : memref<53248x128xf32, #tpu.memory_space<hbm>> -> memref<128x128xf32, #tpu.memory_space<hbm>>
    tpu.enqueue_dma source(%arg7 : memref<128x128xf32, #tpu.memory_space<vmem>>) target(%dma_start3A_291 : memref<128x128xf32, #tpu.memory_space<hbm>>) target_semaphore(%arg11 : memref<!tpu.dma_semaphore, #tpu.memory_space<semaphore_mem>>)
    %dma_wait3A_292 = arith.constant 12 : i32
    %dma_wait3A_293 = arith.constant 0 : i32
    %dma_wait3A_294 = tpu.memref_slice %arg5[%dma_wait3A_292, %dma_wait3A_293] : memref<13x128xi32, #tpu.memory_space<vmem>> -> memref<1x128xi32, #tpu.memory_space<vmem>>
    %dma_wait3A_295 = tpu.memref_squeeze %dma_wait3A_294 : memref<1x128xi32, #tpu.memory_space<vmem>> -> memref<128xi32, #tpu.memory_space<vmem>>
    %dma_wait3A_296 = arith.constant 0 : i32
    %dma_wait3A_297 = arith.constant 0 : i32
    %dma_wait3A_298 = tpu.memref_slice %arg2[%dma_wait3A_296, %dma_wait3A_297] : memref<26026x128xf32, #tpu.memory_space<hbm>> -> memref<26026x128xf32, #tpu.memory_space<hbm>>
    tpu.wait_indirect_dma semaphore(%arg8 : memref<!tpu.dma_semaphore, #tpu.memory_space<semaphore_mem>>) src(%dma_wait3A_298 : memref<26026x128xf32, #tpu.memory_space<hbm>>) dst(%arg6 : memref<128x128xf32, #tpu.memory_space<vmem>>)
    %add3A_299 = arith.constant 1536 : i32
    %add3A_300 = arith.addi %mul3A_2, %add3A_299 : i32
    %dma_start3A_301 = arith.constant 0 : i32
    %dma_start3A_302 = tpu.memref_slice %arg4[%add3A_300, %dma_start3A_301] : memref<53248x128xf32, #tpu.memory_space<hbm>> -> memref<128x128xf32, #tpu.memory_space<hbm>>
    %dma_start3A_303 = arith.constant 0 : i32
    %dma_start3A_304 = tpu.memref_slice %arg4[%add3A_300, %dma_start3A_303] : memref<53248x128xf32, #tpu.memory_space<hbm>> -> memref<128x128xf32, #tpu.memory_space<hbm>>
    tpu.enqueue_dma source(%arg6 : memref<128x128xf32, #tpu.memory_space<vmem>>) target(%dma_start3A_304 : memref<128x128xf32, #tpu.memory_space<hbm>>) target_semaphore(%arg10 : memref<!tpu.dma_semaphore, #tpu.memory_space<semaphore_mem>>)
    %dma_wait3A_305 = arith.constant 0 : i32
    %dma_wait3A_306 = tpu.memref_slice %arg4[%add3A_300, %dma_wait3A_305] : memref<53248x128xf32, #tpu.memory_space<hbm>> -> memref<128x128xf32, #tpu.memory_space<hbm>>
    %dma_wait3A_307 = arith.constant 0 : i32
    %dma_wait3A_308 = tpu.memref_slice %arg4[%add3A_300, %dma_wait3A_307] : memref<53248x128xf32, #tpu.memory_space<hbm>> -> memref<128x128xf32, #tpu.memory_space<hbm>>
    tpu.wait_dma2 semaphore(%arg10 : memref<!tpu.dma_semaphore, #tpu.memory_space<semaphore_mem>>) src(%arg6 : memref<128x128xf32, #tpu.memory_space<vmem>>) dst(%dma_wait3A_308 : memref<128x128xf32, #tpu.memory_space<hbm>>)
    %dma_wait3A_309 = arith.constant 0 : i32
    %dma_wait3A_310 = tpu.memref_slice %arg4[%add3A_287, %dma_wait3A_309] : memref<53248x128xf32, #tpu.memory_space<hbm>> -> memref<128x128xf32, #tpu.memory_space<hbm>>
    %dma_wait3A_311 = arith.constant 0 : i32
    %dma_wait3A_312 = tpu.memref_slice %arg4[%add3A_287, %dma_wait3A_311] : memref<53248x128xf32, #tpu.memory_space<hbm>> -> memref<128x128xf32, #tpu.memory_space<hbm>>
    tpu.wait_dma2 semaphore(%arg11 : memref<!tpu.dma_semaphore, #tpu.memory_space<semaphore_mem>>) src(%arg7 : memref<128x128xf32, #tpu.memory_space<vmem>>) dst(%dma_wait3A_312 : memref<128x128xf32, #tpu.memory_space<hbm>>)
    return
  }
}

module attributes {stable_mosaic.version = 14 : i64} {
  func.func @_tc_body(%arg0: i32, %arg1: memref<26x512x128xf32, #tpu.memory_space<vmem>>, %arg2: memref<512x3328xf32, #tpu.memory_space<vmem>>, %arg3: memref<1x512xf32, #tpu.memory_space<vmem>>, %arg4: memref<4x128x512xf32, #tpu.memory_space<vmem>>, %arg5: memref<4x1x128xf32, #tpu.memory_space<vmem>>, %arg6: memref<4x1024x128xf32, #tpu.memory_space<vmem>>, %arg7: memref<4x1024x128xf32, #tpu.memory_space<vmem>>, %arg8: memref<2x384x128xf32, #tpu.memory_space<vmem>>, %arg9: memref<2x1x384xf32, #tpu.memory_space<vmem>>, %arg10: memref<2x128x128xf32, #tpu.memory_space<vmem>>, %arg11: memref<2x1x128xf32, #tpu.memory_space<vmem>>, %arg12: memref<2x1x128xf32, #tpu.memory_space<vmem>>, %arg13: memref<2x1x128xf32, #tpu.memory_space<vmem>>, %arg14: memref<2x512x128xf32, #tpu.memory_space<vmem>>, %arg15: memref<2x1x512xf32, #tpu.memory_space<vmem>>, %arg16: memref<2x128x512xf32, #tpu.memory_space<vmem>>, %arg17: memref<2x1x128xf32, #tpu.memory_space<vmem>>, %arg18: memref<2x1x128xf32, #tpu.memory_space<vmem>>, %arg19: memref<2x1x128xf32, #tpu.memory_space<vmem>>, %arg20: memref<512x512xf32, #tpu.memory_space<vmem>>, %arg21: memref<1x512xf32, #tpu.memory_space<vmem>>, %arg22: memref<1x512xf32, #tpu.memory_space<vmem>>, %arg23: memref<1x1xf32, #tpu.memory_space<smem>>, %arg24: memref<512x1xf32, #tpu.memory_space<vmem>>, %arg25: memref<1x1xf32, #tpu.memory_space<vmem>>, %arg26: memref<4x1024xf32, #tpu.memory_space<vmem>>) attributes {dimension_semantics = [#tpu.dimension_semantics<arbitrary>], iteration_bounds = array<i64: 4>, scalar_prefetch = 0 : i64, scratch_operands = 1 : i64, tpu.core_type = #tpu.core_type<tc>, window_params = [{transform_indices = @transform_0, window_bounds = array<i64: 26, 512, 128>}, {pipeline_mode = #tpu.pipeline_mode<synchronous>, transform_indices = @transform_1, window_bounds = array<i64: 512, 3328>}, {pipeline_mode = #tpu.pipeline_mode<synchronous>, transform_indices = @transform_2, window_bounds = array<i64: 1, 512>}, {pipeline_mode = #tpu.pipeline_mode<synchronous>, transform_indices = @transform_3, window_bounds = array<i64: 4, 128, 512>}, {pipeline_mode = #tpu.pipeline_mode<synchronous>, transform_indices = @transform_4, window_bounds = array<i64: 4, 1, 128>}, {pipeline_mode = #tpu.pipeline_mode<synchronous>, transform_indices = @transform_5, window_bounds = array<i64: 4, 1024, 128>}, {pipeline_mode = #tpu.pipeline_mode<synchronous>, transform_indices = @transform_6, window_bounds = array<i64: 4, 1024, 128>}, {pipeline_mode = #tpu.pipeline_mode<synchronous>, transform_indices = @transform_7, window_bounds = array<i64: 2, 384, 128>}, {pipeline_mode = #tpu.pipeline_mode<synchronous>, transform_indices = @transform_8, window_bounds = array<i64: 2, 1, 384>}, {pipeline_mode = #tpu.pipeline_mode<synchronous>, transform_indices = @transform_9, window_bounds = array<i64: 2, 128, 128>}, {pipeline_mode = #tpu.pipeline_mode<synchronous>, transform_indices = @transform_10, window_bounds = array<i64: 2, 1, 128>}, {pipeline_mode = #tpu.pipeline_mode<synchronous>, transform_indices = @transform_11, window_bounds = array<i64: 2, 1, 128>}, {pipeline_mode = #tpu.pipeline_mode<synchronous>, transform_indices = @transform_12, window_bounds = array<i64: 2, 1, 128>}, {pipeline_mode = #tpu.pipeline_mode<synchronous>, transform_indices = @transform_13, window_bounds = array<i64: 2, 512, 128>}, {pipeline_mode = #tpu.pipeline_mode<synchronous>, transform_indices = @transform_14, window_bounds = array<i64: 2, 1, 512>}, {pipeline_mode = #tpu.pipeline_mode<synchronous>, transform_indices = @transform_15, window_bounds = array<i64: 2, 128, 512>}, {pipeline_mode = #tpu.pipeline_mode<synchronous>, transform_indices = @transform_16, window_bounds = array<i64: 2, 1, 128>}, {pipeline_mode = #tpu.pipeline_mode<synchronous>, transform_indices = @transform_17, window_bounds = array<i64: 2, 1, 128>}, {pipeline_mode = #tpu.pipeline_mode<synchronous>, transform_indices = @transform_18, window_bounds = array<i64: 2, 1, 128>}, {pipeline_mode = #tpu.pipeline_mode<synchronous>, transform_indices = @transform_19, window_bounds = array<i64: 512, 512>}, {pipeline_mode = #tpu.pipeline_mode<synchronous>, transform_indices = @transform_20, window_bounds = array<i64: 1, 512>}, {pipeline_mode = #tpu.pipeline_mode<synchronous>, transform_indices = @transform_21, window_bounds = array<i64: 1, 512>}, {transform_indices = @transform_22, window_bounds = array<i64: 1, 1>}, {transform_indices = @transform_23, window_bounds = array<i64: 512, 1>}, {pipeline_mode = #tpu.pipeline_mode<synchronous>, transform_indices = @transform_24, window_bounds = array<i64: 1, 1>}]} {
    %eq3A = arith.constant 0 : i32
    %eq3A_0 = arith.cmpi eq, %arg0, %eq3A : i32
    %convert_element_type3A = arith.extui %eq3A_0 : i1 to i32
    %cond3A = arith.constant 0 : i32
    %cond3A_1 = arith.cmpi ne, %convert_element_type3A, %cond3A : i32
    scf.if %cond3A_1 {
      %get3A_1219 = arith.constant 0 : index
      %get3A_1220 = arith.constant 0 : index
      %get3A_1221 = arith.constant 0 : index
      %get3A_1222 = vector.load %arg6[%get3A_1219, %get3A_1220, %get3A_1221] : memref<4x1024x128xf32, #tpu.memory_space<vmem>>, vector<1x1024x128xf32>
      %get3A_1223 = vector.shape_cast %get3A_1222 : vector<1x1024x128xf32> to vector<1024x128xf32>
      %get3A_1224 = arith.constant 0 : index
      %get3A_1225 = arith.constant 0 : index
      %get3A_1226 = arith.constant 0 : index
      %get3A_1227 = vector.load %arg6[%get3A_1224, %get3A_1225, %get3A_1226] : memref<4x1024x128xf32, #tpu.memory_space<vmem>>, vector<1x1024x128xf32>
      %get3A_1228 = vector.shape_cast %get3A_1227 : vector<1x1024x128xf32> to vector<1024x128xf32>
      %mul3A_1229 = arith.mulf %get3A_1223, %get3A_1228 : vector<1024x128xf32>
      %reduce_sum3A_1230 = arith.constant dense<0.000000e+00> : vector<1024xf32>
      %reduce_sum3A_1231 = vector.multi_reduction <add>, %mul3A_1229, %reduce_sum3A_1230 [1] : vector<1024x128xf32> to vector<1024xf32>
      %broadcast_in_dim3A_1232 = vector.shape_cast %reduce_sum3A_1231 : vector<1024xf32> to vector<1x1024xf32>
      %swap3A_1233 = arith.constant 0 : index
      %swap3A_1234 = arith.constant 0 : index
      %swap3A_1235 = vector.load %arg26[%swap3A_1233, %swap3A_1234] : memref<4x1024xf32, #tpu.memory_space<vmem>>, vector<1x1024xf32>
      tpu.vector_store %arg26[%swap3A_1233, %swap3A_1234], %broadcast_in_dim3A_1232 {strides = array<i32>} : memref<4x1024xf32, #tpu.memory_space<vmem>>, vector<1x1024xf32>,
      %get3A_1236 = arith.constant 1 : index
      %get3A_1237 = arith.constant 0 : index
      %get3A_1238 = arith.constant 0 : index
      %get3A_1239 = vector.load %arg6[%get3A_1236, %get3A_1237, %get3A_1238] : memref<4x1024x128xf32, #tpu.memory_space<vmem>>, vector<1x1024x128xf32>
      %get3A_1240 = vector.shape_cast %get3A_1239 : vector<1x1024x128xf32> to vector<1024x128xf32>
      %get3A_1241 = arith.constant 1 : index
      %get3A_1242 = arith.constant 0 : index
      %get3A_1243 = arith.constant 0 : index
      %get3A_1244 = vector.load %arg6[%get3A_1241, %get3A_1242, %get3A_1243] : memref<4x1024x128xf32, #tpu.memory_space<vmem>>, vector<1x1024x128xf32>
      %get3A_1245 = vector.shape_cast %get3A_1244 : vector<1x1024x128xf32> to vector<1024x128xf32>
      %mul3A_1246 = arith.mulf %get3A_1240, %get3A_1245 : vector<1024x128xf32>
      %reduce_sum3A_1247 = arith.constant dense<0.000000e+00> : vector<1024xf32>
      %reduce_sum3A_1248 = vector.multi_reduction <add>, %mul3A_1246, %reduce_sum3A_1247 [1] : vector<1024x128xf32> to vector<1024xf32>
      %broadcast_in_dim3A_1249 = vector.shape_cast %reduce_sum3A_1248 : vector<1024xf32> to vector<1x1024xf32>
      %swap3A_1250 = arith.constant 1 : index
      %swap3A_1251 = arith.constant 0 : index
      %swap3A_1252 = vector.load %arg26[%swap3A_1250, %swap3A_1251] : memref<4x1024xf32, #tpu.memory_space<vmem>>, vector<1x1024xf32>
      tpu.vector_store %arg26[%swap3A_1250, %swap3A_1251], %broadcast_in_dim3A_1249 {strides = array<i32>} : memref<4x1024xf32, #tpu.memory_space<vmem>>, vector<1x1024xf32>,
      %get3A_1253 = arith.constant 2 : index
      %get3A_1254 = arith.constant 0 : index
      %get3A_1255 = arith.constant 0 : index
      %get3A_1256 = vector.load %arg6[%get3A_1253, %get3A_1254, %get3A_1255] : memref<4x1024x128xf32, #tpu.memory_space<vmem>>, vector<1x1024x128xf32>
      %get3A_1257 = vector.shape_cast %get3A_1256 : vector<1x1024x128xf32> to vector<1024x128xf32>
      %get3A_1258 = arith.constant 2 : index
      %get3A_1259 = arith.constant 0 : index
      %get3A_1260 = arith.constant 0 : index
      %get3A_1261 = vector.load %arg6[%get3A_1258, %get3A_1259, %get3A_1260] : memref<4x1024x128xf32, #tpu.memory_space<vmem>>, vector<1x1024x128xf32>
      %get3A_1262 = vector.shape_cast %get3A_1261 : vector<1x1024x128xf32> to vector<1024x128xf32>
      %mul3A_1263 = arith.mulf %get3A_1257, %get3A_1262 : vector<1024x128xf32>
      %reduce_sum3A_1264 = arith.constant dense<0.000000e+00> : vector<1024xf32>
      %reduce_sum3A_1265 = vector.multi_reduction <add>, %mul3A_1263, %reduce_sum3A_1264 [1] : vector<1024x128xf32> to vector<1024xf32>
      %broadcast_in_dim3A_1266 = vector.shape_cast %reduce_sum3A_1265 : vector<1024xf32> to vector<1x1024xf32>
      %swap3A_1267 = arith.constant 2 : index
      %swap3A_1268 = arith.constant 0 : index
      %swap3A_1269 = vector.load %arg26[%swap3A_1267, %swap3A_1268] : memref<4x1024xf32, #tpu.memory_space<vmem>>, vector<1x1024xf32>
      tpu.vector_store %arg26[%swap3A_1267, %swap3A_1268], %broadcast_in_dim3A_1266 {strides = array<i32>} : memref<4x1024xf32, #tpu.memory_space<vmem>>, vector<1x1024xf32>,
      %get3A_1270 = arith.constant 3 : index
      %get3A_1271 = arith.constant 0 : index
      %get3A_1272 = arith.constant 0 : index
      %get3A_1273 = vector.load %arg6[%get3A_1270, %get3A_1271, %get3A_1272] : memref<4x1024x128xf32, #tpu.memory_space<vmem>>, vector<1x1024x128xf32>
      %get3A_1274 = vector.shape_cast %get3A_1273 : vector<1x1024x128xf32> to vector<1024x128xf32>
      %get3A_1275 = arith.constant 3 : index
      %get3A_1276 = arith.constant 0 : index
      %get3A_1277 = arith.constant 0 : index
      %get3A_1278 = vector.load %arg6[%get3A_1275, %get3A_1276, %get3A_1277] : memref<4x1024x128xf32, #tpu.memory_space<vmem>>, vector<1x1024x128xf32>
      %get3A_1279 = vector.shape_cast %get3A_1278 : vector<1x1024x128xf32> to vector<1024x128xf32>
      %mul3A_1280 = arith.mulf %get3A_1274, %get3A_1279 : vector<1024x128xf32>
      %reduce_sum3A_1281 = arith.constant dense<0.000000e+00> : vector<1024xf32>
      %reduce_sum3A_1282 = vector.multi_reduction <add>, %mul3A_1280, %reduce_sum3A_1281 [1] : vector<1024x128xf32> to vector<1024xf32>
      %broadcast_in_dim3A_1283 = vector.shape_cast %reduce_sum3A_1282 : vector<1024xf32> to vector<1x1024xf32>
      %swap3A_1284 = arith.constant 3 : index
      %swap3A_1285 = arith.constant 0 : index
      %swap3A_1286 = vector.load %arg26[%swap3A_1284, %swap3A_1285] : memref<4x1024xf32, #tpu.memory_space<vmem>>, vector<1x1024xf32>
      tpu.vector_store %arg26[%swap3A_1284, %swap3A_1285], %broadcast_in_dim3A_1283 {strides = array<i32>} : memref<4x1024xf32, #tpu.memory_space<vmem>>, vector<1x1024xf32>,
    } else {
    }
    %get3A = arith.constant 0 : index
    %get3A_2 = arith.constant 0 : index
    %get3A_3 = arith.constant 0 : index
    %get3A_4 = vector.load %arg1[%get3A, %get3A_2, %get3A_3] : memref<26x512x128xf32, #tpu.memory_space<vmem>>, vector<26x512x128xf32>
    %slice3A = vector.extract_strided_slice %get3A_4 {offsets = [0, 0, 0], sizes = [1, 512, 128], strides = [1, 1, 1]} : vector<26x512x128xf32> to vector<1x512x128xf32>
    %squeeze3A = vector.shape_cast %slice3A : vector<1x512x128xf32> to vector<512x128xf32>
    %slice3A_5 = vector.extract_strided_slice %get3A_4 {offsets = [1, 0, 0], sizes = [1, 512, 128], strides = [1, 1, 1]} : vector<26x512x128xf32> to vector<1x512x128xf32>
    %squeeze3A_6 = vector.shape_cast %slice3A_5 : vector<1x512x128xf32> to vector<512x128xf32>
    %slice3A_7 = vector.extract_strided_slice %get3A_4 {offsets = [2, 0, 0], sizes = [1, 512, 128], strides = [1, 1, 1]} : vector<26x512x128xf32> to vector<1x512x128xf32>
    %squeeze3A_8 = vector.shape_cast %slice3A_7 : vector<1x512x128xf32> to vector<512x128xf32>
    %slice3A_9 = vector.extract_strided_slice %get3A_4 {offsets = [3, 0, 0], sizes = [1, 512, 128], strides = [1, 1, 1]} : vector<26x512x128xf32> to vector<1x512x128xf32>
    %squeeze3A_10 = vector.shape_cast %slice3A_9 : vector<1x512x128xf32> to vector<512x128xf32>
    %slice3A_11 = vector.extract_strided_slice %get3A_4 {offsets = [4, 0, 0], sizes = [1, 512, 128], strides = [1, 1, 1]} : vector<26x512x128xf32> to vector<1x512x128xf32>
    %squeeze3A_12 = vector.shape_cast %slice3A_11 : vector<1x512x128xf32> to vector<512x128xf32>
    %slice3A_13 = vector.extract_strided_slice %get3A_4 {offsets = [5, 0, 0], sizes = [1, 512, 128], strides = [1, 1, 1]} : vector<26x512x128xf32> to vector<1x512x128xf32>
    %squeeze3A_14 = vector.shape_cast %slice3A_13 : vector<1x512x128xf32> to vector<512x128xf32>
    %slice3A_15 = vector.extract_strided_slice %get3A_4 {offsets = [6, 0, 0], sizes = [1, 512, 128], strides = [1, 1, 1]} : vector<26x512x128xf32> to vector<1x512x128xf32>
    %squeeze3A_16 = vector.shape_cast %slice3A_15 : vector<1x512x128xf32> to vector<512x128xf32>
    %slice3A_17 = vector.extract_strided_slice %get3A_4 {offsets = [7, 0, 0], sizes = [1, 512, 128], strides = [1, 1, 1]} : vector<26x512x128xf32> to vector<1x512x128xf32>
    %squeeze3A_18 = vector.shape_cast %slice3A_17 : vector<1x512x128xf32> to vector<512x128xf32>
    %slice3A_19 = vector.extract_strided_slice %get3A_4 {offsets = [8, 0, 0], sizes = [1, 512, 128], strides = [1, 1, 1]} : vector<26x512x128xf32> to vector<1x512x128xf32>
    %squeeze3A_20 = vector.shape_cast %slice3A_19 : vector<1x512x128xf32> to vector<512x128xf32>
    %slice3A_21 = vector.extract_strided_slice %get3A_4 {offsets = [9, 0, 0], sizes = [1, 512, 128], strides = [1, 1, 1]} : vector<26x512x128xf32> to vector<1x512x128xf32>
    %squeeze3A_22 = vector.shape_cast %slice3A_21 : vector<1x512x128xf32> to vector<512x128xf32>
    %slice3A_23 = vector.extract_strided_slice %get3A_4 {offsets = [10, 0, 0], sizes = [1, 512, 128], strides = [1, 1, 1]} : vector<26x512x128xf32> to vector<1x512x128xf32>
    %squeeze3A_24 = vector.shape_cast %slice3A_23 : vector<1x512x128xf32> to vector<512x128xf32>
    %slice3A_25 = vector.extract_strided_slice %get3A_4 {offsets = [11, 0, 0], sizes = [1, 512, 128], strides = [1, 1, 1]} : vector<26x512x128xf32> to vector<1x512x128xf32>
    %squeeze3A_26 = vector.shape_cast %slice3A_25 : vector<1x512x128xf32> to vector<512x128xf32>
    %slice3A_27 = vector.extract_strided_slice %get3A_4 {offsets = [12, 0, 0], sizes = [1, 512, 128], strides = [1, 1, 1]} : vector<26x512x128xf32> to vector<1x512x128xf32>
    %squeeze3A_28 = vector.shape_cast %slice3A_27 : vector<1x512x128xf32> to vector<512x128xf32>
    %slice3A_29 = vector.extract_strided_slice %get3A_4 {offsets = [13, 0, 0], sizes = [1, 512, 128], strides = [1, 1, 1]} : vector<26x512x128xf32> to vector<1x512x128xf32>
    %squeeze3A_30 = vector.shape_cast %slice3A_29 : vector<1x512x128xf32> to vector<512x128xf32>
    %slice3A_31 = vector.extract_strided_slice %get3A_4 {offsets = [14, 0, 0], sizes = [1, 512, 128], strides = [1, 1, 1]} : vector<26x512x128xf32> to vector<1x512x128xf32>
    %squeeze3A_32 = vector.shape_cast %slice3A_31 : vector<1x512x128xf32> to vector<512x128xf32>
    %slice3A_33 = vector.extract_strided_slice %get3A_4 {offsets = [15, 0, 0], sizes = [1, 512, 128], strides = [1, 1, 1]} : vector<26x512x128xf32> to vector<1x512x128xf32>
    %squeeze3A_34 = vector.shape_cast %slice3A_33 : vector<1x512x128xf32> to vector<512x128xf32>
    %slice3A_35 = vector.extract_strided_slice %get3A_4 {offsets = [16, 0, 0], sizes = [1, 512, 128], strides = [1, 1, 1]} : vector<26x512x128xf32> to vector<1x512x128xf32>
    %squeeze3A_36 = vector.shape_cast %slice3A_35 : vector<1x512x128xf32> to vector<512x128xf32>
    %slice3A_37 = vector.extract_strided_slice %get3A_4 {offsets = [17, 0, 0], sizes = [1, 512, 128], strides = [1, 1, 1]} : vector<26x512x128xf32> to vector<1x512x128xf32>
    %squeeze3A_38 = vector.shape_cast %slice3A_37 : vector<1x512x128xf32> to vector<512x128xf32>
    %slice3A_39 = vector.extract_strided_slice %get3A_4 {offsets = [18, 0, 0], sizes = [1, 512, 128], strides = [1, 1, 1]} : vector<26x512x128xf32> to vector<1x512x128xf32>
    %squeeze3A_40 = vector.shape_cast %slice3A_39 : vector<1x512x128xf32> to vector<512x128xf32>
    %slice3A_41 = vector.extract_strided_slice %get3A_4 {offsets = [19, 0, 0], sizes = [1, 512, 128], strides = [1, 1, 1]} : vector<26x512x128xf32> to vector<1x512x128xf32>
    %squeeze3A_42 = vector.shape_cast %slice3A_41 : vector<1x512x128xf32> to vector<512x128xf32>
    %slice3A_43 = vector.extract_strided_slice %get3A_4 {offsets = [20, 0, 0], sizes = [1, 512, 128], strides = [1, 1, 1]} : vector<26x512x128xf32> to vector<1x512x128xf32>
    %squeeze3A_44 = vector.shape_cast %slice3A_43 : vector<1x512x128xf32> to vector<512x128xf32>
    %slice3A_45 = vector.extract_strided_slice %get3A_4 {offsets = [21, 0, 0], sizes = [1, 512, 128], strides = [1, 1, 1]} : vector<26x512x128xf32> to vector<1x512x128xf32>
    %squeeze3A_46 = vector.shape_cast %slice3A_45 : vector<1x512x128xf32> to vector<512x128xf32>
    %slice3A_47 = vector.extract_strided_slice %get3A_4 {offsets = [22, 0, 0], sizes = [1, 512, 128], strides = [1, 1, 1]} : vector<26x512x128xf32> to vector<1x512x128xf32>
    %squeeze3A_48 = vector.shape_cast %slice3A_47 : vector<1x512x128xf32> to vector<512x128xf32>
    %slice3A_49 = vector.extract_strided_slice %get3A_4 {offsets = [23, 0, 0], sizes = [1, 512, 128], strides = [1, 1, 1]} : vector<26x512x128xf32> to vector<1x512x128xf32>
    %squeeze3A_50 = vector.shape_cast %slice3A_49 : vector<1x512x128xf32> to vector<512x128xf32>
    %slice3A_51 = vector.extract_strided_slice %get3A_4 {offsets = [24, 0, 0], sizes = [1, 512, 128], strides = [1, 1, 1]} : vector<26x512x128xf32> to vector<1x512x128xf32>
    %squeeze3A_52 = vector.shape_cast %slice3A_51 : vector<1x512x128xf32> to vector<512x128xf32>
    %slice3A_53 = vector.extract_strided_slice %get3A_4 {offsets = [25, 0, 0], sizes = [1, 512, 128], strides = [1, 1, 1]} : vector<26x512x128xf32> to vector<1x512x128xf32>
    %squeeze3A_54 = vector.shape_cast %slice3A_53 : vector<1x512x128xf32> to vector<512x128xf32>
    %concatenate3A = tpu.concatenate %squeeze3A, %squeeze3A_6, %squeeze3A_8, %squeeze3A_10, %squeeze3A_12, %squeeze3A_14, %squeeze3A_16, %squeeze3A_18, %squeeze3A_20, %squeeze3A_22, %squeeze3A_24, %squeeze3A_26, %squeeze3A_28, %squeeze3A_30, %squeeze3A_32, %squeeze3A_34, %squeeze3A_36, %squeeze3A_38, %squeeze3A_40, %squeeze3A_42, %squeeze3A_44, %squeeze3A_46, %squeeze3A_48, %squeeze3A_50, %squeeze3A_52, %squeeze3A_54 in 1 : vector<512x128xf32>, vector<512x128xf32>, vector<512x128xf32>, vector<512x128xf32>, vector<512x128xf32>, vector<512x128xf32>, vector<512x128xf32>, vector<512x128xf32>, vector<512x128xf32>, vector<512x128xf32>, vector<512x128xf32>, vector<512x128xf32>, vector<512x128xf32>, vector<512x128xf32>, vector<512x128xf32>, vector<512x128xf32>, vector<512x128xf32>, vector<512x128xf32>, vector<512x128xf32>, vector<512x128xf32>, vector<512x128xf32>, vector<512x128xf32>, vector<512x128xf32>, vector<512x128xf32>, vector<512x128xf32>, vector<512x128xf32> -> vector<512x3328xf32>
    %get3A_55 = arith.constant 0 : index
    %get3A_56 = arith.constant 0 : index
    %get3A_57 = vector.load %arg2[%get3A_55, %get3A_56] : memref<512x3328xf32, #tpu.memory_space<vmem>>, vector<512x3328xf32>
    %dot_general3A = arith.constant dense<0.000000e+00> : vector<512x512xf32>
    %dot_general3A_58 = tpu.matmul %concatenate3A, %get3A_57, %dot_general3A {dimension_numbers = #tpu.dot_dimension_numbers<[1], [1], [0], [0], [0, 0, 1, 0], [], []>, transpose_lhs_hint = false} : vector<512x3328xf32>, vector<512x3328xf32>, vector<512x512xf32> -> vector<512x512xf32>
    %get3A_59 = arith.constant 0 : index
    %get3A_60 = arith.constant 0 : index
    %get3A_61 = vector.load %arg3[%get3A_59, %get3A_60] : memref<1x512xf32, #tpu.memory_space<vmem>>, vector<1x512xf32>
    %add3A = vector.broadcast %get3A_61 : vector<1x512xf32> to vector<512x512xf32>
    %add3A_62 = arith.addf %dot_general3A_58, %add3A : vector<512x512xf32>
    %max3A = arith.constant 0.000000e+00 : f32
    %max3A_63 = vector.broadcast %max3A : f32 to vector<512x512xf32>
    %max3A_64 = arith.maximumf %add3A_62, %max3A_63 : vector<512x512xf32>
    %iota3A = tpu.iota {dimensions = array<i32: 1>} : vector<512x1024xi32>
    %get3A_65 = arith.constant 0 : index
    %get3A_66 = arith.constant 0 : index
    %get3A_67 = arith.constant 0 : index
    %get3A_68 = vector.load %arg4[%get3A_65, %get3A_66, %get3A_67] : memref<4x128x512xf32, #tpu.memory_space<vmem>>, vector<1x128x512xf32>
    %get3A_69 = vector.shape_cast %get3A_68 : vector<1x128x512xf32> to vector<128x512xf32>
    %dot_general3A_70 = arith.constant dense<0.000000e+00> : vector<512x128xf32>
    %dot_general3A_71 = tpu.matmul %max3A_64, %get3A_69, %dot_general3A_70 {dimension_numbers = #tpu.dot_dimension_numbers<[1], [1], [0], [0], [0, 0, 1, 0], [], []>, transpose_lhs_hint = false} : vector<512x512xf32>, vector<128x512xf32>, vector<512x128xf32> -> vector<512x128xf32>
    %get3A_72 = arith.constant 0 : index
    %get3A_73 = arith.constant 0 : index
    %get3A_74 = arith.constant 0 : index
    %get3A_75 = vector.load %arg5[%get3A_72, %get3A_73, %get3A_74] : memref<4x1x128xf32, #tpu.memory_space<vmem>>, vector<1x1x128xf32>
    %get3A_76 = vector.shape_cast %get3A_75 : vector<1x1x128xf32> to vector<1x128xf32>
    %add3A_77 = vector.broadcast %get3A_76 : vector<1x128xf32> to vector<512x128xf32>
    %add3A_78 = arith.addf %dot_general3A_71, %add3A_77 : vector<512x128xf32>
    %get3A_79 = arith.constant 0 : index
    %get3A_80 = arith.constant 0 : index
    %get3A_81 = arith.constant 0 : index
    %get3A_82 = vector.load %arg6[%get3A_79, %get3A_80, %get3A_81] : memref<4x1024x128xf32, #tpu.memory_space<vmem>>, vector<1x1024x128xf32>
    %get3A_83 = vector.shape_cast %get3A_82 : vector<1x1024x128xf32> to vector<1024x128xf32>
    %dot_general3A_84 = arith.constant dense<0.000000e+00> : vector<512x1024xf32>
    %dot_general3A_85 = tpu.matmul %add3A_78, %get3A_83, %dot_general3A_84 {dimension_numbers = #tpu.dot_dimension_numbers<[1], [1], [0], [0], [0, 0, 1, 0], [], []>, transpose_lhs_hint = false} : vector<512x128xf32>, vector<1024x128xf32>, vector<512x1024xf32> -> vector<512x1024xf32>
    %mul3A = arith.mulf %add3A_78, %add3A_78 : vector<512x128xf32>
    %reduce_sum3A = arith.constant dense<0.000000e+00> : vector<512xf32>
    %reduce_sum3A_86 = vector.multi_reduction <add>, %mul3A, %reduce_sum3A [1] : vector<512x128xf32> to vector<512xf32>
    %broadcast_in_dim3A = vector.shape_cast %reduce_sum3A_86 : vector<512xf32> to vector<512x1xf32>
    %get3A_87 = arith.constant 0 : index
    %get3A_88 = arith.constant 0 : index
    %get3A_89 = vector.load %arg26[%get3A_87, %get3A_88] : memref<4x1024xf32, #tpu.memory_space<vmem>>, vector<1x1024xf32>
    %mul3A_90 = arith.constant 2.000000e+00 : f32
    %mul3A_91 = vector.broadcast %mul3A_90 : f32 to vector<512x1024xf32>
    %mul3A_92 = arith.mulf %mul3A_91, %dot_general3A_85 : vector<512x1024xf32>
    %sub3A = vector.broadcast %broadcast_in_dim3A : vector<512x1xf32> to vector<512x1024xf32>
    %sub3A_93 = arith.subf %sub3A, %mul3A_92 : vector<512x1024xf32>
    %add3A_94 = vector.broadcast %get3A_89 : vector<1x1024xf32> to vector<512x1024xf32>
    %add3A_95 = arith.addf %sub3A_93, %add3A_94 : vector<512x1024xf32>
    %reduce_min3A = arith.constant dense<0x7F800000> : vector<512xf32>
    %reduce_min3A_96 = vector.multi_reduction <minimumf>, %add3A_95, %reduce_min3A [1] : vector<512x1024xf32> to vector<512xf32>
    %broadcast_in_dim3A_97 = vector.shape_cast %reduce_min3A_96 : vector<512xf32> to vector<512x1xf32>
    %reduce_sum3A_98 = vector.shape_cast %broadcast_in_dim3A_97 : vector<512x1xf32> to vector<1x512x1xf32>
    %reduce_sum3A_99 = arith.constant dense<0.000000e+00> : vector<1xf32>
    %reduce_sum3A_100 = vector.multi_reduction <add>, %reduce_sum3A_98, %reduce_sum3A_99 [1, 2] : vector<1x512x1xf32> to vector<1xf32>
    %reduce_sum3A_101 = vector.shape_cast %reduce_sum3A_100 : vector<1xf32> to vector<1x1x1xf32>
    %reduce_sum3A_102 = vector.extract %reduce_sum3A_101[0, 0, 0] : f32 from vector<1x1x1xf32>
    %add3A_103 = arith.constant 0.000000e+00 : f32
    %add3A_104 = arith.addf %add3A_103, %reduce_sum3A_102 : f32
    %eq3A_105 = vector.broadcast %broadcast_in_dim3A_97 : vector<512x1xf32> to vector<512x1024xf32>
    %eq3A_106 = arith.cmpf oeq, %add3A_95, %eq3A_105 : vector<512x1024xf32>
    %jit3A = arith.constant 1024 : i32
    %broadcast_in_dim3A_107 = vector.broadcast %jit3A : i32 to vector<512x1024xi32>
    %select_n3A = arith.select %eq3A_106, %iota3A, %broadcast_in_dim3A_107 : vector<512x1024xi1>, vector<512x1024xi32>
    %reduce_min3A_108 = arith.constant dense<2147483647> : vector<512xi32>
    %reduce_min3A_109 = vector.multi_reduction <minsi>, %select_n3A, %reduce_min3A_108 [1] : vector<512x1024xi32> to vector<512xi32>
    %broadcast_in_dim3A_110 = vector.shape_cast %reduce_min3A_109 : vector<512xi32> to vector<512x1xi32>
    %eq3A_111 = vector.broadcast %broadcast_in_dim3A_110 : vector<512x1xi32> to vector<512x1024xi32>
    %eq3A_112 = arith.cmpi eq, %iota3A, %eq3A_111 : vector<512x1024xi32>
    %convert_element_type3A_113 = arith.extui %eq3A_112 : vector<512x1024xi1> to vector<512x1024xi32>
    %convert_element_type3A_114 = arith.sitofp %convert_element_type3A_113 : vector<512x1024xi32> to vector<512x1024xf32>
    %get3A_115 = arith.constant 0 : index
    %get3A_116 = arith.constant 0 : index
    %get3A_117 = arith.constant 0 : index
    %get3A_118 = vector.load %arg7[%get3A_115, %get3A_116, %get3A_117] : memref<4x1024x128xf32, #tpu.memory_space<vmem>>, vector<1x1024x128xf32>
    %get3A_119 = vector.shape_cast %get3A_118 : vector<1x1024x128xf32> to vector<1024x128xf32>
    %dot_general3A_120 = arith.constant dense<0.000000e+00> : vector<512x128xf32>
    %dot_general3A_121 = tpu.matmul %convert_element_type3A_114, %get3A_119, %dot_general3A_120 {dimension_numbers = #tpu.dot_dimension_numbers<[1], [0], [0], [1], [0, 0, 1, 1], [], []>, transpose_lhs_hint = false} : vector<512x1024xf32>, vector<1024x128xf32>, vector<512x128xf32> -> vector<512x128xf32>
    %get3A_122 = arith.constant 1 : index
    %get3A_123 = arith.constant 0 : index
    %get3A_124 = arith.constant 0 : index
    %get3A_125 = vector.load %arg4[%get3A_122, %get3A_123, %get3A_124] : memref<4x128x512xf32, #tpu.memory_space<vmem>>, vector<1x128x512xf32>
    %get3A_126 = vector.shape_cast %get3A_125 : vector<1x128x512xf32> to vector<128x512xf32>
    %dot_general3A_127 = arith.constant dense<0.000000e+00> : vector<512x128xf32>
    %dot_general3A_128 = tpu.matmul %max3A_64, %get3A_126, %dot_general3A_127 {dimension_numbers = #tpu.dot_dimension_numbers<[1], [1], [0], [0], [0, 0, 1, 0], [], []>, transpose_lhs_hint = false} : vector<512x512xf32>, vector<128x512xf32>, vector<512x128xf32> -> vector<512x128xf32>
    %get3A_129 = arith.constant 1 : index
    %get3A_130 = arith.constant 0 : index
    %get3A_131 = arith.constant 0 : index
    %get3A_132 = vector.load %arg5[%get3A_129, %get3A_130, %get3A_131] : memref<4x1x128xf32, #tpu.memory_space<vmem>>, vector<1x1x128xf32>
    %get3A_133 = vector.shape_cast %get3A_132 : vector<1x1x128xf32> to vector<1x128xf32>
    %add3A_134 = vector.broadcast %get3A_133 : vector<1x128xf32> to vector<512x128xf32>
    %add3A_135 = arith.addf %dot_general3A_128, %add3A_134 : vector<512x128xf32>
    %get3A_136 = arith.constant 1 : index
    %get3A_137 = arith.constant 0 : index
    %get3A_138 = arith.constant 0 : index
    %get3A_139 = vector.load %arg6[%get3A_136, %get3A_137, %get3A_138] : memref<4x1024x128xf32, #tpu.memory_space<vmem>>, vector<1x1024x128xf32>
    %get3A_140 = vector.shape_cast %get3A_139 : vector<1x1024x128xf32> to vector<1024x128xf32>
    %dot_general3A_141 = arith.constant dense<0.000000e+00> : vector<512x1024xf32>
    %dot_general3A_142 = tpu.matmul %add3A_135, %get3A_140, %dot_general3A_141 {dimension_numbers = #tpu.dot_dimension_numbers<[1], [1], [0], [0], [0, 0, 1, 0], [], []>, transpose_lhs_hint = false} : vector<512x128xf32>, vector<1024x128xf32>, vector<512x1024xf32> -> vector<512x1024xf32>
    %mul3A_143 = arith.mulf %add3A_135, %add3A_135 : vector<512x128xf32>
    %reduce_sum3A_144 = arith.constant dense<0.000000e+00> : vector<512xf32>
    %reduce_sum3A_145 = vector.multi_reduction <add>, %mul3A_143, %reduce_sum3A_144 [1] : vector<512x128xf32> to vector<512xf32>
    %broadcast_in_dim3A_146 = vector.shape_cast %reduce_sum3A_145 : vector<512xf32> to vector<512x1xf32>
    %get3A_147 = arith.constant 1 : index
    %get3A_148 = arith.constant 0 : index
    %get3A_149 = vector.load %arg26[%get3A_147, %get3A_148] : memref<4x1024xf32, #tpu.memory_space<vmem>>, vector<1x1024xf32>
    %mul3A_150 = arith.constant 2.000000e+00 : f32
    %mul3A_151 = vector.broadcast %mul3A_150 : f32 to vector<512x1024xf32>
    %mul3A_152 = arith.mulf %mul3A_151, %dot_general3A_142 : vector<512x1024xf32>
    %sub3A_153 = vector.broadcast %broadcast_in_dim3A_146 : vector<512x1xf32> to vector<512x1024xf32>
    %sub3A_154 = arith.subf %sub3A_153, %mul3A_152 : vector<512x1024xf32>
    %add3A_155 = vector.broadcast %get3A_149 : vector<1x1024xf32> to vector<512x1024xf32>
    %add3A_156 = arith.addf %sub3A_154, %add3A_155 : vector<512x1024xf32>
    %reduce_min3A_157 = arith.constant dense<0x7F800000> : vector<512xf32>
    %reduce_min3A_158 = vector.multi_reduction <minimumf>, %add3A_156, %reduce_min3A_157 [1] : vector<512x1024xf32> to vector<512xf32>
    %broadcast_in_dim3A_159 = vector.shape_cast %reduce_min3A_158 : vector<512xf32> to vector<512x1xf32>
    %reduce_sum3A_160 = vector.shape_cast %broadcast_in_dim3A_159 : vector<512x1xf32> to vector<1x512x1xf32>
    %reduce_sum3A_161 = arith.constant dense<0.000000e+00> : vector<1xf32>
    %reduce_sum3A_162 = vector.multi_reduction <add>, %reduce_sum3A_160, %reduce_sum3A_161 [1, 2] : vector<1x512x1xf32> to vector<1xf32>
    %reduce_sum3A_163 = vector.shape_cast %reduce_sum3A_162 : vector<1xf32> to vector<1x1x1xf32>
    %reduce_sum3A_164 = vector.extract %reduce_sum3A_163[0, 0, 0] : f32 from vector<1x1x1xf32>
    %add3A_165 = arith.addf %add3A_104, %reduce_sum3A_164 : f32
    %eq3A_166 = vector.broadcast %broadcast_in_dim3A_159 : vector<512x1xf32> to vector<512x1024xf32>
    %eq3A_167 = arith.cmpf oeq, %add3A_156, %eq3A_166 : vector<512x1024xf32>
    %jit3A_168 = arith.constant 1024 : i32
    %broadcast_in_dim3A_169 = vector.broadcast %jit3A_168 : i32 to vector<512x1024xi32>
    %select_n3A_170 = arith.select %eq3A_167, %iota3A, %broadcast_in_dim3A_169 : vector<512x1024xi1>, vector<512x1024xi32>
    %reduce_min3A_171 = arith.constant dense<2147483647> : vector<512xi32>
    %reduce_min3A_172 = vector.multi_reduction <minsi>, %select_n3A_170, %reduce_min3A_171 [1] : vector<512x1024xi32> to vector<512xi32>
    %broadcast_in_dim3A_173 = vector.shape_cast %reduce_min3A_172 : vector<512xi32> to vector<512x1xi32>
    %eq3A_174 = vector.broadcast %broadcast_in_dim3A_173 : vector<512x1xi32> to vector<512x1024xi32>
    %eq3A_175 = arith.cmpi eq, %iota3A, %eq3A_174 : vector<512x1024xi32>
    %convert_element_type3A_176 = arith.extui %eq3A_175 : vector<512x1024xi1> to vector<512x1024xi32>
    %convert_element_type3A_177 = arith.sitofp %convert_element_type3A_176 : vector<512x1024xi32> to vector<512x1024xf32>
    %get3A_178 = arith.constant 1 : index
    %get3A_179 = arith.constant 0 : index
    %get3A_180 = arith.constant 0 : index
    %get3A_181 = vector.load %arg7[%get3A_178, %get3A_179, %get3A_180] : memref<4x1024x128xf32, #tpu.memory_space<vmem>>, vector<1x1024x128xf32>
    %get3A_182 = vector.shape_cast %get3A_181 : vector<1x1024x128xf32> to vector<1024x128xf32>
    %dot_general3A_183 = arith.constant dense<0.000000e+00> : vector<512x128xf32>
    %dot_general3A_184 = tpu.matmul %convert_element_type3A_177, %get3A_182, %dot_general3A_183 {dimension_numbers = #tpu.dot_dimension_numbers<[1], [0], [0], [1], [0, 0, 1, 1], [], []>, transpose_lhs_hint = false} : vector<512x1024xf32>, vector<1024x128xf32>, vector<512x128xf32> -> vector<512x128xf32>
    %get3A_185 = arith.constant 2 : index
    %get3A_186 = arith.constant 0 : index
    %get3A_187 = arith.constant 0 : index
    %get3A_188 = vector.load %arg4[%get3A_185, %get3A_186, %get3A_187] : memref<4x128x512xf32, #tpu.memory_space<vmem>>, vector<1x128x512xf32>
    %get3A_189 = vector.shape_cast %get3A_188 : vector<1x128x512xf32> to vector<128x512xf32>
    %dot_general3A_190 = arith.constant dense<0.000000e+00> : vector<512x128xf32>
    %dot_general3A_191 = tpu.matmul %max3A_64, %get3A_189, %dot_general3A_190 {dimension_numbers = #tpu.dot_dimension_numbers<[1], [1], [0], [0], [0, 0, 1, 0], [], []>, transpose_lhs_hint = false} : vector<512x512xf32>, vector<128x512xf32>, vector<512x128xf32> -> vector<512x128xf32>
    %get3A_192 = arith.constant 2 : index
    %get3A_193 = arith.constant 0 : index
    %get3A_194 = arith.constant 0 : index
    %get3A_195 = vector.load %arg5[%get3A_192, %get3A_193, %get3A_194] : memref<4x1x128xf32, #tpu.memory_space<vmem>>, vector<1x1x128xf32>
    %get3A_196 = vector.shape_cast %get3A_195 : vector<1x1x128xf32> to vector<1x128xf32>
    %add3A_197 = vector.broadcast %get3A_196 : vector<1x128xf32> to vector<512x128xf32>
    %add3A_198 = arith.addf %dot_general3A_191, %add3A_197 : vector<512x128xf32>
    %get3A_199 = arith.constant 2 : index
    %get3A_200 = arith.constant 0 : index
    %get3A_201 = arith.constant 0 : index
    %get3A_202 = vector.load %arg6[%get3A_199, %get3A_200, %get3A_201] : memref<4x1024x128xf32, #tpu.memory_space<vmem>>, vector<1x1024x128xf32>
    %get3A_203 = vector.shape_cast %get3A_202 : vector<1x1024x128xf32> to vector<1024x128xf32>
    %dot_general3A_204 = arith.constant dense<0.000000e+00> : vector<512x1024xf32>
    %dot_general3A_205 = tpu.matmul %add3A_198, %get3A_203, %dot_general3A_204 {dimension_numbers = #tpu.dot_dimension_numbers<[1], [1], [0], [0], [0, 0, 1, 0], [], []>, transpose_lhs_hint = false} : vector<512x128xf32>, vector<1024x128xf32>, vector<512x1024xf32> -> vector<512x1024xf32>
    %mul3A_206 = arith.mulf %add3A_198, %add3A_198 : vector<512x128xf32>
    %reduce_sum3A_207 = arith.constant dense<0.000000e+00> : vector<512xf32>
    %reduce_sum3A_208 = vector.multi_reduction <add>, %mul3A_206, %reduce_sum3A_207 [1] : vector<512x128xf32> to vector<512xf32>
    %broadcast_in_dim3A_209 = vector.shape_cast %reduce_sum3A_208 : vector<512xf32> to vector<512x1xf32>
    %get3A_210 = arith.constant 2 : index
    %get3A_211 = arith.constant 0 : index
    %get3A_212 = vector.load %arg26[%get3A_210, %get3A_211] : memref<4x1024xf32, #tpu.memory_space<vmem>>, vector<1x1024xf32>
    %mul3A_213 = arith.constant 2.000000e+00 : f32
    %mul3A_214 = vector.broadcast %mul3A_213 : f32 to vector<512x1024xf32>
    %mul3A_215 = arith.mulf %mul3A_214, %dot_general3A_205 : vector<512x1024xf32>
    %sub3A_216 = vector.broadcast %broadcast_in_dim3A_209 : vector<512x1xf32> to vector<512x1024xf32>
    %sub3A_217 = arith.subf %sub3A_216, %mul3A_215 : vector<512x1024xf32>
    %add3A_218 = vector.broadcast %get3A_212 : vector<1x1024xf32> to vector<512x1024xf32>
    %add3A_219 = arith.addf %sub3A_217, %add3A_218 : vector<512x1024xf32>
    %reduce_min3A_220 = arith.constant dense<0x7F800000> : vector<512xf32>
    %reduce_min3A_221 = vector.multi_reduction <minimumf>, %add3A_219, %reduce_min3A_220 [1] : vector<512x1024xf32> to vector<512xf32>
    %broadcast_in_dim3A_222 = vector.shape_cast %reduce_min3A_221 : vector<512xf32> to vector<512x1xf32>
    %reduce_sum3A_223 = vector.shape_cast %broadcast_in_dim3A_222 : vector<512x1xf32> to vector<1x512x1xf32>
    %reduce_sum3A_224 = arith.constant dense<0.000000e+00> : vector<1xf32>
    %reduce_sum3A_225 = vector.multi_reduction <add>, %reduce_sum3A_223, %reduce_sum3A_224 [1, 2] : vector<1x512x1xf32> to vector<1xf32>
    %reduce_sum3A_226 = vector.shape_cast %reduce_sum3A_225 : vector<1xf32> to vector<1x1x1xf32>
    %reduce_sum3A_227 = vector.extract %reduce_sum3A_226[0, 0, 0] : f32 from vector<1x1x1xf32>
    %add3A_228 = arith.addf %add3A_165, %reduce_sum3A_227 : f32
    %eq3A_229 = vector.broadcast %broadcast_in_dim3A_222 : vector<512x1xf32> to vector<512x1024xf32>
    %eq3A_230 = arith.cmpf oeq, %add3A_219, %eq3A_229 : vector<512x1024xf32>
    %jit3A_231 = arith.constant 1024 : i32
    %broadcast_in_dim3A_232 = vector.broadcast %jit3A_231 : i32 to vector<512x1024xi32>
    %select_n3A_233 = arith.select %eq3A_230, %iota3A, %broadcast_in_dim3A_232 : vector<512x1024xi1>, vector<512x1024xi32>
    %reduce_min3A_234 = arith.constant dense<2147483647> : vector<512xi32>
    %reduce_min3A_235 = vector.multi_reduction <minsi>, %select_n3A_233, %reduce_min3A_234 [1] : vector<512x1024xi32> to vector<512xi32>
    %broadcast_in_dim3A_236 = vector.shape_cast %reduce_min3A_235 : vector<512xi32> to vector<512x1xi32>
    %eq3A_237 = vector.broadcast %broadcast_in_dim3A_236 : vector<512x1xi32> to vector<512x1024xi32>
    %eq3A_238 = arith.cmpi eq, %iota3A, %eq3A_237 : vector<512x1024xi32>
    %convert_element_type3A_239 = arith.extui %eq3A_238 : vector<512x1024xi1> to vector<512x1024xi32>
    %convert_element_type3A_240 = arith.sitofp %convert_element_type3A_239 : vector<512x1024xi32> to vector<512x1024xf32>
    %get3A_241 = arith.constant 2 : index
    %get3A_242 = arith.constant 0 : index
    %get3A_243 = arith.constant 0 : index
    %get3A_244 = vector.load %arg7[%get3A_241, %get3A_242, %get3A_243] : memref<4x1024x128xf32, #tpu.memory_space<vmem>>, vector<1x1024x128xf32>
    %get3A_245 = vector.shape_cast %get3A_244 : vector<1x1024x128xf32> to vector<1024x128xf32>
    %dot_general3A_246 = arith.constant dense<0.000000e+00> : vector<512x128xf32>
    %dot_general3A_247 = tpu.matmul %convert_element_type3A_240, %get3A_245, %dot_general3A_246 {dimension_numbers = #tpu.dot_dimension_numbers<[1], [0], [0], [1], [0, 0, 1, 1], [], []>, transpose_lhs_hint = false} : vector<512x1024xf32>, vector<1024x128xf32>, vector<512x128xf32> -> vector<512x128xf32>
    %get3A_248 = arith.constant 3 : index
    %get3A_249 = arith.constant 0 : index
    %get3A_250 = arith.constant 0 : index
    %get3A_251 = vector.load %arg4[%get3A_248, %get3A_249, %get3A_250] : memref<4x128x512xf32, #tpu.memory_space<vmem>>, vector<1x128x512xf32>
    %get3A_252 = vector.shape_cast %get3A_251 : vector<1x128x512xf32> to vector<128x512xf32>
    %dot_general3A_253 = arith.constant dense<0.000000e+00> : vector<512x128xf32>
    %dot_general3A_254 = tpu.matmul %max3A_64, %get3A_252, %dot_general3A_253 {dimension_numbers = #tpu.dot_dimension_numbers<[1], [1], [0], [0], [0, 0, 1, 0], [], []>, transpose_lhs_hint = false} : vector<512x512xf32>, vector<128x512xf32>, vector<512x128xf32> -> vector<512x128xf32>
    %get3A_255 = arith.constant 3 : index
    %get3A_256 = arith.constant 0 : index
    %get3A_257 = arith.constant 0 : index
    %get3A_258 = vector.load %arg5[%get3A_255, %get3A_256, %get3A_257] : memref<4x1x128xf32, #tpu.memory_space<vmem>>, vector<1x1x128xf32>
    %get3A_259 = vector.shape_cast %get3A_258 : vector<1x1x128xf32> to vector<1x128xf32>
    %add3A_260 = vector.broadcast %get3A_259 : vector<1x128xf32> to vector<512x128xf32>
    %add3A_261 = arith.addf %dot_general3A_254, %add3A_260 : vector<512x128xf32>
    %get3A_262 = arith.constant 3 : index
    %get3A_263 = arith.constant 0 : index
    %get3A_264 = arith.constant 0 : index
    %get3A_265 = vector.load %arg6[%get3A_262, %get3A_263, %get3A_264] : memref<4x1024x128xf32, #tpu.memory_space<vmem>>, vector<1x1024x128xf32>
    %get3A_266 = vector.shape_cast %get3A_265 : vector<1x1024x128xf32> to vector<1024x128xf32>
    %dot_general3A_267 = arith.constant dense<0.000000e+00> : vector<512x1024xf32>
    %dot_general3A_268 = tpu.matmul %add3A_261, %get3A_266, %dot_general3A_267 {dimension_numbers = #tpu.dot_dimension_numbers<[1], [1], [0], [0], [0, 0, 1, 0], [], []>, transpose_lhs_hint = false} : vector<512x128xf32>, vector<1024x128xf32>, vector<512x1024xf32> -> vector<512x1024xf32>
    %mul3A_269 = arith.mulf %add3A_261, %add3A_261 : vector<512x128xf32>
    %reduce_sum3A_270 = arith.constant dense<0.000000e+00> : vector<512xf32>
    %reduce_sum3A_271 = vector.multi_reduction <add>, %mul3A_269, %reduce_sum3A_270 [1] : vector<512x128xf32> to vector<512xf32>
    %broadcast_in_dim3A_272 = vector.shape_cast %reduce_sum3A_271 : vector<512xf32> to vector<512x1xf32>
    %get3A_273 = arith.constant 3 : index
    %get3A_274 = arith.constant 0 : index
    %get3A_275 = vector.load %arg26[%get3A_273, %get3A_274] : memref<4x1024xf32, #tpu.memory_space<vmem>>, vector<1x1024xf32>
    %mul3A_276 = arith.constant 2.000000e+00 : f32
    %mul3A_277 = vector.broadcast %mul3A_276 : f32 to vector<512x1024xf32>
    %mul3A_278 = arith.mulf %mul3A_277, %dot_general3A_268 : vector<512x1024xf32>
    %sub3A_279 = vector.broadcast %broadcast_in_dim3A_272 : vector<512x1xf32> to vector<512x1024xf32>
    %sub3A_280 = arith.subf %sub3A_279, %mul3A_278 : vector<512x1024xf32>
    %add3A_281 = vector.broadcast %get3A_275 : vector<1x1024xf32> to vector<512x1024xf32>
    %add3A_282 = arith.addf %sub3A_280, %add3A_281 : vector<512x1024xf32>
    %reduce_min3A_283 = arith.constant dense<0x7F800000> : vector<512xf32>
    %reduce_min3A_284 = vector.multi_reduction <minimumf>, %add3A_282, %reduce_min3A_283 [1] : vector<512x1024xf32> to vector<512xf32>
    %broadcast_in_dim3A_285 = vector.shape_cast %reduce_min3A_284 : vector<512xf32> to vector<512x1xf32>
    %reduce_sum3A_286 = vector.shape_cast %broadcast_in_dim3A_285 : vector<512x1xf32> to vector<1x512x1xf32>
    %reduce_sum3A_287 = arith.constant dense<0.000000e+00> : vector<1xf32>
    %reduce_sum3A_288 = vector.multi_reduction <add>, %reduce_sum3A_286, %reduce_sum3A_287 [1, 2] : vector<1x512x1xf32> to vector<1xf32>
    %reduce_sum3A_289 = vector.shape_cast %reduce_sum3A_288 : vector<1xf32> to vector<1x1x1xf32>
    %reduce_sum3A_290 = vector.extract %reduce_sum3A_289[0, 0, 0] : f32 from vector<1x1x1xf32>
    %add3A_291 = arith.addf %add3A_228, %reduce_sum3A_290 : f32
    %eq3A_292 = vector.broadcast %broadcast_in_dim3A_285 : vector<512x1xf32> to vector<512x1024xf32>
    %eq3A_293 = arith.cmpf oeq, %add3A_282, %eq3A_292 : vector<512x1024xf32>
    %jit3A_294 = arith.constant 1024 : i32
    %broadcast_in_dim3A_295 = vector.broadcast %jit3A_294 : i32 to vector<512x1024xi32>
    %select_n3A_296 = arith.select %eq3A_293, %iota3A, %broadcast_in_dim3A_295 : vector<512x1024xi1>, vector<512x1024xi32>
    %reduce_min3A_297 = arith.constant dense<2147483647> : vector<512xi32>
    %reduce_min3A_298 = vector.multi_reduction <minsi>, %select_n3A_296, %reduce_min3A_297 [1] : vector<512x1024xi32> to vector<512xi32>
    %broadcast_in_dim3A_299 = vector.shape_cast %reduce_min3A_298 : vector<512xi32> to vector<512x1xi32>
    %eq3A_300 = vector.broadcast %broadcast_in_dim3A_299 : vector<512x1xi32> to vector<512x1024xi32>
    %eq3A_301 = arith.cmpi eq, %iota3A, %eq3A_300 : vector<512x1024xi32>
    %convert_element_type3A_302 = arith.extui %eq3A_301 : vector<512x1024xi1> to vector<512x1024xi32>
    %convert_element_type3A_303 = arith.sitofp %convert_element_type3A_302 : vector<512x1024xi32> to vector<512x1024xf32>
    %get3A_304 = arith.constant 3 : index
    %get3A_305 = arith.constant 0 : index
    %get3A_306 = arith.constant 0 : index
    %get3A_307 = vector.load %arg7[%get3A_304, %get3A_305, %get3A_306] : memref<4x1024x128xf32, #tpu.memory_space<vmem>>, vector<1x1024x128xf32>
    %get3A_308 = vector.shape_cast %get3A_307 : vector<1x1024x128xf32> to vector<1024x128xf32>
    %dot_general3A_309 = arith.constant dense<0.000000e+00> : vector<512x128xf32>
    %dot_general3A_310 = tpu.matmul %convert_element_type3A_303, %get3A_308, %dot_general3A_309 {dimension_numbers = #tpu.dot_dimension_numbers<[1], [0], [0], [1], [0, 0, 1, 1], [], []>, transpose_lhs_hint = false} : vector<512x1024xf32>, vector<1024x128xf32>, vector<512x128xf32> -> vector<512x128xf32>
    %iota3A_311 = tpu.iota {dimensions = array<i32: 0>} : vector<512x16xi32>
    %iota3A_312 = tpu.iota {dimensions = array<i32: 1>} : vector<512x16xi32>
    %jit3A_313 = arith.constant 128 : i32
    %div3A = vector.broadcast %jit3A_313 : i32 to vector<512x16xi32>
    %div3A_314 = arith.divsi %iota3A_311, %div3A : vector<512x16xi32>
    %sign3A = arith.constant 0 : i32
    %sign3A_315 = vector.broadcast %sign3A : i32 to vector<512x16xi32>
    %sign3A_316 = arith.cmpi sgt, %iota3A_311, %sign3A_315 : vector<512x16xi32>
    %sign3A_317 = arith.extui %sign3A_316 : vector<512x16xi1> to vector<512x16xi32>
    %sign3A_318 = arith.constant 0 : i32
    %sign3A_319 = vector.broadcast %sign3A_318 : i32 to vector<512x16xi32>
    %sign3A_320 = arith.cmpi slt, %iota3A_311, %sign3A_319 : vector<512x16xi32>
    %sign3A_321 = arith.extui %sign3A_320 : vector<512x16xi1> to vector<512x16xi32>
    %sign3A_322 = arith.subi %sign3A_317, %sign3A_321 : vector<512x16xi32>
    %sign3A_323 = arith.constant 0 : i32
    %sign3A_324 = arith.cmpi sgt, %jit3A_313, %sign3A_323 : i32
    %sign3A_325 = arith.extui %sign3A_324 : i1 to i32
    %sign3A_326 = arith.constant 0 : i32
    %sign3A_327 = arith.cmpi slt, %jit3A_313, %sign3A_326 : i32
    %sign3A_328 = arith.extui %sign3A_327 : i1 to i32
    %sign3A_329 = arith.subi %sign3A_325, %sign3A_328 : i32
    %ne3A = vector.broadcast %sign3A_329 : i32 to vector<512x16xi32>
    %ne3A_330 = arith.cmpi ne, %sign3A_322, %ne3A : vector<512x16xi32>
    %rem3A = vector.broadcast %jit3A_313 : i32 to vector<512x16xi32>
    %rem3A_331 = arith.remsi %iota3A_311, %rem3A : vector<512x16xi32>
    %ne3A_332 = arith.constant 0 : i32
    %ne3A_333 = vector.broadcast %ne3A_332 : i32 to vector<512x16xi32>
    %ne3A_334 = arith.cmpi ne, %rem3A_331, %ne3A_333 : vector<512x16xi32>
    %and3A = arith.andi %ne3A_330, %ne3A_334 : vector<512x16xi1>
    %sub3A_335 = arith.constant 1 : i32
    %sub3A_336 = vector.broadcast %sub3A_335 : i32 to vector<512x16xi32>
    %sub3A_337 = arith.subi %div3A_314, %sub3A_336 : vector<512x16xi32>
    %select_n3A_338 = arith.select %and3A, %sub3A_337, %div3A_314 : vector<512x16xi1>, vector<512x16xi32>
    %jit3A_339 = arith.constant 4 : i32
    %div3A_340 = vector.broadcast %jit3A_339 : i32 to vector<512x16xi32>
    %div3A_341 = arith.divsi %iota3A_312, %div3A_340 : vector<512x16xi32>
    %sign3A_342 = arith.constant 0 : i32
    %sign3A_343 = vector.broadcast %sign3A_342 : i32 to vector<512x16xi32>
    %sign3A_344 = arith.cmpi sgt, %iota3A_312, %sign3A_343 : vector<512x16xi32>
    %sign3A_345 = arith.extui %sign3A_344 : vector<512x16xi1> to vector<512x16xi32>
    %sign3A_346 = arith.constant 0 : i32
    %sign3A_347 = vector.broadcast %sign3A_346 : i32 to vector<512x16xi32>
    %sign3A_348 = arith.cmpi slt, %iota3A_312, %sign3A_347 : vector<512x16xi32>
    %sign3A_349 = arith.extui %sign3A_348 : vector<512x16xi1> to vector<512x16xi32>
    %sign3A_350 = arith.subi %sign3A_345, %sign3A_349 : vector<512x16xi32>
    %sign3A_351 = arith.constant 0 : i32
    %sign3A_352 = arith.cmpi sgt, %jit3A_339, %sign3A_351 : i32
    %sign3A_353 = arith.extui %sign3A_352 : i1 to i32
    %sign3A_354 = arith.constant 0 : i32
    %sign3A_355 = arith.cmpi slt, %jit3A_339, %sign3A_354 : i32
    %sign3A_356 = arith.extui %sign3A_355 : i1 to i32
    %sign3A_357 = arith.subi %sign3A_353, %sign3A_356 : i32
    %ne3A_358 = vector.broadcast %sign3A_357 : i32 to vector<512x16xi32>
    %ne3A_359 = arith.cmpi ne, %sign3A_350, %ne3A_358 : vector<512x16xi32>
    %rem3A_360 = vector.broadcast %jit3A_339 : i32 to vector<512x16xi32>
    %rem3A_361 = arith.remsi %iota3A_312, %rem3A_360 : vector<512x16xi32>
    %ne3A_362 = arith.constant 0 : i32
    %ne3A_363 = vector.broadcast %ne3A_362 : i32 to vector<512x16xi32>
    %ne3A_364 = arith.cmpi ne, %rem3A_361, %ne3A_363 : vector<512x16xi32>
    %and3A_365 = arith.andi %ne3A_359, %ne3A_364 : vector<512x16xi1>
    %sub3A_366 = arith.constant 1 : i32
    %sub3A_367 = vector.broadcast %sub3A_366 : i32 to vector<512x16xi32>
    %sub3A_368 = arith.subi %div3A_341, %sub3A_367 : vector<512x16xi32>
    %select_n3A_369 = arith.select %and3A_365, %sub3A_368, %div3A_341 : vector<512x16xi1>, vector<512x16xi32>
    %eq3A_370 = arith.cmpi eq, %select_n3A_338, %select_n3A_369 : vector<512x16xi32>
    %jit3A_371 = arith.constant 128 : i32
    %eq3A_372 = arith.constant 0 : i32
    %eq3A_373 = arith.cmpi eq, %jit3A_371, %eq3A_372 : i32
    %jit3A_374 = arith.constant 1 : i32
    %select_n3A_375 = arith.select %eq3A_373, %jit3A_374, %jit3A_371 : i32
    %rem3A_376 = vector.broadcast %select_n3A_375 : i32 to vector<512x16xi32>
    %rem3A_377 = arith.remsi %iota3A_311, %rem3A_376 : vector<512x16xi32>
    %ne3A_378 = arith.constant 0 : i32
    %ne3A_379 = vector.broadcast %ne3A_378 : i32 to vector<512x16xi32>
    %ne3A_380 = arith.cmpi ne, %rem3A_377, %ne3A_379 : vector<512x16xi32>
    %lt3A = arith.constant 0 : i32
    %lt3A_381 = vector.broadcast %lt3A : i32 to vector<512x16xi32>
    %lt3A_382 = arith.cmpi slt, %rem3A_377, %lt3A_381 : vector<512x16xi32>
    %lt3A_383 = arith.constant 0 : i32
    %lt3A_384 = arith.cmpi slt, %select_n3A_375, %lt3A_383 : i32
    %ne3A_385 = vector.broadcast %lt3A_384 : i1 to vector<512x16xi1>
    %ne3A_386 = vector.broadcast %ne3A_385 : vector<512x16xi1> to vector<512x16xi1>
    %ne3A_387 = arith.xori %lt3A_382, %ne3A_386 : vector<512x16xi1>
    %and3A_388 = arith.andi %ne3A_387, %ne3A_380 : vector<512x16xi1>
    %add3A_389 = vector.broadcast %select_n3A_375 : i32 to vector<512x16xi32>
    %add3A_390 = arith.addi %rem3A_377, %add3A_389 : vector<512x16xi32>
    %select_n3A_391 = arith.select %and3A_388, %add3A_390, %rem3A_377 : vector<512x16xi1>, vector<512x16xi32>
    %jit3A_392 = arith.constant 32 : i32
    %div3A_393 = vector.broadcast %jit3A_392 : i32 to vector<512x16xi32>
    %div3A_394 = arith.divsi %select_n3A_391, %div3A_393 : vector<512x16xi32>
    %sign3A_395 = arith.constant 0 : i32
    %sign3A_396 = vector.broadcast %sign3A_395 : i32 to vector<512x16xi32>
    %sign3A_397 = arith.cmpi sgt, %select_n3A_391, %sign3A_396 : vector<512x16xi32>
    %sign3A_398 = arith.extui %sign3A_397 : vector<512x16xi1> to vector<512x16xi32>
    %sign3A_399 = arith.constant 0 : i32
    %sign3A_400 = vector.broadcast %sign3A_399 : i32 to vector<512x16xi32>
    %sign3A_401 = arith.cmpi slt, %select_n3A_391, %sign3A_400 : vector<512x16xi32>
    %sign3A_402 = arith.extui %sign3A_401 : vector<512x16xi1> to vector<512x16xi32>
    %sign3A_403 = arith.subi %sign3A_398, %sign3A_402 : vector<512x16xi32>
    %sign3A_404 = arith.constant 0 : i32
    %sign3A_405 = arith.cmpi sgt, %jit3A_392, %sign3A_404 : i32
    %sign3A_406 = arith.extui %sign3A_405 : i1 to i32
    %sign3A_407 = arith.constant 0 : i32
    %sign3A_408 = arith.cmpi slt, %jit3A_392, %sign3A_407 : i32
    %sign3A_409 = arith.extui %sign3A_408 : i1 to i32
    %sign3A_410 = arith.subi %sign3A_406, %sign3A_409 : i32
    %ne3A_411 = vector.broadcast %sign3A_410 : i32 to vector<512x16xi32>
    %ne3A_412 = arith.cmpi ne, %sign3A_403, %ne3A_411 : vector<512x16xi32>
    %rem3A_413 = vector.broadcast %jit3A_392 : i32 to vector<512x16xi32>
    %rem3A_414 = arith.remsi %select_n3A_391, %rem3A_413 : vector<512x16xi32>
    %ne3A_415 = arith.constant 0 : i32
    %ne3A_416 = vector.broadcast %ne3A_415 : i32 to vector<512x16xi32>
    %ne3A_417 = arith.cmpi ne, %rem3A_414, %ne3A_416 : vector<512x16xi32>
    %and3A_418 = arith.andi %ne3A_412, %ne3A_417 : vector<512x16xi1>
    %sub3A_419 = arith.constant 1 : i32
    %sub3A_420 = vector.broadcast %sub3A_419 : i32 to vector<512x16xi32>
    %sub3A_421 = arith.subi %div3A_394, %sub3A_420 : vector<512x16xi32>
    %select_n3A_422 = arith.select %and3A_418, %sub3A_421, %div3A_394 : vector<512x16xi1>, vector<512x16xi32>
    %jit3A_423 = arith.constant 4 : i32
    %eq3A_424 = arith.constant 0 : i32
    %eq3A_425 = arith.cmpi eq, %jit3A_423, %eq3A_424 : i32
    %jit3A_426 = arith.constant 1 : i32
    %select_n3A_427 = arith.select %eq3A_425, %jit3A_426, %jit3A_423 : i32
    %rem3A_428 = vector.broadcast %select_n3A_427 : i32 to vector<512x16xi32>
    %rem3A_429 = arith.remsi %iota3A_312, %rem3A_428 : vector<512x16xi32>
    %ne3A_430 = arith.constant 0 : i32
    %ne3A_431 = vector.broadcast %ne3A_430 : i32 to vector<512x16xi32>
    %ne3A_432 = arith.cmpi ne, %rem3A_429, %ne3A_431 : vector<512x16xi32>
    %lt3A_433 = arith.constant 0 : i32
    %lt3A_434 = vector.broadcast %lt3A_433 : i32 to vector<512x16xi32>
    %lt3A_435 = arith.cmpi slt, %rem3A_429, %lt3A_434 : vector<512x16xi32>
    %lt3A_436 = arith.constant 0 : i32
    %lt3A_437 = arith.cmpi slt, %select_n3A_427, %lt3A_436 : i32
    %ne3A_438 = vector.broadcast %lt3A_437 : i1 to vector<512x16xi1>
    %ne3A_439 = vector.broadcast %ne3A_438 : vector<512x16xi1> to vector<512x16xi1>
    %ne3A_440 = arith.xori %lt3A_435, %ne3A_439 : vector<512x16xi1>
    %and3A_441 = arith.andi %ne3A_440, %ne3A_432 : vector<512x16xi1>
    %add3A_442 = vector.broadcast %select_n3A_427 : i32 to vector<512x16xi32>
    %add3A_443 = arith.addi %rem3A_429, %add3A_442 : vector<512x16xi32>
    %select_n3A_444 = arith.select %and3A_441, %add3A_443, %rem3A_429 : vector<512x16xi1>, vector<512x16xi32>
    %eq3A_445 = arith.cmpi eq, %select_n3A_422, %select_n3A_444 : vector<512x16xi32>
    %and3A_446 = arith.andi %eq3A_370, %eq3A_445 : vector<512x16xi1>
    %convert_element_type3A_447 = arith.extui %and3A_446 : vector<512x16xi1> to vector<512x16xi32>
    %convert_element_type3A_448 = arith.sitofp %convert_element_type3A_447 : vector<512x16xi32> to vector<512x16xf32>
    %iota3A_449 = tpu.iota {dimensions = array<i32: 0>} : vector<16x512xi32>
    %iota3A_450 = tpu.iota {dimensions = array<i32: 1>} : vector<16x512xi32>
    %jit3A_451 = arith.constant 128 : i32
    %div3A_452 = vector.broadcast %jit3A_451 : i32 to vector<16x512xi32>
    %div3A_453 = arith.divsi %iota3A_450, %div3A_452 : vector<16x512xi32>
    %sign3A_454 = arith.constant 0 : i32
    %sign3A_455 = vector.broadcast %sign3A_454 : i32 to vector<16x512xi32>
    %sign3A_456 = arith.cmpi sgt, %iota3A_450, %sign3A_455 : vector<16x512xi32>
    %sign3A_457 = arith.extui %sign3A_456 : vector<16x512xi1> to vector<16x512xi32>
    %sign3A_458 = arith.constant 0 : i32
    %sign3A_459 = vector.broadcast %sign3A_458 : i32 to vector<16x512xi32>
    %sign3A_460 = arith.cmpi slt, %iota3A_450, %sign3A_459 : vector<16x512xi32>
    %sign3A_461 = arith.extui %sign3A_460 : vector<16x512xi1> to vector<16x512xi32>
    %sign3A_462 = arith.subi %sign3A_457, %sign3A_461 : vector<16x512xi32>
    %sign3A_463 = arith.constant 0 : i32
    %sign3A_464 = arith.cmpi sgt, %jit3A_451, %sign3A_463 : i32
    %sign3A_465 = arith.extui %sign3A_464 : i1 to i32
    %sign3A_466 = arith.constant 0 : i32
    %sign3A_467 = arith.cmpi slt, %jit3A_451, %sign3A_466 : i32
    %sign3A_468 = arith.extui %sign3A_467 : i1 to i32
    %sign3A_469 = arith.subi %sign3A_465, %sign3A_468 : i32
    %ne3A_470 = vector.broadcast %sign3A_469 : i32 to vector<16x512xi32>
    %ne3A_471 = arith.cmpi ne, %sign3A_462, %ne3A_470 : vector<16x512xi32>
    %rem3A_472 = vector.broadcast %jit3A_451 : i32 to vector<16x512xi32>
    %rem3A_473 = arith.remsi %iota3A_450, %rem3A_472 : vector<16x512xi32>
    %ne3A_474 = arith.constant 0 : i32
    %ne3A_475 = vector.broadcast %ne3A_474 : i32 to vector<16x512xi32>
    %ne3A_476 = arith.cmpi ne, %rem3A_473, %ne3A_475 : vector<16x512xi32>
    %and3A_477 = arith.andi %ne3A_471, %ne3A_476 : vector<16x512xi1>
    %sub3A_478 = arith.constant 1 : i32
    %sub3A_479 = vector.broadcast %sub3A_478 : i32 to vector<16x512xi32>
    %sub3A_480 = arith.subi %div3A_453, %sub3A_479 : vector<16x512xi32>
    %select_n3A_481 = arith.select %and3A_477, %sub3A_480, %div3A_453 : vector<16x512xi1>, vector<16x512xi32>
    %jit3A_482 = arith.constant 4 : i32
    %div3A_483 = vector.broadcast %jit3A_482 : i32 to vector<16x512xi32>
    %div3A_484 = arith.divsi %iota3A_449, %div3A_483 : vector<16x512xi32>
    %sign3A_485 = arith.constant 0 : i32
    %sign3A_486 = vector.broadcast %sign3A_485 : i32 to vector<16x512xi32>
    %sign3A_487 = arith.cmpi sgt, %iota3A_449, %sign3A_486 : vector<16x512xi32>
    %sign3A_488 = arith.extui %sign3A_487 : vector<16x512xi1> to vector<16x512xi32>
    %sign3A_489 = arith.constant 0 : i32
    %sign3A_490 = vector.broadcast %sign3A_489 : i32 to vector<16x512xi32>
    %sign3A_491 = arith.cmpi slt, %iota3A_449, %sign3A_490 : vector<16x512xi32>
    %sign3A_492 = arith.extui %sign3A_491 : vector<16x512xi1> to vector<16x512xi32>
    %sign3A_493 = arith.subi %sign3A_488, %sign3A_492 : vector<16x512xi32>
    %sign3A_494 = arith.constant 0 : i32
    %sign3A_495 = arith.cmpi sgt, %jit3A_482, %sign3A_494 : i32
    %sign3A_496 = arith.extui %sign3A_495 : i1 to i32
    %sign3A_497 = arith.constant 0 : i32
    %sign3A_498 = arith.cmpi slt, %jit3A_482, %sign3A_497 : i32
    %sign3A_499 = arith.extui %sign3A_498 : i1 to i32
    %sign3A_500 = arith.subi %sign3A_496, %sign3A_499 : i32
    %ne3A_501 = vector.broadcast %sign3A_500 : i32 to vector<16x512xi32>
    %ne3A_502 = arith.cmpi ne, %sign3A_493, %ne3A_501 : vector<16x512xi32>
    %rem3A_503 = vector.broadcast %jit3A_482 : i32 to vector<16x512xi32>
    %rem3A_504 = arith.remsi %iota3A_449, %rem3A_503 : vector<16x512xi32>
    %ne3A_505 = arith.constant 0 : i32
    %ne3A_506 = vector.broadcast %ne3A_505 : i32 to vector<16x512xi32>
    %ne3A_507 = arith.cmpi ne, %rem3A_504, %ne3A_506 : vector<16x512xi32>
    %and3A_508 = arith.andi %ne3A_502, %ne3A_507 : vector<16x512xi1>
    %sub3A_509 = arith.constant 1 : i32
    %sub3A_510 = vector.broadcast %sub3A_509 : i32 to vector<16x512xi32>
    %sub3A_511 = arith.subi %div3A_484, %sub3A_510 : vector<16x512xi32>
    %select_n3A_512 = arith.select %and3A_508, %sub3A_511, %div3A_484 : vector<16x512xi1>, vector<16x512xi32>
    %eq3A_513 = arith.cmpi eq, %select_n3A_481, %select_n3A_512 : vector<16x512xi32>
    %jit3A_514 = arith.constant 128 : i32
    %eq3A_515 = arith.constant 0 : i32
    %eq3A_516 = arith.cmpi eq, %jit3A_514, %eq3A_515 : i32
    %jit3A_517 = arith.constant 1 : i32
    %select_n3A_518 = arith.select %eq3A_516, %jit3A_517, %jit3A_514 : i32
    %rem3A_519 = vector.broadcast %select_n3A_518 : i32 to vector<16x512xi32>
    %rem3A_520 = arith.remsi %iota3A_450, %rem3A_519 : vector<16x512xi32>
    %ne3A_521 = arith.constant 0 : i32
    %ne3A_522 = vector.broadcast %ne3A_521 : i32 to vector<16x512xi32>
    %ne3A_523 = arith.cmpi ne, %rem3A_520, %ne3A_522 : vector<16x512xi32>
    %lt3A_524 = arith.constant 0 : i32
    %lt3A_525 = vector.broadcast %lt3A_524 : i32 to vector<16x512xi32>
    %lt3A_526 = arith.cmpi slt, %rem3A_520, %lt3A_525 : vector<16x512xi32>
    %lt3A_527 = arith.constant 0 : i32
    %lt3A_528 = arith.cmpi slt, %select_n3A_518, %lt3A_527 : i32
    %ne3A_529 = vector.broadcast %lt3A_528 : i1 to vector<16x512xi1>
    %ne3A_530 = vector.broadcast %ne3A_529 : vector<16x512xi1> to vector<16x512xi1>
    %ne3A_531 = arith.xori %lt3A_526, %ne3A_530 : vector<16x512xi1>
    %and3A_532 = arith.andi %ne3A_531, %ne3A_523 : vector<16x512xi1>
    %add3A_533 = vector.broadcast %select_n3A_518 : i32 to vector<16x512xi32>
    %add3A_534 = arith.addi %rem3A_520, %add3A_533 : vector<16x512xi32>
    %select_n3A_535 = arith.select %and3A_532, %add3A_534, %rem3A_520 : vector<16x512xi1>, vector<16x512xi32>
    %jit3A_536 = arith.constant 32 : i32
    %div3A_537 = vector.broadcast %jit3A_536 : i32 to vector<16x512xi32>
    %div3A_538 = arith.divsi %select_n3A_535, %div3A_537 : vector<16x512xi32>
    %sign3A_539 = arith.constant 0 : i32
    %sign3A_540 = vector.broadcast %sign3A_539 : i32 to vector<16x512xi32>
    %sign3A_541 = arith.cmpi sgt, %select_n3A_535, %sign3A_540 : vector<16x512xi32>
    %sign3A_542 = arith.extui %sign3A_541 : vector<16x512xi1> to vector<16x512xi32>
    %sign3A_543 = arith.constant 0 : i32
    %sign3A_544 = vector.broadcast %sign3A_543 : i32 to vector<16x512xi32>
    %sign3A_545 = arith.cmpi slt, %select_n3A_535, %sign3A_544 : vector<16x512xi32>
    %sign3A_546 = arith.extui %sign3A_545 : vector<16x512xi1> to vector<16x512xi32>
    %sign3A_547 = arith.subi %sign3A_542, %sign3A_546 : vector<16x512xi32>
    %sign3A_548 = arith.constant 0 : i32
    %sign3A_549 = arith.cmpi sgt, %jit3A_536, %sign3A_548 : i32
    %sign3A_550 = arith.extui %sign3A_549 : i1 to i32
    %sign3A_551 = arith.constant 0 : i32
    %sign3A_552 = arith.cmpi slt, %jit3A_536, %sign3A_551 : i32
    %sign3A_553 = arith.extui %sign3A_552 : i1 to i32
    %sign3A_554 = arith.subi %sign3A_550, %sign3A_553 : i32
    %ne3A_555 = vector.broadcast %sign3A_554 : i32 to vector<16x512xi32>
    %ne3A_556 = arith.cmpi ne, %sign3A_547, %ne3A_555 : vector<16x512xi32>
    %rem3A_557 = vector.broadcast %jit3A_536 : i32 to vector<16x512xi32>
    %rem3A_558 = arith.remsi %select_n3A_535, %rem3A_557 : vector<16x512xi32>
    %ne3A_559 = arith.constant 0 : i32
    %ne3A_560 = vector.broadcast %ne3A_559 : i32 to vector<16x512xi32>
    %ne3A_561 = arith.cmpi ne, %rem3A_558, %ne3A_560 : vector<16x512xi32>
    %and3A_562 = arith.andi %ne3A_556, %ne3A_561 : vector<16x512xi1>
    %sub3A_563 = arith.constant 1 : i32
    %sub3A_564 = vector.broadcast %sub3A_563 : i32 to vector<16x512xi32>
    %sub3A_565 = arith.subi %div3A_538, %sub3A_564 : vector<16x512xi32>
    %select_n3A_566 = arith.select %and3A_562, %sub3A_565, %div3A_538 : vector<16x512xi1>, vector<16x512xi32>
    %jit3A_567 = arith.constant 4 : i32
    %eq3A_568 = arith.constant 0 : i32
    %eq3A_569 = arith.cmpi eq, %jit3A_567, %eq3A_568 : i32
    %jit3A_570 = arith.constant 1 : i32
    %select_n3A_571 = arith.select %eq3A_569, %jit3A_570, %jit3A_567 : i32
    %rem3A_572 = vector.broadcast %select_n3A_571 : i32 to vector<16x512xi32>
    %rem3A_573 = arith.remsi %iota3A_449, %rem3A_572 : vector<16x512xi32>
    %ne3A_574 = arith.constant 0 : i32
    %ne3A_575 = vector.broadcast %ne3A_574 : i32 to vector<16x512xi32>
    %ne3A_576 = arith.cmpi ne, %rem3A_573, %ne3A_575 : vector<16x512xi32>
    %lt3A_577 = arith.constant 0 : i32
    %lt3A_578 = vector.broadcast %lt3A_577 : i32 to vector<16x512xi32>
    %lt3A_579 = arith.cmpi slt, %rem3A_573, %lt3A_578 : vector<16x512xi32>
    %lt3A_580 = arith.constant 0 : i32
    %lt3A_581 = arith.cmpi slt, %select_n3A_571, %lt3A_580 : i32
    %ne3A_582 = vector.broadcast %lt3A_581 : i1 to vector<16x512xi1>
    %ne3A_583 = vector.broadcast %ne3A_582 : vector<16x512xi1> to vector<16x512xi1>
    %ne3A_584 = arith.xori %lt3A_579, %ne3A_583 : vector<16x512xi1>
    %and3A_585 = arith.andi %ne3A_584, %ne3A_576 : vector<16x512xi1>
    %add3A_586 = vector.broadcast %select_n3A_571 : i32 to vector<16x512xi32>
    %add3A_587 = arith.addi %rem3A_573, %add3A_586 : vector<16x512xi32>
    %select_n3A_588 = arith.select %and3A_585, %add3A_587, %rem3A_573 : vector<16x512xi1>, vector<16x512xi32>
    %eq3A_589 = arith.cmpi eq, %select_n3A_566, %select_n3A_588 : vector<16x512xi32>
    %and3A_590 = arith.andi %eq3A_513, %eq3A_589 : vector<16x512xi1>
    %convert_element_type3A_591 = arith.extui %and3A_590 : vector<16x512xi1> to vector<16x512xi32>
    %convert_element_type3A_592 = arith.sitofp %convert_element_type3A_591 : vector<16x512xi32> to vector<16x512xf32>
    %concatenate3A_593 = tpu.concatenate %dot_general3A_121, %dot_general3A_184, %dot_general3A_247, %dot_general3A_310 in 0 : vector<512x128xf32>, vector<512x128xf32>, vector<512x128xf32>, vector<512x128xf32> -> vector<2048x128xf32>
    %get3A_594 = arith.constant 0 : index
    %get3A_595 = arith.constant 0 : index
    %get3A_596 = arith.constant 0 : index
    %get3A_597 = vector.load %arg8[%get3A_594, %get3A_595, %get3A_596] : memref<2x384x128xf32, #tpu.memory_space<vmem>>, vector<1x384x128xf32>
    %get3A_598 = vector.shape_cast %get3A_597 : vector<1x384x128xf32> to vector<384x128xf32>
    %dot_general3A_599 = arith.constant dense<0.000000e+00> : vector<2048x384xf32>
    %dot_general3A_600 = tpu.matmul %concatenate3A_593, %get3A_598, %dot_general3A_599 {dimension_numbers = #tpu.dot_dimension_numbers<[1], [1], [0], [0], [0, 0, 1, 0], [], []>, transpose_lhs_hint = false} : vector<2048x128xf32>, vector<384x128xf32>, vector<2048x384xf32> -> vector<2048x384xf32>
    %get3A_601 = arith.constant 0 : index
    %get3A_602 = arith.constant 0 : index
    %get3A_603 = arith.constant 0 : index
    %get3A_604 = vector.load %arg9[%get3A_601, %get3A_602, %get3A_603] : memref<2x1x384xf32, #tpu.memory_space<vmem>>, vector<1x1x384xf32>
    %get3A_605 = vector.shape_cast %get3A_604 : vector<1x1x384xf32> to vector<1x384xf32>
    %add3A_606 = vector.broadcast %get3A_605 : vector<1x384xf32> to vector<2048x384xf32>
    %add3A_607 = arith.addf %dot_general3A_600, %add3A_606 : vector<2048x384xf32>
    %slice3A_608 = vector.extract_strided_slice %add3A_607 {offsets = [0, 0], sizes = [2048, 128], strides = [1, 1]} : vector<2048x384xf32> to vector<2048x128xf32>
    %slice3A_609 = vector.extract_strided_slice %add3A_607 {offsets = [0, 128], sizes = [2048, 128], strides = [1, 1]} : vector<2048x384xf32> to vector<2048x128xf32>
    %slice3A_610 = vector.extract_strided_slice %add3A_607 {offsets = [0, 256], sizes = [2048, 128], strides = [1, 1]} : vector<2048x384xf32> to vector<2048x128xf32>
    %slice3A_611 = vector.extract_strided_slice %slice3A_610 {offsets = [0, 0], sizes = [512, 128], strides = [1, 1]} : vector<2048x128xf32> to vector<512x128xf32>
    %slice3A_612 = vector.extract_strided_slice %slice3A_610 {offsets = [512, 0], sizes = [512, 128], strides = [1, 1]} : vector<2048x128xf32> to vector<512x128xf32>
    %slice3A_613 = vector.extract_strided_slice %slice3A_610 {offsets = [1024, 0], sizes = [512, 128], strides = [1, 1]} : vector<2048x128xf32> to vector<512x128xf32>
    %slice3A_614 = vector.extract_strided_slice %slice3A_610 {offsets = [1536, 0], sizes = [512, 128], strides = [1, 1]} : vector<2048x128xf32> to vector<512x128xf32>
    %concatenate3A_615 = tpu.concatenate %slice3A_611, %slice3A_612, %slice3A_613, %slice3A_614 in 1 : vector<512x128xf32>, vector<512x128xf32>, vector<512x128xf32>, vector<512x128xf32> -> vector<512x512xf32>
    %slice3A_616 = vector.extract_strided_slice %slice3A_608 {offsets = [0, 0], sizes = [512, 128], strides = [1, 1]} : vector<2048x128xf32> to vector<512x128xf32>
    %slice3A_617 = vector.extract_strided_slice %slice3A_609 {offsets = [0, 0], sizes = [512, 128], strides = [1, 1]} : vector<2048x128xf32> to vector<512x128xf32>
    %mul3A_618 = arith.mulf %slice3A_616, %slice3A_617 : vector<512x128xf32>
    %slice3A_619 = vector.extract_strided_slice %slice3A_609 {offsets = [512, 0], sizes = [512, 128], strides = [1, 1]} : vector<2048x128xf32> to vector<512x128xf32>
    %mul3A_620 = arith.mulf %slice3A_616, %slice3A_619 : vector<512x128xf32>
    %slice3A_621 = vector.extract_strided_slice %slice3A_609 {offsets = [1024, 0], sizes = [512, 128], strides = [1, 1]} : vector<2048x128xf32> to vector<512x128xf32>
    %mul3A_622 = arith.mulf %slice3A_616, %slice3A_621 : vector<512x128xf32>
    %slice3A_623 = vector.extract_strided_slice %slice3A_609 {offsets = [1536, 0], sizes = [512, 128], strides = [1, 1]} : vector<2048x128xf32> to vector<512x128xf32>
    %mul3A_624 = arith.mulf %slice3A_616, %slice3A_623 : vector<512x128xf32>
    %concatenate3A_625 = tpu.concatenate %mul3A_618, %mul3A_620, %mul3A_622, %mul3A_624 in 1 : vector<512x128xf32>, vector<512x128xf32>, vector<512x128xf32>, vector<512x128xf32> -> vector<512x512xf32>
    %dot_general3A_626 = arith.constant dense<0.000000e+00> : vector<512x16xf32>
    %dot_general3A_627 = tpu.matmul %concatenate3A_625, %convert_element_type3A_448, %dot_general3A_626 {dimension_numbers = #tpu.dot_dimension_numbers<[1], [0], [0], [1], [0, 0, 1, 1], [], []>, transpose_lhs_hint = false} : vector<512x512xf32>, vector<512x16xf32>, vector<512x16xf32> -> vector<512x16xf32>
    %mul3A_628 = arith.constant 0.176776692 : f32
    %mul3A_629 = vector.broadcast %mul3A_628 : f32 to vector<512x16xf32>
    %mul3A_630 = arith.mulf %dot_general3A_627, %mul3A_629 : vector<512x16xf32>
    %exp3A = math.exp %mul3A_630 : vector<512x16xf32>
    %slice3A_631 = vector.extract_strided_slice %exp3A {offsets = [0, 0], sizes = [512, 4], strides = [1, 1]} : vector<512x16xf32> to vector<512x4xf32>
    %slice3A_632 = vector.extract_strided_slice %exp3A {offsets = [0, 4], sizes = [512, 4], strides = [1, 1]} : vector<512x16xf32> to vector<512x4xf32>
    %add3A_633 = arith.addf %slice3A_631, %slice3A_632 : vector<512x4xf32>
    %slice3A_634 = vector.extract_strided_slice %exp3A {offsets = [0, 8], sizes = [512, 4], strides = [1, 1]} : vector<512x16xf32> to vector<512x4xf32>
    %add3A_635 = arith.addf %add3A_633, %slice3A_634 : vector<512x4xf32>
    %slice3A_636 = vector.extract_strided_slice %exp3A {offsets = [0, 12], sizes = [512, 4], strides = [1, 1]} : vector<512x16xf32> to vector<512x4xf32>
    %add3A_637 = arith.addf %add3A_635, %slice3A_636 : vector<512x4xf32>
    %concatenate3A_638 = tpu.concatenate %add3A_637, %add3A_637, %add3A_637, %add3A_637 in 1 : vector<512x4xf32>, vector<512x4xf32>, vector<512x4xf32>, vector<512x4xf32> -> vector<512x16xf32>
    %div3A_639 = arith.divf %exp3A, %concatenate3A_638 : vector<512x16xf32>
    %dot_general3A_640 = arith.constant dense<0.000000e+00> : vector<512x512xf32>
    %dot_general3A_641 = tpu.matmul %div3A_639, %convert_element_type3A_592, %dot_general3A_640 {dimension_numbers = #tpu.dot_dimension_numbers<[1], [0], [0], [1], [0, 0, 1, 1], [], []>, transpose_lhs_hint = false} : vector<512x16xf32>, vector<16x512xf32>, vector<512x512xf32> -> vector<512x512xf32>
    %mul3A_642 = arith.mulf %dot_general3A_641, %concatenate3A_615 : vector<512x512xf32>
    %slice3A_643 = vector.extract_strided_slice %mul3A_642 {offsets = [0, 0], sizes = [512, 128], strides = [1, 1]} : vector<512x512xf32> to vector<512x128xf32>
    %slice3A_644 = vector.extract_strided_slice %mul3A_642 {offsets = [0, 128], sizes = [512, 128], strides = [1, 1]} : vector<512x512xf32> to vector<512x128xf32>
    %add3A_645 = arith.addf %slice3A_643, %slice3A_644 : vector<512x128xf32>
    %slice3A_646 = vector.extract_strided_slice %mul3A_642 {offsets = [0, 256], sizes = [512, 128], strides = [1, 1]} : vector<512x512xf32> to vector<512x128xf32>
    %add3A_647 = arith.addf %add3A_645, %slice3A_646 : vector<512x128xf32>
    %slice3A_648 = vector.extract_strided_slice %mul3A_642 {offsets = [0, 384], sizes = [512, 128], strides = [1, 1]} : vector<512x512xf32> to vector<512x128xf32>
    %add3A_649 = arith.addf %add3A_647, %slice3A_648 : vector<512x128xf32>
    %slice3A_650 = vector.extract_strided_slice %slice3A_608 {offsets = [512, 0], sizes = [512, 128], strides = [1, 1]} : vector<2048x128xf32> to vector<512x128xf32>
    %slice3A_651 = vector.extract_strided_slice %slice3A_609 {offsets = [0, 0], sizes = [512, 128], strides = [1, 1]} : vector<2048x128xf32> to vector<512x128xf32>
    %mul3A_652 = arith.mulf %slice3A_650, %slice3A_651 : vector<512x128xf32>
    %slice3A_653 = vector.extract_strided_slice %slice3A_609 {offsets = [512, 0], sizes = [512, 128], strides = [1, 1]} : vector<2048x128xf32> to vector<512x128xf32>
    %mul3A_654 = arith.mulf %slice3A_650, %slice3A_653 : vector<512x128xf32>
    %slice3A_655 = vector.extract_strided_slice %slice3A_609 {offsets = [1024, 0], sizes = [512, 128], strides = [1, 1]} : vector<2048x128xf32> to vector<512x128xf32>
    %mul3A_656 = arith.mulf %slice3A_650, %slice3A_655 : vector<512x128xf32>
    %slice3A_657 = vector.extract_strided_slice %slice3A_609 {offsets = [1536, 0], sizes = [512, 128], strides = [1, 1]} : vector<2048x128xf32> to vector<512x128xf32>
    %mul3A_658 = arith.mulf %slice3A_650, %slice3A_657 : vector<512x128xf32>
    %concatenate3A_659 = tpu.concatenate %mul3A_652, %mul3A_654, %mul3A_656, %mul3A_658 in 1 : vector<512x128xf32>, vector<512x128xf32>, vector<512x128xf32>, vector<512x128xf32> -> vector<512x512xf32>
    %dot_general3A_660 = arith.constant dense<0.000000e+00> : vector<512x16xf32>
    %dot_general3A_661 = tpu.matmul %concatenate3A_659, %convert_element_type3A_448, %dot_general3A_660 {dimension_numbers = #tpu.dot_dimension_numbers<[1], [0], [0], [1], [0, 0, 1, 1], [], []>, transpose_lhs_hint = false} : vector<512x512xf32>, vector<512x16xf32>, vector<512x16xf32> -> vector<512x16xf32>
    %mul3A_662 = arith.constant 0.176776692 : f32
    %mul3A_663 = vector.broadcast %mul3A_662 : f32 to vector<512x16xf32>
    %mul3A_664 = arith.mulf %dot_general3A_661, %mul3A_663 : vector<512x16xf32>
    %exp3A_665 = math.exp %mul3A_664 : vector<512x16xf32>
    %slice3A_666 = vector.extract_strided_slice %exp3A_665 {offsets = [0, 0], sizes = [512, 4], strides = [1, 1]} : vector<512x16xf32> to vector<512x4xf32>
    %slice3A_667 = vector.extract_strided_slice %exp3A_665 {offsets = [0, 4], sizes = [512, 4], strides = [1, 1]} : vector<512x16xf32> to vector<512x4xf32>
    %add3A_668 = arith.addf %slice3A_666, %slice3A_667 : vector<512x4xf32>
    %slice3A_669 = vector.extract_strided_slice %exp3A_665 {offsets = [0, 8], sizes = [512, 4], strides = [1, 1]} : vector<512x16xf32> to vector<512x4xf32>
    %add3A_670 = arith.addf %add3A_668, %slice3A_669 : vector<512x4xf32>
    %slice3A_671 = vector.extract_strided_slice %exp3A_665 {offsets = [0, 12], sizes = [512, 4], strides = [1, 1]} : vector<512x16xf32> to vector<512x4xf32>
    %add3A_672 = arith.addf %add3A_670, %slice3A_671 : vector<512x4xf32>
    %concatenate3A_673 = tpu.concatenate %add3A_672, %add3A_672, %add3A_672, %add3A_672 in 1 : vector<512x4xf32>, vector<512x4xf32>, vector<512x4xf32>, vector<512x4xf32> -> vector<512x16xf32>
    %div3A_674 = arith.divf %exp3A_665, %concatenate3A_673 : vector<512x16xf32>
    %dot_general3A_675 = arith.constant dense<0.000000e+00> : vector<512x512xf32>
    %dot_general3A_676 = tpu.matmul %div3A_674, %convert_element_type3A_592, %dot_general3A_675 {dimension_numbers = #tpu.dot_dimension_numbers<[1], [0], [0], [1], [0, 0, 1, 1], [], []>, transpose_lhs_hint = false} : vector<512x16xf32>, vector<16x512xf32>, vector<512x512xf32> -> vector<512x512xf32>
    %mul3A_677 = arith.mulf %dot_general3A_676, %concatenate3A_615 : vector<512x512xf32>
    %slice3A_678 = vector.extract_strided_slice %mul3A_677 {offsets = [0, 0], sizes = [512, 128], strides = [1, 1]} : vector<512x512xf32> to vector<512x128xf32>
    %slice3A_679 = vector.extract_strided_slice %mul3A_677 {offsets = [0, 128], sizes = [512, 128], strides = [1, 1]} : vector<512x512xf32> to vector<512x128xf32>
    %add3A_680 = arith.addf %slice3A_678, %slice3A_679 : vector<512x128xf32>
    %slice3A_681 = vector.extract_strided_slice %mul3A_677 {offsets = [0, 256], sizes = [512, 128], strides = [1, 1]} : vector<512x512xf32> to vector<512x128xf32>
    %add3A_682 = arith.addf %add3A_680, %slice3A_681 : vector<512x128xf32>
    %slice3A_683 = vector.extract_strided_slice %mul3A_677 {offsets = [0, 384], sizes = [512, 128], strides = [1, 1]} : vector<512x512xf32> to vector<512x128xf32>
    %add3A_684 = arith.addf %add3A_682, %slice3A_683 : vector<512x128xf32>
    %slice3A_685 = vector.extract_strided_slice %slice3A_608 {offsets = [1024, 0], sizes = [512, 128], strides = [1, 1]} : vector<2048x128xf32> to vector<512x128xf32>
    %slice3A_686 = vector.extract_strided_slice %slice3A_609 {offsets = [0, 0], sizes = [512, 128], strides = [1, 1]} : vector<2048x128xf32> to vector<512x128xf32>
    %mul3A_687 = arith.mulf %slice3A_685, %slice3A_686 : vector<512x128xf32>
    %slice3A_688 = vector.extract_strided_slice %slice3A_609 {offsets = [512, 0], sizes = [512, 128], strides = [1, 1]} : vector<2048x128xf32> to vector<512x128xf32>
    %mul3A_689 = arith.mulf %slice3A_685, %slice3A_688 : vector<512x128xf32>
    %slice3A_690 = vector.extract_strided_slice %slice3A_609 {offsets = [1024, 0], sizes = [512, 128], strides = [1, 1]} : vector<2048x128xf32> to vector<512x128xf32>
    %mul3A_691 = arith.mulf %slice3A_685, %slice3A_690 : vector<512x128xf32>
    %slice3A_692 = vector.extract_strided_slice %slice3A_609 {offsets = [1536, 0], sizes = [512, 128], strides = [1, 1]} : vector<2048x128xf32> to vector<512x128xf32>
    %mul3A_693 = arith.mulf %slice3A_685, %slice3A_692 : vector<512x128xf32>
    %concatenate3A_694 = tpu.concatenate %mul3A_687, %mul3A_689, %mul3A_691, %mul3A_693 in 1 : vector<512x128xf32>, vector<512x128xf32>, vector<512x128xf32>, vector<512x128xf32> -> vector<512x512xf32>
    %dot_general3A_695 = arith.constant dense<0.000000e+00> : vector<512x16xf32>
    %dot_general3A_696 = tpu.matmul %concatenate3A_694, %convert_element_type3A_448, %dot_general3A_695 {dimension_numbers = #tpu.dot_dimension_numbers<[1], [0], [0], [1], [0, 0, 1, 1], [], []>, transpose_lhs_hint = false} : vector<512x512xf32>, vector<512x16xf32>, vector<512x16xf32> -> vector<512x16xf32>
    %mul3A_697 = arith.constant 0.176776692 : f32
    %mul3A_698 = vector.broadcast %mul3A_697 : f32 to vector<512x16xf32>
    %mul3A_699 = arith.mulf %dot_general3A_696, %mul3A_698 : vector<512x16xf32>
    %exp3A_700 = math.exp %mul3A_699 : vector<512x16xf32>
    %slice3A_701 = vector.extract_strided_slice %exp3A_700 {offsets = [0, 0], sizes = [512, 4], strides = [1, 1]} : vector<512x16xf32> to vector<512x4xf32>
    %slice3A_702 = vector.extract_strided_slice %exp3A_700 {offsets = [0, 4], sizes = [512, 4], strides = [1, 1]} : vector<512x16xf32> to vector<512x4xf32>
    %add3A_703 = arith.addf %slice3A_701, %slice3A_702 : vector<512x4xf32>
    %slice3A_704 = vector.extract_strided_slice %exp3A_700 {offsets = [0, 8], sizes = [512, 4], strides = [1, 1]} : vector<512x16xf32> to vector<512x4xf32>
    %add3A_705 = arith.addf %add3A_703, %slice3A_704 : vector<512x4xf32>
    %slice3A_706 = vector.extract_strided_slice %exp3A_700 {offsets = [0, 12], sizes = [512, 4], strides = [1, 1]} : vector<512x16xf32> to vector<512x4xf32>
    %add3A_707 = arith.addf %add3A_705, %slice3A_706 : vector<512x4xf32>
    %concatenate3A_708 = tpu.concatenate %add3A_707, %add3A_707, %add3A_707, %add3A_707 in 1 : vector<512x4xf32>, vector<512x4xf32>, vector<512x4xf32>, vector<512x4xf32> -> vector<512x16xf32>
    %div3A_709 = arith.divf %exp3A_700, %concatenate3A_708 : vector<512x16xf32>
    %dot_general3A_710 = arith.constant dense<0.000000e+00> : vector<512x512xf32>
    %dot_general3A_711 = tpu.matmul %div3A_709, %convert_element_type3A_592, %dot_general3A_710 {dimension_numbers = #tpu.dot_dimension_numbers<[1], [0], [0], [1], [0, 0, 1, 1], [], []>, transpose_lhs_hint = false} : vector<512x16xf32>, vector<16x512xf32>, vector<512x512xf32> -> vector<512x512xf32>
    %mul3A_712 = arith.mulf %dot_general3A_711, %concatenate3A_615 : vector<512x512xf32>
    %slice3A_713 = vector.extract_strided_slice %mul3A_712 {offsets = [0, 0], sizes = [512, 128], strides = [1, 1]} : vector<512x512xf32> to vector<512x128xf32>
    %slice3A_714 = vector.extract_strided_slice %mul3A_712 {offsets = [0, 128], sizes = [512, 128], strides = [1, 1]} : vector<512x512xf32> to vector<512x128xf32>
    %add3A_715 = arith.addf %slice3A_713, %slice3A_714 : vector<512x128xf32>
    %slice3A_716 = vector.extract_strided_slice %mul3A_712 {offsets = [0, 256], sizes = [512, 128], strides = [1, 1]} : vector<512x512xf32> to vector<512x128xf32>
    %add3A_717 = arith.addf %add3A_715, %slice3A_716 : vector<512x128xf32>
    %slice3A_718 = vector.extract_strided_slice %mul3A_712 {offsets = [0, 384], sizes = [512, 128], strides = [1, 1]} : vector<512x512xf32> to vector<512x128xf32>
    %add3A_719 = arith.addf %add3A_717, %slice3A_718 : vector<512x128xf32>
    %slice3A_720 = vector.extract_strided_slice %slice3A_608 {offsets = [1536, 0], sizes = [512, 128], strides = [1, 1]} : vector<2048x128xf32> to vector<512x128xf32>
    %slice3A_721 = vector.extract_strided_slice %slice3A_609 {offsets = [0, 0], sizes = [512, 128], strides = [1, 1]} : vector<2048x128xf32> to vector<512x128xf32>
    %mul3A_722 = arith.mulf %slice3A_720, %slice3A_721 : vector<512x128xf32>
    %slice3A_723 = vector.extract_strided_slice %slice3A_609 {offsets = [512, 0], sizes = [512, 128], strides = [1, 1]} : vector<2048x128xf32> to vector<512x128xf32>
    %mul3A_724 = arith.mulf %slice3A_720, %slice3A_723 : vector<512x128xf32>
    %slice3A_725 = vector.extract_strided_slice %slice3A_609 {offsets = [1024, 0], sizes = [512, 128], strides = [1, 1]} : vector<2048x128xf32> to vector<512x128xf32>
    %mul3A_726 = arith.mulf %slice3A_720, %slice3A_725 : vector<512x128xf32>
    %slice3A_727 = vector.extract_strided_slice %slice3A_609 {offsets = [1536, 0], sizes = [512, 128], strides = [1, 1]} : vector<2048x128xf32> to vector<512x128xf32>
    %mul3A_728 = arith.mulf %slice3A_720, %slice3A_727 : vector<512x128xf32>
    %concatenate3A_729 = tpu.concatenate %mul3A_722, %mul3A_724, %mul3A_726, %mul3A_728 in 1 : vector<512x128xf32>, vector<512x128xf32>, vector<512x128xf32>, vector<512x128xf32> -> vector<512x512xf32>
    %dot_general3A_730 = arith.constant dense<0.000000e+00> : vector<512x16xf32>
    %dot_general3A_731 = tpu.matmul %concatenate3A_729, %convert_element_type3A_448, %dot_general3A_730 {dimension_numbers = #tpu.dot_dimension_numbers<[1], [0], [0], [1], [0, 0, 1, 1], [], []>, transpose_lhs_hint = false} : vector<512x512xf32>, vector<512x16xf32>, vector<512x16xf32> -> vector<512x16xf32>
    %mul3A_732 = arith.constant 0.176776692 : f32
    %mul3A_733 = vector.broadcast %mul3A_732 : f32 to vector<512x16xf32>
    %mul3A_734 = arith.mulf %dot_general3A_731, %mul3A_733 : vector<512x16xf32>
    %exp3A_735 = math.exp %mul3A_734 : vector<512x16xf32>
    %slice3A_736 = vector.extract_strided_slice %exp3A_735 {offsets = [0, 0], sizes = [512, 4], strides = [1, 1]} : vector<512x16xf32> to vector<512x4xf32>
    %slice3A_737 = vector.extract_strided_slice %exp3A_735 {offsets = [0, 4], sizes = [512, 4], strides = [1, 1]} : vector<512x16xf32> to vector<512x4xf32>
    %add3A_738 = arith.addf %slice3A_736, %slice3A_737 : vector<512x4xf32>
    %slice3A_739 = vector.extract_strided_slice %exp3A_735 {offsets = [0, 8], sizes = [512, 4], strides = [1, 1]} : vector<512x16xf32> to vector<512x4xf32>
    %add3A_740 = arith.addf %add3A_738, %slice3A_739 : vector<512x4xf32>
    %slice3A_741 = vector.extract_strided_slice %exp3A_735 {offsets = [0, 12], sizes = [512, 4], strides = [1, 1]} : vector<512x16xf32> to vector<512x4xf32>
    %add3A_742 = arith.addf %add3A_740, %slice3A_741 : vector<512x4xf32>
    %concatenate3A_743 = tpu.concatenate %add3A_742, %add3A_742, %add3A_742, %add3A_742 in 1 : vector<512x4xf32>, vector<512x4xf32>, vector<512x4xf32>, vector<512x4xf32> -> vector<512x16xf32>
    %div3A_744 = arith.divf %exp3A_735, %concatenate3A_743 : vector<512x16xf32>
    %dot_general3A_745 = arith.constant dense<0.000000e+00> : vector<512x512xf32>
    %dot_general3A_746 = tpu.matmul %div3A_744, %convert_element_type3A_592, %dot_general3A_745 {dimension_numbers = #tpu.dot_dimension_numbers<[1], [0], [0], [1], [0, 0, 1, 1], [], []>, transpose_lhs_hint = false} : vector<512x16xf32>, vector<16x512xf32>, vector<512x512xf32> -> vector<512x512xf32>
    %mul3A_747 = arith.mulf %dot_general3A_746, %concatenate3A_615 : vector<512x512xf32>
    %slice3A_748 = vector.extract_strided_slice %mul3A_747 {offsets = [0, 0], sizes = [512, 128], strides = [1, 1]} : vector<512x512xf32> to vector<512x128xf32>
    %slice3A_749 = vector.extract_strided_slice %mul3A_747 {offsets = [0, 128], sizes = [512, 128], strides = [1, 1]} : vector<512x512xf32> to vector<512x128xf32>
    %add3A_750 = arith.addf %slice3A_748, %slice3A_749 : vector<512x128xf32>
    %slice3A_751 = vector.extract_strided_slice %mul3A_747 {offsets = [0, 256], sizes = [512, 128], strides = [1, 1]} : vector<512x512xf32> to vector<512x128xf32>
    %add3A_752 = arith.addf %add3A_750, %slice3A_751 : vector<512x128xf32>
    %slice3A_753 = vector.extract_strided_slice %mul3A_747 {offsets = [0, 384], sizes = [512, 128], strides = [1, 1]} : vector<512x512xf32> to vector<512x128xf32>
    %add3A_754 = arith.addf %add3A_752, %slice3A_753 : vector<512x128xf32>
    %concatenate3A_755 = tpu.concatenate %add3A_649, %add3A_684, %add3A_719, %add3A_754 in 0 : vector<512x128xf32>, vector<512x128xf32>, vector<512x128xf32>, vector<512x128xf32> -> vector<2048x128xf32>
    %get3A_756 = arith.constant 0 : index
    %get3A_757 = arith.constant 0 : index
    %get3A_758 = arith.constant 0 : index
    %get3A_759 = vector.load %arg10[%get3A_756, %get3A_757, %get3A_758] : memref<2x128x128xf32, #tpu.memory_space<vmem>>, vector<1x128x128xf32>
    %get3A_760 = vector.shape_cast %get3A_759 : vector<1x128x128xf32> to vector<128x128xf32>
    %dot_general3A_761 = arith.constant dense<0.000000e+00> : vector<2048x128xf32>
    %dot_general3A_762 = tpu.matmul %concatenate3A_755, %get3A_760, %dot_general3A_761 {dimension_numbers = #tpu.dot_dimension_numbers<[1], [1], [0], [0], [0, 0, 1, 0], [], []>, transpose_lhs_hint = false} : vector<2048x128xf32>, vector<128x128xf32>, vector<2048x128xf32> -> vector<2048x128xf32>
    %get3A_763 = arith.constant 0 : index
    %get3A_764 = arith.constant 0 : index
    %get3A_765 = arith.constant 0 : index
    %get3A_766 = vector.load %arg11[%get3A_763, %get3A_764, %get3A_765] : memref<2x1x128xf32, #tpu.memory_space<vmem>>, vector<1x1x128xf32>
    %get3A_767 = vector.shape_cast %get3A_766 : vector<1x1x128xf32> to vector<1x128xf32>
    %add3A_768 = vector.broadcast %get3A_767 : vector<1x128xf32> to vector<2048x128xf32>
    %add3A_769 = arith.addf %dot_general3A_762, %add3A_768 : vector<2048x128xf32>
    %add3A_770 = arith.addf %concatenate3A_593, %add3A_769 : vector<2048x128xf32>
    %get3A_771 = arith.constant 0 : index
    %get3A_772 = arith.constant 0 : index
    %get3A_773 = arith.constant 0 : index
    %get3A_774 = vector.load %arg12[%get3A_771, %get3A_772, %get3A_773] : memref<2x1x128xf32, #tpu.memory_space<vmem>>, vector<1x1x128xf32>
    %get3A_775 = vector.shape_cast %get3A_774 : vector<1x1x128xf32> to vector<1x128xf32>
    %get3A_776 = arith.constant 0 : index
    %get3A_777 = arith.constant 0 : index
    %get3A_778 = arith.constant 0 : index
    %get3A_779 = vector.load %arg13[%get3A_776, %get3A_777, %get3A_778] : memref<2x1x128xf32, #tpu.memory_space<vmem>>, vector<1x1x128xf32>
    %get3A_780 = vector.shape_cast %get3A_779 : vector<1x1x128xf32> to vector<1x128xf32>
    %reduce_sum3A_781 = arith.constant dense<0.000000e+00> : vector<2048xf32>
    %reduce_sum3A_782 = vector.multi_reduction <add>, %add3A_770, %reduce_sum3A_781 [1] : vector<2048x128xf32> to vector<2048xf32>
    %broadcast_in_dim3A_783 = vector.shape_cast %reduce_sum3A_782 : vector<2048xf32> to vector<2048x1xf32>
    %div3A_784 = arith.constant 1.280000e+02 : f32
    %div3A_785 = vector.broadcast %div3A_784 : f32 to vector<2048x1xf32>
    %div3A_786 = arith.divf %broadcast_in_dim3A_783, %div3A_785 : vector<2048x1xf32>
    %sub3A_787 = vector.broadcast %div3A_786 : vector<2048x1xf32> to vector<2048x128xf32>
    %sub3A_788 = arith.subf %add3A_770, %sub3A_787 : vector<2048x128xf32>
    %mul3A_789 = arith.mulf %sub3A_788, %sub3A_788 : vector<2048x128xf32>
    %reduce_sum3A_790 = arith.constant dense<0.000000e+00> : vector<2048xf32>
    %reduce_sum3A_791 = vector.multi_reduction <add>, %mul3A_789, %reduce_sum3A_790 [1] : vector<2048x128xf32> to vector<2048xf32>
    %broadcast_in_dim3A_792 = vector.shape_cast %reduce_sum3A_791 : vector<2048xf32> to vector<2048x1xf32>
    %div3A_793 = arith.constant 1.280000e+02 : f32
    %div3A_794 = vector.broadcast %div3A_793 : f32 to vector<2048x1xf32>
    %div3A_795 = arith.divf %broadcast_in_dim3A_792, %div3A_794 : vector<2048x1xf32>
    %add3A_796 = arith.constant 9.99999974E-6 : f32
    %add3A_797 = vector.broadcast %add3A_796 : f32 to vector<2048x1xf32>
    %add3A_798 = arith.addf %div3A_795, %add3A_797 : vector<2048x1xf32>
    %rsqrt3A = math.rsqrt %add3A_798 : vector<2048x1xf32>
    %mul3A_799 = vector.broadcast %rsqrt3A : vector<2048x1xf32> to vector<2048x128xf32>
    %mul3A_800 = arith.mulf %sub3A_788, %mul3A_799 : vector<2048x128xf32>
    %mul3A_801 = vector.broadcast %get3A_775 : vector<1x128xf32> to vector<2048x128xf32>
    %mul3A_802 = arith.mulf %mul3A_800, %mul3A_801 : vector<2048x128xf32>
    %add3A_803 = vector.broadcast %get3A_780 : vector<1x128xf32> to vector<2048x128xf32>
    %add3A_804 = arith.addf %mul3A_802, %add3A_803 : vector<2048x128xf32>
    %get3A_805 = arith.constant 0 : index
    %get3A_806 = arith.constant 0 : index
    %get3A_807 = arith.constant 0 : index
    %get3A_808 = vector.load %arg14[%get3A_805, %get3A_806, %get3A_807] : memref<2x512x128xf32, #tpu.memory_space<vmem>>, vector<1x512x128xf32>
    %get3A_809 = vector.shape_cast %get3A_808 : vector<1x512x128xf32> to vector<512x128xf32>
    %dot_general3A_810 = arith.constant dense<0.000000e+00> : vector<2048x512xf32>
    %dot_general3A_811 = tpu.matmul %add3A_804, %get3A_809, %dot_general3A_810 {dimension_numbers = #tpu.dot_dimension_numbers<[1], [1], [0], [0], [0, 0, 1, 0], [], []>, transpose_lhs_hint = false} : vector<2048x128xf32>, vector<512x128xf32>, vector<2048x512xf32> -> vector<2048x512xf32>
    %get3A_812 = arith.constant 0 : index
    %get3A_813 = arith.constant 0 : index
    %get3A_814 = arith.constant 0 : index
    %get3A_815 = vector.load %arg15[%get3A_812, %get3A_813, %get3A_814] : memref<2x1x512xf32, #tpu.memory_space<vmem>>, vector<1x1x512xf32>
    %get3A_816 = vector.shape_cast %get3A_815 : vector<1x1x512xf32> to vector<1x512xf32>
    %add3A_817 = vector.broadcast %get3A_816 : vector<1x512xf32> to vector<2048x512xf32>
    %add3A_818 = arith.addf %dot_general3A_811, %add3A_817 : vector<2048x512xf32>
    %max3A_819 = arith.constant 0.000000e+00 : f32
    %max3A_820 = vector.broadcast %max3A_819 : f32 to vector<2048x512xf32>
    %max3A_821 = arith.maximumf %add3A_818, %max3A_820 : vector<2048x512xf32>
    %get3A_822 = arith.constant 0 : index
    %get3A_823 = arith.constant 0 : index
    %get3A_824 = arith.constant 0 : index
    %get3A_825 = vector.load %arg16[%get3A_822, %get3A_823, %get3A_824] : memref<2x128x512xf32, #tpu.memory_space<vmem>>, vector<1x128x512xf32>
    %get3A_826 = vector.shape_cast %get3A_825 : vector<1x128x512xf32> to vector<128x512xf32>
    %dot_general3A_827 = arith.constant dense<0.000000e+00> : vector<2048x128xf32>
    %dot_general3A_828 = tpu.matmul %max3A_821, %get3A_826, %dot_general3A_827 {dimension_numbers = #tpu.dot_dimension_numbers<[1], [1], [0], [0], [0, 0, 1, 0], [], []>, transpose_lhs_hint = false} : vector<2048x512xf32>, vector<128x512xf32>, vector<2048x128xf32> -> vector<2048x128xf32>
    %get3A_829 = arith.constant 0 : index
    %get3A_830 = arith.constant 0 : index
    %get3A_831 = arith.constant 0 : index
    %get3A_832 = vector.load %arg17[%get3A_829, %get3A_830, %get3A_831] : memref<2x1x128xf32, #tpu.memory_space<vmem>>, vector<1x1x128xf32>
    %get3A_833 = vector.shape_cast %get3A_832 : vector<1x1x128xf32> to vector<1x128xf32>
    %add3A_834 = vector.broadcast %get3A_833 : vector<1x128xf32> to vector<2048x128xf32>
    %add3A_835 = arith.addf %dot_general3A_828, %add3A_834 : vector<2048x128xf32>
    %add3A_836 = arith.addf %add3A_804, %add3A_835 : vector<2048x128xf32>
    %get3A_837 = arith.constant 0 : index
    %get3A_838 = arith.constant 0 : index
    %get3A_839 = arith.constant 0 : index
    %get3A_840 = vector.load %arg18[%get3A_837, %get3A_838, %get3A_839] : memref<2x1x128xf32, #tpu.memory_space<vmem>>, vector<1x1x128xf32>
    %get3A_841 = vector.shape_cast %get3A_840 : vector<1x1x128xf32> to vector<1x128xf32>
    %get3A_842 = arith.constant 0 : index
    %get3A_843 = arith.constant 0 : index
    %get3A_844 = arith.constant 0 : index
    %get3A_845 = vector.load %arg19[%get3A_842, %get3A_843, %get3A_844] : memref<2x1x128xf32, #tpu.memory_space<vmem>>, vector<1x1x128xf32>
    %get3A_846 = vector.shape_cast %get3A_845 : vector<1x1x128xf32> to vector<1x128xf32>
    %reduce_sum3A_847 = arith.constant dense<0.000000e+00> : vector<2048xf32>
    %reduce_sum3A_848 = vector.multi_reduction <add>, %add3A_836, %reduce_sum3A_847 [1] : vector<2048x128xf32> to vector<2048xf32>
    %broadcast_in_dim3A_849 = vector.shape_cast %reduce_sum3A_848 : vector<2048xf32> to vector<2048x1xf32>
    %div3A_850 = arith.constant 1.280000e+02 : f32
    %div3A_851 = vector.broadcast %div3A_850 : f32 to vector<2048x1xf32>
    %div3A_852 = arith.divf %broadcast_in_dim3A_849, %div3A_851 : vector<2048x1xf32>
    %sub3A_853 = vector.broadcast %div3A_852 : vector<2048x1xf32> to vector<2048x128xf32>
    %sub3A_854 = arith.subf %add3A_836, %sub3A_853 : vector<2048x128xf32>
    %mul3A_855 = arith.mulf %sub3A_854, %sub3A_854 : vector<2048x128xf32>
    %reduce_sum3A_856 = arith.constant dense<0.000000e+00> : vector<2048xf32>
    %reduce_sum3A_857 = vector.multi_reduction <add>, %mul3A_855, %reduce_sum3A_856 [1] : vector<2048x128xf32> to vector<2048xf32>
    %broadcast_in_dim3A_858 = vector.shape_cast %reduce_sum3A_857 : vector<2048xf32> to vector<2048x1xf32>
    %div3A_859 = arith.constant 1.280000e+02 : f32
    %div3A_860 = vector.broadcast %div3A_859 : f32 to vector<2048x1xf32>
    %div3A_861 = arith.divf %broadcast_in_dim3A_858, %div3A_860 : vector<2048x1xf32>
    %add3A_862 = arith.constant 9.99999974E-6 : f32
    %add3A_863 = vector.broadcast %add3A_862 : f32 to vector<2048x1xf32>
    %add3A_864 = arith.addf %div3A_861, %add3A_863 : vector<2048x1xf32>
    %rsqrt3A_865 = math.rsqrt %add3A_864 : vector<2048x1xf32>
    %mul3A_866 = vector.broadcast %rsqrt3A_865 : vector<2048x1xf32> to vector<2048x128xf32>
    %mul3A_867 = arith.mulf %sub3A_854, %mul3A_866 : vector<2048x128xf32>
    %mul3A_868 = vector.broadcast %get3A_841 : vector<1x128xf32> to vector<2048x128xf32>
    %mul3A_869 = arith.mulf %mul3A_867, %mul3A_868 : vector<2048x128xf32>
    %add3A_870 = vector.broadcast %get3A_846 : vector<1x128xf32> to vector<2048x128xf32>
    %add3A_871 = arith.addf %mul3A_869, %add3A_870 : vector<2048x128xf32>
    %get3A_872 = arith.constant 1 : index
    %get3A_873 = arith.constant 0 : index
    %get3A_874 = arith.constant 0 : index
    %get3A_875 = vector.load %arg8[%get3A_872, %get3A_873, %get3A_874] : memref<2x384x128xf32, #tpu.memory_space<vmem>>, vector<1x384x128xf32>
    %get3A_876 = vector.shape_cast %get3A_875 : vector<1x384x128xf32> to vector<384x128xf32>
    %dot_general3A_877 = arith.constant dense<0.000000e+00> : vector<2048x384xf32>
    %dot_general3A_878 = tpu.matmul %add3A_871, %get3A_876, %dot_general3A_877 {dimension_numbers = #tpu.dot_dimension_numbers<[1], [1], [0], [0], [0, 0, 1, 0], [], []>, transpose_lhs_hint = false} : vector<2048x128xf32>, vector<384x128xf32>, vector<2048x384xf32> -> vector<2048x384xf32>
    %get3A_879 = arith.constant 1 : index
    %get3A_880 = arith.constant 0 : index
    %get3A_881 = arith.constant 0 : index
    %get3A_882 = vector.load %arg9[%get3A_879, %get3A_880, %get3A_881] : memref<2x1x384xf32, #tpu.memory_space<vmem>>, vector<1x1x384xf32>
    %get3A_883 = vector.shape_cast %get3A_882 : vector<1x1x384xf32> to vector<1x384xf32>
    %add3A_884 = vector.broadcast %get3A_883 : vector<1x384xf32> to vector<2048x384xf32>
    %add3A_885 = arith.addf %dot_general3A_878, %add3A_884 : vector<2048x384xf32>
    %slice3A_886 = vector.extract_strided_slice %add3A_885 {offsets = [0, 0], sizes = [2048, 128], strides = [1, 1]} : vector<2048x384xf32> to vector<2048x128xf32>
    %slice3A_887 = vector.extract_strided_slice %add3A_885 {offsets = [0, 128], sizes = [2048, 128], strides = [1, 1]} : vector<2048x384xf32> to vector<2048x128xf32>
    %slice3A_888 = vector.extract_strided_slice %add3A_885 {offsets = [0, 256], sizes = [2048, 128], strides = [1, 1]} : vector<2048x384xf32> to vector<2048x128xf32>
    %slice3A_889 = vector.extract_strided_slice %slice3A_888 {offsets = [0, 0], sizes = [512, 128], strides = [1, 1]} : vector<2048x128xf32> to vector<512x128xf32>
    %slice3A_890 = vector.extract_strided_slice %slice3A_888 {offsets = [512, 0], sizes = [512, 128], strides = [1, 1]} : vector<2048x128xf32> to vector<512x128xf32>
    %slice3A_891 = vector.extract_strided_slice %slice3A_888 {offsets = [1024, 0], sizes = [512, 128], strides = [1, 1]} : vector<2048x128xf32> to vector<512x128xf32>
    %slice3A_892 = vector.extract_strided_slice %slice3A_888 {offsets = [1536, 0], sizes = [512, 128], strides = [1, 1]} : vector<2048x128xf32> to vector<512x128xf32>
    %concatenate3A_893 = tpu.concatenate %slice3A_889, %slice3A_890, %slice3A_891, %slice3A_892 in 1 : vector<512x128xf32>, vector<512x128xf32>, vector<512x128xf32>, vector<512x128xf32> -> vector<512x512xf32>
    %slice3A_894 = vector.extract_strided_slice %slice3A_886 {offsets = [0, 0], sizes = [512, 128], strides = [1, 1]} : vector<2048x128xf32> to vector<512x128xf32>
    %slice3A_895 = vector.extract_strided_slice %slice3A_887 {offsets = [0, 0], sizes = [512, 128], strides = [1, 1]} : vector<2048x128xf32> to vector<512x128xf32>
    %mul3A_896 = arith.mulf %slice3A_894, %slice3A_895 : vector<512x128xf32>
    %slice3A_897 = vector.extract_strided_slice %slice3A_887 {offsets = [512, 0], sizes = [512, 128], strides = [1, 1]} : vector<2048x128xf32> to vector<512x128xf32>
    %mul3A_898 = arith.mulf %slice3A_894, %slice3A_897 : vector<512x128xf32>
    %slice3A_899 = vector.extract_strided_slice %slice3A_887 {offsets = [1024, 0], sizes = [512, 128], strides = [1, 1]} : vector<2048x128xf32> to vector<512x128xf32>
    %mul3A_900 = arith.mulf %slice3A_894, %slice3A_899 : vector<512x128xf32>
    %slice3A_901 = vector.extract_strided_slice %slice3A_887 {offsets = [1536, 0], sizes = [512, 128], strides = [1, 1]} : vector<2048x128xf32> to vector<512x128xf32>
    %mul3A_902 = arith.mulf %slice3A_894, %slice3A_901 : vector<512x128xf32>
    %concatenate3A_903 = tpu.concatenate %mul3A_896, %mul3A_898, %mul3A_900, %mul3A_902 in 1 : vector<512x128xf32>, vector<512x128xf32>, vector<512x128xf32>, vector<512x128xf32> -> vector<512x512xf32>
    %dot_general3A_904 = arith.constant dense<0.000000e+00> : vector<512x16xf32>
    %dot_general3A_905 = tpu.matmul %concatenate3A_903, %convert_element_type3A_448, %dot_general3A_904 {dimension_numbers = #tpu.dot_dimension_numbers<[1], [0], [0], [1], [0, 0, 1, 1], [], []>, transpose_lhs_hint = false} : vector<512x512xf32>, vector<512x16xf32>, vector<512x16xf32> -> vector<512x16xf32>
    %mul3A_906 = arith.constant 0.176776692 : f32
    %mul3A_907 = vector.broadcast %mul3A_906 : f32 to vector<512x16xf32>
    %mul3A_908 = arith.mulf %dot_general3A_905, %mul3A_907 : vector<512x16xf32>
    %exp3A_909 = math.exp %mul3A_908 : vector<512x16xf32>
    %slice3A_910 = vector.extract_strided_slice %exp3A_909 {offsets = [0, 0], sizes = [512, 4], strides = [1, 1]} : vector<512x16xf32> to vector<512x4xf32>
    %slice3A_911 = vector.extract_strided_slice %exp3A_909 {offsets = [0, 4], sizes = [512, 4], strides = [1, 1]} : vector<512x16xf32> to vector<512x4xf32>
    %add3A_912 = arith.addf %slice3A_910, %slice3A_911 : vector<512x4xf32>
    %slice3A_913 = vector.extract_strided_slice %exp3A_909 {offsets = [0, 8], sizes = [512, 4], strides = [1, 1]} : vector<512x16xf32> to vector<512x4xf32>
    %add3A_914 = arith.addf %add3A_912, %slice3A_913 : vector<512x4xf32>
    %slice3A_915 = vector.extract_strided_slice %exp3A_909 {offsets = [0, 12], sizes = [512, 4], strides = [1, 1]} : vector<512x16xf32> to vector<512x4xf32>
    %add3A_916 = arith.addf %add3A_914, %slice3A_915 : vector<512x4xf32>
    %concatenate3A_917 = tpu.concatenate %add3A_916, %add3A_916, %add3A_916, %add3A_916 in 1 : vector<512x4xf32>, vector<512x4xf32>, vector<512x4xf32>, vector<512x4xf32> -> vector<512x16xf32>
    %div3A_918 = arith.divf %exp3A_909, %concatenate3A_917 : vector<512x16xf32>
    %dot_general3A_919 = arith.constant dense<0.000000e+00> : vector<512x512xf32>
    %dot_general3A_920 = tpu.matmul %div3A_918, %convert_element_type3A_592, %dot_general3A_919 {dimension_numbers = #tpu.dot_dimension_numbers<[1], [0], [0], [1], [0, 0, 1, 1], [], []>, transpose_lhs_hint = false} : vector<512x16xf32>, vector<16x512xf32>, vector<512x512xf32> -> vector<512x512xf32>
    %mul3A_921 = arith.mulf %dot_general3A_920, %concatenate3A_893 : vector<512x512xf32>
    %slice3A_922 = vector.extract_strided_slice %mul3A_921 {offsets = [0, 0], sizes = [512, 128], strides = [1, 1]} : vector<512x512xf32> to vector<512x128xf32>
    %slice3A_923 = vector.extract_strided_slice %mul3A_921 {offsets = [0, 128], sizes = [512, 128], strides = [1, 1]} : vector<512x512xf32> to vector<512x128xf32>
    %add3A_924 = arith.addf %slice3A_922, %slice3A_923 : vector<512x128xf32>
    %slice3A_925 = vector.extract_strided_slice %mul3A_921 {offsets = [0, 256], sizes = [512, 128], strides = [1, 1]} : vector<512x512xf32> to vector<512x128xf32>
    %add3A_926 = arith.addf %add3A_924, %slice3A_925 : vector<512x128xf32>
    %slice3A_927 = vector.extract_strided_slice %mul3A_921 {offsets = [0, 384], sizes = [512, 128], strides = [1, 1]} : vector<512x512xf32> to vector<512x128xf32>
    %add3A_928 = arith.addf %add3A_926, %slice3A_927 : vector<512x128xf32>
    %slice3A_929 = vector.extract_strided_slice %slice3A_886 {offsets = [512, 0], sizes = [512, 128], strides = [1, 1]} : vector<2048x128xf32> to vector<512x128xf32>
    %slice3A_930 = vector.extract_strided_slice %slice3A_887 {offsets = [0, 0], sizes = [512, 128], strides = [1, 1]} : vector<2048x128xf32> to vector<512x128xf32>
    %mul3A_931 = arith.mulf %slice3A_929, %slice3A_930 : vector<512x128xf32>
    %slice3A_932 = vector.extract_strided_slice %slice3A_887 {offsets = [512, 0], sizes = [512, 128], strides = [1, 1]} : vector<2048x128xf32> to vector<512x128xf32>
    %mul3A_933 = arith.mulf %slice3A_929, %slice3A_932 : vector<512x128xf32>
    %slice3A_934 = vector.extract_strided_slice %slice3A_887 {offsets = [1024, 0], sizes = [512, 128], strides = [1, 1]} : vector<2048x128xf32> to vector<512x128xf32>
    %mul3A_935 = arith.mulf %slice3A_929, %slice3A_934 : vector<512x128xf32>
    %slice3A_936 = vector.extract_strided_slice %slice3A_887 {offsets = [1536, 0], sizes = [512, 128], strides = [1, 1]} : vector<2048x128xf32> to vector<512x128xf32>
    %mul3A_937 = arith.mulf %slice3A_929, %slice3A_936 : vector<512x128xf32>
    %concatenate3A_938 = tpu.concatenate %mul3A_931, %mul3A_933, %mul3A_935, %mul3A_937 in 1 : vector<512x128xf32>, vector<512x128xf32>, vector<512x128xf32>, vector<512x128xf32> -> vector<512x512xf32>
    %dot_general3A_939 = arith.constant dense<0.000000e+00> : vector<512x16xf32>
    %dot_general3A_940 = tpu.matmul %concatenate3A_938, %convert_element_type3A_448, %dot_general3A_939 {dimension_numbers = #tpu.dot_dimension_numbers<[1], [0], [0], [1], [0, 0, 1, 1], [], []>, transpose_lhs_hint = false} : vector<512x512xf32>, vector<512x16xf32>, vector<512x16xf32> -> vector<512x16xf32>
    %mul3A_941 = arith.constant 0.176776692 : f32
    %mul3A_942 = vector.broadcast %mul3A_941 : f32 to vector<512x16xf32>
    %mul3A_943 = arith.mulf %dot_general3A_940, %mul3A_942 : vector<512x16xf32>
    %exp3A_944 = math.exp %mul3A_943 : vector<512x16xf32>
    %slice3A_945 = vector.extract_strided_slice %exp3A_944 {offsets = [0, 0], sizes = [512, 4], strides = [1, 1]} : vector<512x16xf32> to vector<512x4xf32>
    %slice3A_946 = vector.extract_strided_slice %exp3A_944 {offsets = [0, 4], sizes = [512, 4], strides = [1, 1]} : vector<512x16xf32> to vector<512x4xf32>
    %add3A_947 = arith.addf %slice3A_945, %slice3A_946 : vector<512x4xf32>
    %slice3A_948 = vector.extract_strided_slice %exp3A_944 {offsets = [0, 8], sizes = [512, 4], strides = [1, 1]} : vector<512x16xf32> to vector<512x4xf32>
    %add3A_949 = arith.addf %add3A_947, %slice3A_948 : vector<512x4xf32>
    %slice3A_950 = vector.extract_strided_slice %exp3A_944 {offsets = [0, 12], sizes = [512, 4], strides = [1, 1]} : vector<512x16xf32> to vector<512x4xf32>
    %add3A_951 = arith.addf %add3A_949, %slice3A_950 : vector<512x4xf32>
    %concatenate3A_952 = tpu.concatenate %add3A_951, %add3A_951, %add3A_951, %add3A_951 in 1 : vector<512x4xf32>, vector<512x4xf32>, vector<512x4xf32>, vector<512x4xf32> -> vector<512x16xf32>
    %div3A_953 = arith.divf %exp3A_944, %concatenate3A_952 : vector<512x16xf32>
    %dot_general3A_954 = arith.constant dense<0.000000e+00> : vector<512x512xf32>
    %dot_general3A_955 = tpu.matmul %div3A_953, %convert_element_type3A_592, %dot_general3A_954 {dimension_numbers = #tpu.dot_dimension_numbers<[1], [0], [0], [1], [0, 0, 1, 1], [], []>, transpose_lhs_hint = false} : vector<512x16xf32>, vector<16x512xf32>, vector<512x512xf32> -> vector<512x512xf32>
    %mul3A_956 = arith.mulf %dot_general3A_955, %concatenate3A_893 : vector<512x512xf32>
    %slice3A_957 = vector.extract_strided_slice %mul3A_956 {offsets = [0, 0], sizes = [512, 128], strides = [1, 1]} : vector<512x512xf32> to vector<512x128xf32>
    %slice3A_958 = vector.extract_strided_slice %mul3A_956 {offsets = [0, 128], sizes = [512, 128], strides = [1, 1]} : vector<512x512xf32> to vector<512x128xf32>
    %add3A_959 = arith.addf %slice3A_957, %slice3A_958 : vector<512x128xf32>
    %slice3A_960 = vector.extract_strided_slice %mul3A_956 {offsets = [0, 256], sizes = [512, 128], strides = [1, 1]} : vector<512x512xf32> to vector<512x128xf32>
    %add3A_961 = arith.addf %add3A_959, %slice3A_960 : vector<512x128xf32>
    %slice3A_962 = vector.extract_strided_slice %mul3A_956 {offsets = [0, 384], sizes = [512, 128], strides = [1, 1]} : vector<512x512xf32> to vector<512x128xf32>
    %add3A_963 = arith.addf %add3A_961, %slice3A_962 : vector<512x128xf32>
    %slice3A_964 = vector.extract_strided_slice %slice3A_886 {offsets = [1024, 0], sizes = [512, 128], strides = [1, 1]} : vector<2048x128xf32> to vector<512x128xf32>
    %slice3A_965 = vector.extract_strided_slice %slice3A_887 {offsets = [0, 0], sizes = [512, 128], strides = [1, 1]} : vector<2048x128xf32> to vector<512x128xf32>
    %mul3A_966 = arith.mulf %slice3A_964, %slice3A_965 : vector<512x128xf32>
    %slice3A_967 = vector.extract_strided_slice %slice3A_887 {offsets = [512, 0], sizes = [512, 128], strides = [1, 1]} : vector<2048x128xf32> to vector<512x128xf32>
    %mul3A_968 = arith.mulf %slice3A_964, %slice3A_967 : vector<512x128xf32>
    %slice3A_969 = vector.extract_strided_slice %slice3A_887 {offsets = [1024, 0], sizes = [512, 128], strides = [1, 1]} : vector<2048x128xf32> to vector<512x128xf32>
    %mul3A_970 = arith.mulf %slice3A_964, %slice3A_969 : vector<512x128xf32>
    %slice3A_971 = vector.extract_strided_slice %slice3A_887 {offsets = [1536, 0], sizes = [512, 128], strides = [1, 1]} : vector<2048x128xf32> to vector<512x128xf32>
    %mul3A_972 = arith.mulf %slice3A_964, %slice3A_971 : vector<512x128xf32>
    %concatenate3A_973 = tpu.concatenate %mul3A_966, %mul3A_968, %mul3A_970, %mul3A_972 in 1 : vector<512x128xf32>, vector<512x128xf32>, vector<512x128xf32>, vector<512x128xf32> -> vector<512x512xf32>
    %dot_general3A_974 = arith.constant dense<0.000000e+00> : vector<512x16xf32>
    %dot_general3A_975 = tpu.matmul %concatenate3A_973, %convert_element_type3A_448, %dot_general3A_974 {dimension_numbers = #tpu.dot_dimension_numbers<[1], [0], [0], [1], [0, 0, 1, 1], [], []>, transpose_lhs_hint = false} : vector<512x512xf32>, vector<512x16xf32>, vector<512x16xf32> -> vector<512x16xf32>
    %mul3A_976 = arith.constant 0.176776692 : f32
    %mul3A_977 = vector.broadcast %mul3A_976 : f32 to vector<512x16xf32>
    %mul3A_978 = arith.mulf %dot_general3A_975, %mul3A_977 : vector<512x16xf32>
    %exp3A_979 = math.exp %mul3A_978 : vector<512x16xf32>
    %slice3A_980 = vector.extract_strided_slice %exp3A_979 {offsets = [0, 0], sizes = [512, 4], strides = [1, 1]} : vector<512x16xf32> to vector<512x4xf32>
    %slice3A_981 = vector.extract_strided_slice %exp3A_979 {offsets = [0, 4], sizes = [512, 4], strides = [1, 1]} : vector<512x16xf32> to vector<512x4xf32>
    %add3A_982 = arith.addf %slice3A_980, %slice3A_981 : vector<512x4xf32>
    %slice3A_983 = vector.extract_strided_slice %exp3A_979 {offsets = [0, 8], sizes = [512, 4], strides = [1, 1]} : vector<512x16xf32> to vector<512x4xf32>
    %add3A_984 = arith.addf %add3A_982, %slice3A_983 : vector<512x4xf32>
    %slice3A_985 = vector.extract_strided_slice %exp3A_979 {offsets = [0, 12], sizes = [512, 4], strides = [1, 1]} : vector<512x16xf32> to vector<512x4xf32>
    %add3A_986 = arith.addf %add3A_984, %slice3A_985 : vector<512x4xf32>
    %concatenate3A_987 = tpu.concatenate %add3A_986, %add3A_986, %add3A_986, %add3A_986 in 1 : vector<512x4xf32>, vector<512x4xf32>, vector<512x4xf32>, vector<512x4xf32> -> vector<512x16xf32>
    %div3A_988 = arith.divf %exp3A_979, %concatenate3A_987 : vector<512x16xf32>
    %dot_general3A_989 = arith.constant dense<0.000000e+00> : vector<512x512xf32>
    %dot_general3A_990 = tpu.matmul %div3A_988, %convert_element_type3A_592, %dot_general3A_989 {dimension_numbers = #tpu.dot_dimension_numbers<[1], [0], [0], [1], [0, 0, 1, 1], [], []>, transpose_lhs_hint = false} : vector<512x16xf32>, vector<16x512xf32>, vector<512x512xf32> -> vector<512x512xf32>
    %mul3A_991 = arith.mulf %dot_general3A_990, %concatenate3A_893 : vector<512x512xf32>
    %slice3A_992 = vector.extract_strided_slice %mul3A_991 {offsets = [0, 0], sizes = [512, 128], strides = [1, 1]} : vector<512x512xf32> to vector<512x128xf32>
    %slice3A_993 = vector.extract_strided_slice %mul3A_991 {offsets = [0, 128], sizes = [512, 128], strides = [1, 1]} : vector<512x512xf32> to vector<512x128xf32>
    %add3A_994 = arith.addf %slice3A_992, %slice3A_993 : vector<512x128xf32>
    %slice3A_995 = vector.extract_strided_slice %mul3A_991 {offsets = [0, 256], sizes = [512, 128], strides = [1, 1]} : vector<512x512xf32> to vector<512x128xf32>
    %add3A_996 = arith.addf %add3A_994, %slice3A_995 : vector<512x128xf32>
    %slice3A_997 = vector.extract_strided_slice %mul3A_991 {offsets = [0, 384], sizes = [512, 128], strides = [1, 1]} : vector<512x512xf32> to vector<512x128xf32>
    %add3A_998 = arith.addf %add3A_996, %slice3A_997 : vector<512x128xf32>
    %slice3A_999 = vector.extract_strided_slice %slice3A_886 {offsets = [1536, 0], sizes = [512, 128], strides = [1, 1]} : vector<2048x128xf32> to vector<512x128xf32>
    %slice3A_1000 = vector.extract_strided_slice %slice3A_887 {offsets = [0, 0], sizes = [512, 128], strides = [1, 1]} : vector<2048x128xf32> to vector<512x128xf32>
    %mul3A_1001 = arith.mulf %slice3A_999, %slice3A_1000 : vector<512x128xf32>
    %slice3A_1002 = vector.extract_strided_slice %slice3A_887 {offsets = [512, 0], sizes = [512, 128], strides = [1, 1]} : vector<2048x128xf32> to vector<512x128xf32>
    %mul3A_1003 = arith.mulf %slice3A_999, %slice3A_1002 : vector<512x128xf32>
    %slice3A_1004 = vector.extract_strided_slice %slice3A_887 {offsets = [1024, 0], sizes = [512, 128], strides = [1, 1]} : vector<2048x128xf32> to vector<512x128xf32>
    %mul3A_1005 = arith.mulf %slice3A_999, %slice3A_1004 : vector<512x128xf32>
    %slice3A_1006 = vector.extract_strided_slice %slice3A_887 {offsets = [1536, 0], sizes = [512, 128], strides = [1, 1]} : vector<2048x128xf32> to vector<512x128xf32>
    %mul3A_1007 = arith.mulf %slice3A_999, %slice3A_1006 : vector<512x128xf32>
    %concatenate3A_1008 = tpu.concatenate %mul3A_1001, %mul3A_1003, %mul3A_1005, %mul3A_1007 in 1 : vector<512x128xf32>, vector<512x128xf32>, vector<512x128xf32>, vector<512x128xf32> -> vector<512x512xf32>
    %dot_general3A_1009 = arith.constant dense<0.000000e+00> : vector<512x16xf32>
    %dot_general3A_1010 = tpu.matmul %concatenate3A_1008, %convert_element_type3A_448, %dot_general3A_1009 {dimension_numbers = #tpu.dot_dimension_numbers<[1], [0], [0], [1], [0, 0, 1, 1], [], []>, transpose_lhs_hint = false} : vector<512x512xf32>, vector<512x16xf32>, vector<512x16xf32> -> vector<512x16xf32>
    %mul3A_1011 = arith.constant 0.176776692 : f32
    %mul3A_1012 = vector.broadcast %mul3A_1011 : f32 to vector<512x16xf32>
    %mul3A_1013 = arith.mulf %dot_general3A_1010, %mul3A_1012 : vector<512x16xf32>
    %exp3A_1014 = math.exp %mul3A_1013 : vector<512x16xf32>
    %slice3A_1015 = vector.extract_strided_slice %exp3A_1014 {offsets = [0, 0], sizes = [512, 4], strides = [1, 1]} : vector<512x16xf32> to vector<512x4xf32>
    %slice3A_1016 = vector.extract_strided_slice %exp3A_1014 {offsets = [0, 4], sizes = [512, 4], strides = [1, 1]} : vector<512x16xf32> to vector<512x4xf32>
    %add3A_1017 = arith.addf %slice3A_1015, %slice3A_1016 : vector<512x4xf32>
    %slice3A_1018 = vector.extract_strided_slice %exp3A_1014 {offsets = [0, 8], sizes = [512, 4], strides = [1, 1]} : vector<512x16xf32> to vector<512x4xf32>
    %add3A_1019 = arith.addf %add3A_1017, %slice3A_1018 : vector<512x4xf32>
    %slice3A_1020 = vector.extract_strided_slice %exp3A_1014 {offsets = [0, 12], sizes = [512, 4], strides = [1, 1]} : vector<512x16xf32> to vector<512x4xf32>
    %add3A_1021 = arith.addf %add3A_1019, %slice3A_1020 : vector<512x4xf32>
    %concatenate3A_1022 = tpu.concatenate %add3A_1021, %add3A_1021, %add3A_1021, %add3A_1021 in 1 : vector<512x4xf32>, vector<512x4xf32>, vector<512x4xf32>, vector<512x4xf32> -> vector<512x16xf32>
    %div3A_1023 = arith.divf %exp3A_1014, %concatenate3A_1022 : vector<512x16xf32>
    %dot_general3A_1024 = arith.constant dense<0.000000e+00> : vector<512x512xf32>
    %dot_general3A_1025 = tpu.matmul %div3A_1023, %convert_element_type3A_592, %dot_general3A_1024 {dimension_numbers = #tpu.dot_dimension_numbers<[1], [0], [0], [1], [0, 0, 1, 1], [], []>, transpose_lhs_hint = false} : vector<512x16xf32>, vector<16x512xf32>, vector<512x512xf32> -> vector<512x512xf32>
    %mul3A_1026 = arith.mulf %dot_general3A_1025, %concatenate3A_893 : vector<512x512xf32>
    %slice3A_1027 = vector.extract_strided_slice %mul3A_1026 {offsets = [0, 0], sizes = [512, 128], strides = [1, 1]} : vector<512x512xf32> to vector<512x128xf32>
    %slice3A_1028 = vector.extract_strided_slice %mul3A_1026 {offsets = [0, 128], sizes = [512, 128], strides = [1, 1]} : vector<512x512xf32> to vector<512x128xf32>
    %add3A_1029 = arith.addf %slice3A_1027, %slice3A_1028 : vector<512x128xf32>
    %slice3A_1030 = vector.extract_strided_slice %mul3A_1026 {offsets = [0, 256], sizes = [512, 128], strides = [1, 1]} : vector<512x512xf32> to vector<512x128xf32>
    %add3A_1031 = arith.addf %add3A_1029, %slice3A_1030 : vector<512x128xf32>
    %slice3A_1032 = vector.extract_strided_slice %mul3A_1026 {offsets = [0, 384], sizes = [512, 128], strides = [1, 1]} : vector<512x512xf32> to vector<512x128xf32>
    %add3A_1033 = arith.addf %add3A_1031, %slice3A_1032 : vector<512x128xf32>
    %concatenate3A_1034 = tpu.concatenate %add3A_928, %add3A_963, %add3A_998, %add3A_1033 in 0 : vector<512x128xf32>, vector<512x128xf32>, vector<512x128xf32>, vector<512x128xf32> -> vector<2048x128xf32>
    %get3A_1035 = arith.constant 1 : index
    %get3A_1036 = arith.constant 0 : index
    %get3A_1037 = arith.constant 0 : index
    %get3A_1038 = vector.load %arg10[%get3A_1035, %get3A_1036, %get3A_1037] : memref<2x128x128xf32, #tpu.memory_space<vmem>>, vector<1x128x128xf32>
    %get3A_1039 = vector.shape_cast %get3A_1038 : vector<1x128x128xf32> to vector<128x128xf32>
    %dot_general3A_1040 = arith.constant dense<0.000000e+00> : vector<2048x128xf32>
    %dot_general3A_1041 = tpu.matmul %concatenate3A_1034, %get3A_1039, %dot_general3A_1040 {dimension_numbers = #tpu.dot_dimension_numbers<[1], [1], [0], [0], [0, 0, 1, 0], [], []>, transpose_lhs_hint = false} : vector<2048x128xf32>, vector<128x128xf32>, vector<2048x128xf32> -> vector<2048x128xf32>
    %get3A_1042 = arith.constant 1 : index
    %get3A_1043 = arith.constant 0 : index
    %get3A_1044 = arith.constant 0 : index
    %get3A_1045 = vector.load %arg11[%get3A_1042, %get3A_1043, %get3A_1044] : memref<2x1x128xf32, #tpu.memory_space<vmem>>, vector<1x1x128xf32>
    %get3A_1046 = vector.shape_cast %get3A_1045 : vector<1x1x128xf32> to vector<1x128xf32>
    %add3A_1047 = vector.broadcast %get3A_1046 : vector<1x128xf32> to vector<2048x128xf32>
    %add3A_1048 = arith.addf %dot_general3A_1041, %add3A_1047 : vector<2048x128xf32>
    %add3A_1049 = arith.addf %add3A_871, %add3A_1048 : vector<2048x128xf32>
    %get3A_1050 = arith.constant 1 : index
    %get3A_1051 = arith.constant 0 : index
    %get3A_1052 = arith.constant 0 : index
    %get3A_1053 = vector.load %arg12[%get3A_1050, %get3A_1051, %get3A_1052] : memref<2x1x128xf32, #tpu.memory_space<vmem>>, vector<1x1x128xf32>
    %get3A_1054 = vector.shape_cast %get3A_1053 : vector<1x1x128xf32> to vector<1x128xf32>
    %get3A_1055 = arith.constant 1 : index
    %get3A_1056 = arith.constant 0 : index
    %get3A_1057 = arith.constant 0 : index
    %get3A_1058 = vector.load %arg13[%get3A_1055, %get3A_1056, %get3A_1057] : memref<2x1x128xf32, #tpu.memory_space<vmem>>, vector<1x1x128xf32>
    %get3A_1059 = vector.shape_cast %get3A_1058 : vector<1x1x128xf32> to vector<1x128xf32>
    %reduce_sum3A_1060 = arith.constant dense<0.000000e+00> : vector<2048xf32>
    %reduce_sum3A_1061 = vector.multi_reduction <add>, %add3A_1049, %reduce_sum3A_1060 [1] : vector<2048x128xf32> to vector<2048xf32>
    %broadcast_in_dim3A_1062 = vector.shape_cast %reduce_sum3A_1061 : vector<2048xf32> to vector<2048x1xf32>
    %div3A_1063 = arith.constant 1.280000e+02 : f32
    %div3A_1064 = vector.broadcast %div3A_1063 : f32 to vector<2048x1xf32>
    %div3A_1065 = arith.divf %broadcast_in_dim3A_1062, %div3A_1064 : vector<2048x1xf32>
    %sub3A_1066 = vector.broadcast %div3A_1065 : vector<2048x1xf32> to vector<2048x128xf32>
    %sub3A_1067 = arith.subf %add3A_1049, %sub3A_1066 : vector<2048x128xf32>
    %mul3A_1068 = arith.mulf %sub3A_1067, %sub3A_1067 : vector<2048x128xf32>
    %reduce_sum3A_1069 = arith.constant dense<0.000000e+00> : vector<2048xf32>
    %reduce_sum3A_1070 = vector.multi_reduction <add>, %mul3A_1068, %reduce_sum3A_1069 [1] : vector<2048x128xf32> to vector<2048xf32>
    %broadcast_in_dim3A_1071 = vector.shape_cast %reduce_sum3A_1070 : vector<2048xf32> to vector<2048x1xf32>
    %div3A_1072 = arith.constant 1.280000e+02 : f32
    %div3A_1073 = vector.broadcast %div3A_1072 : f32 to vector<2048x1xf32>
    %div3A_1074 = arith.divf %broadcast_in_dim3A_1071, %div3A_1073 : vector<2048x1xf32>
    %add3A_1075 = arith.constant 9.99999974E-6 : f32
    %add3A_1076 = vector.broadcast %add3A_1075 : f32 to vector<2048x1xf32>
    %add3A_1077 = arith.addf %div3A_1074, %add3A_1076 : vector<2048x1xf32>
    %rsqrt3A_1078 = math.rsqrt %add3A_1077 : vector<2048x1xf32>
    %mul3A_1079 = vector.broadcast %rsqrt3A_1078 : vector<2048x1xf32> to vector<2048x128xf32>
    %mul3A_1080 = arith.mulf %sub3A_1067, %mul3A_1079 : vector<2048x128xf32>
    %mul3A_1081 = vector.broadcast %get3A_1054 : vector<1x128xf32> to vector<2048x128xf32>
    %mul3A_1082 = arith.mulf %mul3A_1080, %mul3A_1081 : vector<2048x128xf32>
    %add3A_1083 = vector.broadcast %get3A_1059 : vector<1x128xf32> to vector<2048x128xf32>
    %add3A_1084 = arith.addf %mul3A_1082, %add3A_1083 : vector<2048x128xf32>
    %get3A_1085 = arith.constant 1 : index
    %get3A_1086 = arith.constant 0 : index
    %get3A_1087 = arith.constant 0 : index
    %get3A_1088 = vector.load %arg14[%get3A_1085, %get3A_1086, %get3A_1087] : memref<2x512x128xf32, #tpu.memory_space<vmem>>, vector<1x512x128xf32>
    %get3A_1089 = vector.shape_cast %get3A_1088 : vector<1x512x128xf32> to vector<512x128xf32>
    %dot_general3A_1090 = arith.constant dense<0.000000e+00> : vector<2048x512xf32>
    %dot_general3A_1091 = tpu.matmul %add3A_1084, %get3A_1089, %dot_general3A_1090 {dimension_numbers = #tpu.dot_dimension_numbers<[1], [1], [0], [0], [0, 0, 1, 0], [], []>, transpose_lhs_hint = false} : vector<2048x128xf32>, vector<512x128xf32>, vector<2048x512xf32> -> vector<2048x512xf32>
    %get3A_1092 = arith.constant 1 : index
    %get3A_1093 = arith.constant 0 : index
    %get3A_1094 = arith.constant 0 : index
    %get3A_1095 = vector.load %arg15[%get3A_1092, %get3A_1093, %get3A_1094] : memref<2x1x512xf32, #tpu.memory_space<vmem>>, vector<1x1x512xf32>
    %get3A_1096 = vector.shape_cast %get3A_1095 : vector<1x1x512xf32> to vector<1x512xf32>
    %add3A_1097 = vector.broadcast %get3A_1096 : vector<1x512xf32> to vector<2048x512xf32>
    %add3A_1098 = arith.addf %dot_general3A_1091, %add3A_1097 : vector<2048x512xf32>
    %max3A_1099 = arith.constant 0.000000e+00 : f32
    %max3A_1100 = vector.broadcast %max3A_1099 : f32 to vector<2048x512xf32>
    %max3A_1101 = arith.maximumf %add3A_1098, %max3A_1100 : vector<2048x512xf32>
    %get3A_1102 = arith.constant 1 : index
    %get3A_1103 = arith.constant 0 : index
    %get3A_1104 = arith.constant 0 : index
    %get3A_1105 = vector.load %arg16[%get3A_1102, %get3A_1103, %get3A_1104] : memref<2x128x512xf32, #tpu.memory_space<vmem>>, vector<1x128x512xf32>
    %get3A_1106 = vector.shape_cast %get3A_1105 : vector<1x128x512xf32> to vector<128x512xf32>
    %dot_general3A_1107 = arith.constant dense<0.000000e+00> : vector<2048x128xf32>
    %dot_general3A_1108 = tpu.matmul %max3A_1101, %get3A_1106, %dot_general3A_1107 {dimension_numbers = #tpu.dot_dimension_numbers<[1], [1], [0], [0], [0, 0, 1, 0], [], []>, transpose_lhs_hint = false} : vector<2048x512xf32>, vector<128x512xf32>, vector<2048x128xf32> -> vector<2048x128xf32>
    %get3A_1109 = arith.constant 1 : index
    %get3A_1110 = arith.constant 0 : index
    %get3A_1111 = arith.constant 0 : index
    %get3A_1112 = vector.load %arg17[%get3A_1109, %get3A_1110, %get3A_1111] : memref<2x1x128xf32, #tpu.memory_space<vmem>>, vector<1x1x128xf32>
    %get3A_1113 = vector.shape_cast %get3A_1112 : vector<1x1x128xf32> to vector<1x128xf32>
    %add3A_1114 = vector.broadcast %get3A_1113 : vector<1x128xf32> to vector<2048x128xf32>
    %add3A_1115 = arith.addf %dot_general3A_1108, %add3A_1114 : vector<2048x128xf32>
    %add3A_1116 = arith.addf %add3A_1084, %add3A_1115 : vector<2048x128xf32>
    %get3A_1117 = arith.constant 1 : index
    %get3A_1118 = arith.constant 0 : index
    %get3A_1119 = arith.constant 0 : index
    %get3A_1120 = vector.load %arg18[%get3A_1117, %get3A_1118, %get3A_1119] : memref<2x1x128xf32, #tpu.memory_space<vmem>>, vector<1x1x128xf32>
    %get3A_1121 = vector.shape_cast %get3A_1120 : vector<1x1x128xf32> to vector<1x128xf32>
    %get3A_1122 = arith.constant 1 : index
    %get3A_1123 = arith.constant 0 : index
    %get3A_1124 = arith.constant 0 : index
    %get3A_1125 = vector.load %arg19[%get3A_1122, %get3A_1123, %get3A_1124] : memref<2x1x128xf32, #tpu.memory_space<vmem>>, vector<1x1x128xf32>
    %get3A_1126 = vector.shape_cast %get3A_1125 : vector<1x1x128xf32> to vector<1x128xf32>
    %reduce_sum3A_1127 = arith.constant dense<0.000000e+00> : vector<2048xf32>
    %reduce_sum3A_1128 = vector.multi_reduction <add>, %add3A_1116, %reduce_sum3A_1127 [1] : vector<2048x128xf32> to vector<2048xf32>
    %broadcast_in_dim3A_1129 = vector.shape_cast %reduce_sum3A_1128 : vector<2048xf32> to vector<2048x1xf32>
    %div3A_1130 = arith.constant 1.280000e+02 : f32
    %div3A_1131 = vector.broadcast %div3A_1130 : f32 to vector<2048x1xf32>
    %div3A_1132 = arith.divf %broadcast_in_dim3A_1129, %div3A_1131 : vector<2048x1xf32>
    %sub3A_1133 = vector.broadcast %div3A_1132 : vector<2048x1xf32> to vector<2048x128xf32>
    %sub3A_1134 = arith.subf %add3A_1116, %sub3A_1133 : vector<2048x128xf32>
    %mul3A_1135 = arith.mulf %sub3A_1134, %sub3A_1134 : vector<2048x128xf32>
    %reduce_sum3A_1136 = arith.constant dense<0.000000e+00> : vector<2048xf32>
    %reduce_sum3A_1137 = vector.multi_reduction <add>, %mul3A_1135, %reduce_sum3A_1136 [1] : vector<2048x128xf32> to vector<2048xf32>
    %broadcast_in_dim3A_1138 = vector.shape_cast %reduce_sum3A_1137 : vector<2048xf32> to vector<2048x1xf32>
    %div3A_1139 = arith.constant 1.280000e+02 : f32
    %div3A_1140 = vector.broadcast %div3A_1139 : f32 to vector<2048x1xf32>
    %div3A_1141 = arith.divf %broadcast_in_dim3A_1138, %div3A_1140 : vector<2048x1xf32>
    %add3A_1142 = arith.constant 9.99999974E-6 : f32
    %add3A_1143 = vector.broadcast %add3A_1142 : f32 to vector<2048x1xf32>
    %add3A_1144 = arith.addf %div3A_1141, %add3A_1143 : vector<2048x1xf32>
    %rsqrt3A_1145 = math.rsqrt %add3A_1144 : vector<2048x1xf32>
    %mul3A_1146 = vector.broadcast %rsqrt3A_1145 : vector<2048x1xf32> to vector<2048x128xf32>
    %mul3A_1147 = arith.mulf %sub3A_1134, %mul3A_1146 : vector<2048x128xf32>
    %mul3A_1148 = vector.broadcast %get3A_1121 : vector<1x128xf32> to vector<2048x128xf32>
    %mul3A_1149 = arith.mulf %mul3A_1147, %mul3A_1148 : vector<2048x128xf32>
    %add3A_1150 = vector.broadcast %get3A_1126 : vector<1x128xf32> to vector<2048x128xf32>
    %add3A_1151 = arith.addf %mul3A_1149, %add3A_1150 : vector<2048x128xf32>
    %get3A_1152 = arith.constant 0 : index
    %get3A_1153 = arith.constant 0 : index
    %get3A_1154 = vector.load %arg21[%get3A_1152, %get3A_1153] : memref<1x512xf32, #tpu.memory_space<vmem>>, vector<1x512xf32>
    %broadcast_in_dim3A_1155 = arith.constant 0.000000e+00 : f32
    %broadcast_in_dim3A_1156 = vector.broadcast %broadcast_in_dim3A_1155 : f32 to vector<512x512xf32>
    %slice3A_1157 = vector.extract_strided_slice %add3A_1151 {offsets = [0, 0], sizes = [512, 128], strides = [1, 1]} : vector<2048x128xf32> to vector<512x128xf32>
    %get3A_1158 = arith.constant 0 : index
    %get3A_1159 = arith.constant 0 : index
    %get3A_1160 = vector.load %arg20[%get3A_1158, %get3A_1159] : memref<512x512xf32, #tpu.memory_space<vmem>>, vector<512x128xf32>
    %dot_general3A_1161 = arith.constant dense<0.000000e+00> : vector<512x512xf32>
    %dot_general3A_1162 = tpu.matmul %slice3A_1157, %get3A_1160, %dot_general3A_1161 {dimension_numbers = #tpu.dot_dimension_numbers<[1], [1], [0], [0], [0, 0, 1, 0], [], []>, transpose_lhs_hint = false} : vector<512x128xf32>, vector<512x128xf32>, vector<512x512xf32> -> vector<512x512xf32>
    %add3A_1163 = arith.addf %broadcast_in_dim3A_1156, %dot_general3A_1162 : vector<512x512xf32>
    %slice3A_1164 = vector.extract_strided_slice %add3A_1151 {offsets = [512, 0], sizes = [512, 128], strides = [1, 1]} : vector<2048x128xf32> to vector<512x128xf32>
    %get3A_1165 = arith.constant 0 : index
    %get3A_1166 = arith.constant 128 : index
    %get3A_1167 = vector.load %arg20[%get3A_1165, %get3A_1166] : memref<512x512xf32, #tpu.memory_space<vmem>>, vector<512x128xf32>
    %dot_general3A_1168 = arith.constant dense<0.000000e+00> : vector<512x512xf32>
    %dot_general3A_1169 = tpu.matmul %slice3A_1164, %get3A_1167, %dot_general3A_1168 {dimension_numbers = #tpu.dot_dimension_numbers<[1], [1], [0], [0], [0, 0, 1, 0], [], []>, transpose_lhs_hint = false} : vector<512x128xf32>, vector<512x128xf32>, vector<512x512xf32> -> vector<512x512xf32>
    %add3A_1170 = arith.addf %add3A_1163, %dot_general3A_1169 : vector<512x512xf32>
    %slice3A_1171 = vector.extract_strided_slice %add3A_1151 {offsets = [1024, 0], sizes = [512, 128], strides = [1, 1]} : vector<2048x128xf32> to vector<512x128xf32>
    %get3A_1172 = arith.constant 0 : index
    %get3A_1173 = arith.constant 256 : index
    %get3A_1174 = vector.load %arg20[%get3A_1172, %get3A_1173] : memref<512x512xf32, #tpu.memory_space<vmem>>, vector<512x128xf32>
    %dot_general3A_1175 = arith.constant dense<0.000000e+00> : vector<512x512xf32>
    %dot_general3A_1176 = tpu.matmul %slice3A_1171, %get3A_1174, %dot_general3A_1175 {dimension_numbers = #tpu.dot_dimension_numbers<[1], [1], [0], [0], [0, 0, 1, 0], [], []>, transpose_lhs_hint = false} : vector<512x128xf32>, vector<512x128xf32>, vector<512x512xf32> -> vector<512x512xf32>
    %add3A_1177 = arith.addf %add3A_1170, %dot_general3A_1176 : vector<512x512xf32>
    %slice3A_1178 = vector.extract_strided_slice %add3A_1151 {offsets = [1536, 0], sizes = [512, 128], strides = [1, 1]} : vector<2048x128xf32> to vector<512x128xf32>
    %get3A_1179 = arith.constant 0 : index
    %get3A_1180 = arith.constant 384 : index
    %get3A_1181 = vector.load %arg20[%get3A_1179, %get3A_1180] : memref<512x512xf32, #tpu.memory_space<vmem>>, vector<512x128xf32>
    %dot_general3A_1182 = arith.constant dense<0.000000e+00> : vector<512x512xf32>
    %dot_general3A_1183 = tpu.matmul %slice3A_1178, %get3A_1181, %dot_general3A_1182 {dimension_numbers = #tpu.dot_dimension_numbers<[1], [1], [0], [0], [0, 0, 1, 0], [], []>, transpose_lhs_hint = false} : vector<512x128xf32>, vector<512x128xf32>, vector<512x512xf32> -> vector<512x512xf32>
    %add3A_1184 = arith.addf %add3A_1177, %dot_general3A_1183 : vector<512x512xf32>
    %add3A_1185 = vector.broadcast %get3A_1154 : vector<1x512xf32> to vector<512x512xf32>
    %add3A_1186 = arith.addf %add3A_1184, %add3A_1185 : vector<512x512xf32>
    %max3A_1187 = arith.constant 0.000000e+00 : f32
    %max3A_1188 = vector.broadcast %max3A_1187 : f32 to vector<512x512xf32>
    %max3A_1189 = arith.maximumf %add3A_1186, %max3A_1188 : vector<512x512xf32>
    %get3A_1190 = arith.constant 0 : index
    %get3A_1191 = arith.constant 0 : index
    %get3A_1192 = vector.load %arg22[%get3A_1190, %get3A_1191] : memref<1x512xf32, #tpu.memory_space<vmem>>, vector<1x512xf32>
    %mul3A_1193 = vector.broadcast %get3A_1192 : vector<1x512xf32> to vector<512x512xf32>
    %mul3A_1194 = arith.mulf %max3A_1189, %mul3A_1193 : vector<512x512xf32>
    %reduce_sum3A_1195 = arith.constant dense<0.000000e+00> : vector<512xf32>
    %reduce_sum3A_1196 = vector.multi_reduction <add>, %mul3A_1194, %reduce_sum3A_1195 [1] : vector<512x512xf32> to vector<512xf32>
    %broadcast_in_dim3A_1197 = vector.shape_cast %reduce_sum3A_1196 : vector<512xf32> to vector<512x1xf32>
    %get3A_1198 = arith.constant 0 : index
    %get3A_1199 = arith.constant 0 : index
    %get3A_1200 = memref.load %arg23[%get3A_1198, %get3A_1199] : memref<1x1xf32, #tpu.memory_space<smem>>
    %add3A_1201 = vector.broadcast %get3A_1200 : f32 to vector<512x1xf32>
    %add3A_1202 = arith.addf %broadcast_in_dim3A_1197, %add3A_1201 : vector<512x1xf32>
    %swap3A = arith.constant 0 : index
    %swap3A_1203 = arith.constant 0 : index
    %swap3A_1204 = vector.load %arg24[%swap3A, %swap3A_1203] : memref<512x1xf32, #tpu.memory_space<vmem>>, vector<512x1xf32>
    tpu.vector_store %arg24[%swap3A, %swap3A_1203], %add3A_1202 {strides = array<i32>} : memref<512x1xf32, #tpu.memory_space<vmem>>, vector<512x1xf32>,
    %eq3A_1205 = arith.constant 0 : i32
    %eq3A_1206 = arith.cmpi eq, %arg0, %eq3A_1205 : i32
    %convert_element_type3A_1207 = arith.extui %eq3A_1206 : i1 to i32
    %cond3A_1208 = arith.constant 0 : i32
    %cond3A_1209 = arith.cmpi ne, %convert_element_type3A_1207, %cond3A_1208 : i32
    scf.if %cond3A_1209 {
      %broadcast_in_dim3A_1219 = arith.constant 0.000000e+00 : f32
      %broadcast_in_dim3A_1220 = vector.broadcast %broadcast_in_dim3A_1219 : f32 to vector<1x1xf32>
      %swap3A_1221 = arith.constant 0 : index
      %swap3A_1222 = arith.constant 0 : index
      %swap3A_1223 = vector.load %arg25[%swap3A_1221, %swap3A_1222] : memref<1x1xf32, #tpu.memory_space<vmem>>, vector<1x1xf32>
      tpu.vector_store %arg25[%swap3A_1221, %swap3A_1222], %broadcast_in_dim3A_1220 {strides = array<i32>} : memref<1x1xf32, #tpu.memory_space<vmem>>, vector<1x1xf32>,
    } else {
    }
    %get3A_1210 = arith.constant 0 : index
    %get3A_1211 = arith.constant 0 : index
    %get3A_1212 = vector.load %arg25[%get3A_1210, %get3A_1211] : memref<1x1xf32, #tpu.memory_space<vmem>>, vector<1x1xf32>
    %mul3A_1213 = arith.constant 2.38418579E-6 : f32
    %mul3A_1214 = arith.mulf %add3A_291, %mul3A_1213 : f32
    %reshape3A = vector.broadcast %mul3A_1214 : f32 to vector<1x1xf32>
    %add3A_1215 = arith.addf %get3A_1212, %reshape3A : vector<1x1xf32>
    %swap3A_1216 = arith.constant 0 : index
    %swap3A_1217 = arith.constant 0 : index
    %swap3A_1218 = vector.load %arg25[%swap3A_1216, %swap3A_1217] : memref<1x1xf32, #tpu.memory_space<vmem>>, vector<1x1xf32>
    tpu.vector_store %arg25[%swap3A_1216, %swap3A_1217], %add3A_1215 {strides = array<i32>} : memref<1x1xf32, #tpu.memory_space<vmem>>, vector<1x1xf32>,
    return
  }
  func.func @transform_0(%arg0: i32) -> (i32, i32, i32) {
    %c0_i32 = arith.constant 0 : i32
    %c0_i32_0 = arith.constant 0 : i32
    %c0_i32_1 = arith.constant 0 : i32
    return %c0_i32, %arg0, %c0_i32_0 : i32, i32, i32
  }
  func.func @transform_1(%arg0: i32) -> (i32, i32) {
    %c0_i32 = arith.constant 0 : i32
    %c0_i32_0 = arith.constant 0 : i32
    %c0_i32_1 = arith.constant 0 : i32
    return %c0_i32, %c0_i32_0 : i32, i32
  }
  func.func @transform_2(%arg0: i32) -> (i32, i32) {
    %c0_i32 = arith.constant 0 : i32
    %c0_i32_0 = arith.constant 0 : i32
    %c0_i32_1 = arith.constant 0 : i32
    return %c0_i32, %c0_i32_0 : i32, i32
  }
  func.func @transform_3(%arg0: i32) -> (i32, i32, i32) {
    %c0_i32 = arith.constant 0 : i32
    %c0_i32_0 = arith.constant 0 : i32
    %c0_i32_1 = arith.constant 0 : i32
    %c0_i32_2 = arith.constant 0 : i32
    return %c0_i32, %c0_i32_0, %c0_i32_1 : i32, i32, i32
  }
  func.func @transform_4(%arg0: i32) -> (i32, i32, i32) {
    %c0_i32 = arith.constant 0 : i32
    %c0_i32_0 = arith.constant 0 : i32
    %c0_i32_1 = arith.constant 0 : i32
    %c0_i32_2 = arith.constant 0 : i32
    return %c0_i32, %c0_i32_0, %c0_i32_1 : i32, i32, i32
  }
  func.func @transform_5(%arg0: i32) -> (i32, i32, i32) {
    %c0_i32 = arith.constant 0 : i32
    %c0_i32_0 = arith.constant 0 : i32
    %c0_i32_1 = arith.constant 0 : i32
    %c0_i32_2 = arith.constant 0 : i32
    return %c0_i32, %c0_i32_0, %c0_i32_1 : i32, i32, i32
  }
  func.func @transform_6(%arg0: i32) -> (i32, i32, i32) {
    %c0_i32 = arith.constant 0 : i32
    %c0_i32_0 = arith.constant 0 : i32
    %c0_i32_1 = arith.constant 0 : i32
    %c0_i32_2 = arith.constant 0 : i32
    return %c0_i32, %c0_i32_0, %c0_i32_1 : i32, i32, i32
  }
  func.func @transform_7(%arg0: i32) -> (i32, i32, i32) {
    %c0_i32 = arith.constant 0 : i32
    %c0_i32_0 = arith.constant 0 : i32
    %c0_i32_1 = arith.constant 0 : i32
    %c0_i32_2 = arith.constant 0 : i32
    return %c0_i32, %c0_i32_0, %c0_i32_1 : i32, i32, i32
  }
  func.func @transform_8(%arg0: i32) -> (i32, i32, i32) {
    %c0_i32 = arith.constant 0 : i32
    %c0_i32_0 = arith.constant 0 : i32
    %c0_i32_1 = arith.constant 0 : i32
    %c0_i32_2 = arith.constant 0 : i32
    return %c0_i32, %c0_i32_0, %c0_i32_1 : i32, i32, i32
  }
  func.func @transform_9(%arg0: i32) -> (i32, i32, i32) {
    %c0_i32 = arith.constant 0 : i32
    %c0_i32_0 = arith.constant 0 : i32
    %c0_i32_1 = arith.constant 0 : i32
    %c0_i32_2 = arith.constant 0 : i32
    return %c0_i32, %c0_i32_0, %c0_i32_1 : i32, i32, i32
  }
  func.func @transform_10(%arg0: i32) -> (i32, i32, i32) {
    %c0_i32 = arith.constant 0 : i32
    %c0_i32_0 = arith.constant 0 : i32
    %c0_i32_1 = arith.constant 0 : i32
    %c0_i32_2 = arith.constant 0 : i32
    return %c0_i32, %c0_i32_0, %c0_i32_1 : i32, i32, i32
  }
  func.func @transform_11(%arg0: i32) -> (i32, i32, i32) {
    %c0_i32 = arith.constant 0 : i32
    %c0_i32_0 = arith.constant 0 : i32
    %c0_i32_1 = arith.constant 0 : i32
    %c0_i32_2 = arith.constant 0 : i32
    return %c0_i32, %c0_i32_0, %c0_i32_1 : i32, i32, i32
  }
  func.func @transform_12(%arg0: i32) -> (i32, i32, i32) {
    %c0_i32 = arith.constant 0 : i32
    %c0_i32_0 = arith.constant 0 : i32
    %c0_i32_1 = arith.constant 0 : i32
    %c0_i32_2 = arith.constant 0 : i32
    return %c0_i32, %c0_i32_0, %c0_i32_1 : i32, i32, i32
  }
  func.func @transform_13(%arg0: i32) -> (i32, i32, i32) {
    %c0_i32 = arith.constant 0 : i32
    %c0_i32_0 = arith.constant 0 : i32
    %c0_i32_1 = arith.constant 0 : i32
    %c0_i32_2 = arith.constant 0 : i32
    return %c0_i32, %c0_i32_0, %c0_i32_1 : i32, i32, i32
  }
  func.func @transform_14(%arg0: i32) -> (i32, i32, i32) {
    %c0_i32 = arith.constant 0 : i32
    %c0_i32_0 = arith.constant 0 : i32
    %c0_i32_1 = arith.constant 0 : i32
    %c0_i32_2 = arith.constant 0 : i32
    return %c0_i32, %c0_i32_0, %c0_i32_1 : i32, i32, i32
  }
  func.func @transform_15(%arg0: i32) -> (i32, i32, i32) {
    %c0_i32 = arith.constant 0 : i32
    %c0_i32_0 = arith.constant 0 : i32
    %c0_i32_1 = arith.constant 0 : i32
    %c0_i32_2 = arith.constant 0 : i32
    return %c0_i32, %c0_i32_0, %c0_i32_1 : i32, i32, i32
  }
  func.func @transform_16(%arg0: i32) -> (i32, i32, i32) {
    %c0_i32 = arith.constant 0 : i32
    %c0_i32_0 = arith.constant 0 : i32
    %c0_i32_1 = arith.constant 0 : i32
    %c0_i32_2 = arith.constant 0 : i32
    return %c0_i32, %c0_i32_0, %c0_i32_1 : i32, i32, i32
  }
  func.func @transform_17(%arg0: i32) -> (i32, i32, i32) {
    %c0_i32 = arith.constant 0 : i32
    %c0_i32_0 = arith.constant 0 : i32
    %c0_i32_1 = arith.constant 0 : i32
    %c0_i32_2 = arith.constant 0 : i32
    return %c0_i32, %c0_i32_0, %c0_i32_1 : i32, i32, i32
  }
  func.func @transform_18(%arg0: i32) -> (i32, i32, i32) {
    %c0_i32 = arith.constant 0 : i32
    %c0_i32_0 = arith.constant 0 : i32
    %c0_i32_1 = arith.constant 0 : i32
    %c0_i32_2 = arith.constant 0 : i32
    return %c0_i32, %c0_i32_0, %c0_i32_1 : i32, i32, i32
  }
  func.func @transform_19(%arg0: i32) -> (i32, i32) {
    %c0_i32 = arith.constant 0 : i32
    %c0_i32_0 = arith.constant 0 : i32
    %c0_i32_1 = arith.constant 0 : i32
    return %c0_i32, %c0_i32_0 : i32, i32
  }
  func.func @transform_20(%arg0: i32) -> (i32, i32) {
    %c0_i32 = arith.constant 0 : i32
    %c0_i32_0 = arith.constant 0 : i32
    %c0_i32_1 = arith.constant 0 : i32
    return %c0_i32, %c0_i32_0 : i32, i32
  }
  func.func @transform_21(%arg0: i32) -> (i32, i32) {
    %c0_i32 = arith.constant 0 : i32
    %c0_i32_0 = arith.constant 0 : i32
    %c0_i32_1 = arith.constant 0 : i32
    return %c0_i32, %c0_i32_0 : i32, i32
  }
  func.func @transform_22(%arg0: i32) -> (i32, i32) {
    %c0_i32 = arith.constant 0 : i32
    %c0_i32_0 = arith.constant 0 : i32
    %c0_i32_1 = arith.constant 0 : i32
    return %c0_i32, %c0_i32_0 : i32, i32
  }
  func.func @transform_23(%arg0: i32) -> (i32, i32) {
    %c0_i32 = arith.constant 0 : i32
    %c0_i32_0 = arith.constant 0 : i32
    return %arg0, %c0_i32 : i32, i32
  }
  func.func @transform_24(%arg0: i32) -> (i32, i32) {
    %c0_i32 = arith.constant 0 : i32
    %c0_i32_0 = arith.constant 0 : i32
    %c0_i32_1 = arith.constant 0 : i32
    return %c0_i32, %c0_i32_0 : i32, i32
  }
}

</mosaic_0001>

<sc_bundles>
// kernel: kernel.6.cloned.1.call-start
scs
__scs_entry_jumppad:
0x0: {  	(pc) =	sbr.rel $0x88, $3  }
0x1: {  	(tag) =	ssettag $0x0;
	lr =	simm.s32 $0x1  }
0x2: {  	[smem:$0x3F89] =	sst lr;
	_ =	strace $0xD0000000  }
0x3: {  	_ = 	snop  }
0x4: {  	_ = 	snop  }
0x5: {  	_ = 	snop  }
0x6: {  	_ = 	snop  }
0x7: {  	_ = 	snop  }
__scs_overlays_trampoline_lowered:
0x8: {  	[smem:$0x3F98] =	sst s0  }
0x9: {  	[smem:$0x3F99] =	sst s1  }
0xa: {  	[smem:$0x3F9A] =	sst s2  }
0xb: {  	[smem:$0x3F9B] =	sst s3  }
0xc: {  	[smem:$0x3F9C] =	sst s4  }
0xd: {  	[smem:$0x3F9D] =	sst s5  }
0xe: {  	[smem:$0x3F9E] =	sst s6  }
0xf: {  	[smem:$0x3F9F] =	sst s7  }
0x10: {  	[smem:$0x3FA0] =	sst s8  }
0x11: {  	[smem:$0x3FA1] =	sst s9;
	s0 =	simm.s32 @!p0 $0x0  }
0x12: {  	s1 =	sld [smem:$0x3F87];
	s0 =	simm.s32 @p0 $0x1  }
0x13: {  	[smem:$0x3FA2] =	sst s0;
	s0 =	simm.s32 @!p1 $0x0  }
0x14: {  	s2 =	sld [smem:$0x3F86];
	s0 =	simm.s32 @p1 $0x1  }
0x15: {  	[smem:$0x3FA3] =	sst s0;
	s0 =	simm.s32 @!p2 $0x0  }
0x16: {  	s3 =	sld [smem:$0x3FDB];
	s0 =	simm.s32 @p2 $0x1  }
0x17: {  	s4 =	simm.s32 $0x1BF5;
	[smem:$0x3FA5] =	sst s0  }
0x18: {  	s0 =	sld [smem:$0x3F88];
	_ =	swait.ge [sflag:s4], $0x0  }
0x19: {  	s7 =	sld [smem:$0x3F89]  }
0x1a: {  	s8 =	sadd.s32 $0xFFFFE003, lr  }
0x1b: {  	s9 =	sadd.s32 $0xFFFFFEF7, lr;
	s5 =	simm.s32 $0xFFFFFFFF;
	p2 =	slt.u32 s8, $0xFFFFF086  }
0x1c: {  	p1 =	slt.u32 s9, $0xF7A;
	s5 =	simm.s32 @!p2 $0x0  }
0x1d: {  	s5 =	simm.s32 @p1 $0x1;
	p0 =	seq.s32 s7, s2  }
0x1e: {  	s7 =	smul.u32 @!p0 $0xF7A, s2;
	p2 =	seq.s32 @!p0 s5, $0x0  }
0x1f: {  	s9 =	smul.u32 $0xF7A, s1;
	s8 =	simm.s32 @!p0 $0x1BF5;
	p2 =	por !p2, p0  }
0x20: {  	[sflag:s8] =	ssyncset.s32 @!p0 $0xFFFFF086;
	s6 =	sadd.s32 @!p0 s3, s7;
	s7 =	simm.s32 @!p0 $0x108  }
0x21: {  	s3 =	sadd.s32 s3, s9;
	s6 =	sadd.s32 @!p0 $0x88, s6;
	s7 =	simm.s32 @p2 $0x1082  }
0x22: {  	[simem:s7], [sflag:s8] =	dma.local @!p0 [hbm:s6], $0xF7A  }
0x23: {  	s9 =	sor.u32 $0xD0000000, s2;
	s6 =	simm.s32 $0x108;
	_ =	swait.ge @!p0 [sflag:s8], $0x0  }
0x24: {  	s3 =	sadd.s32 $0x88, s3;
	s6 =	simm.s32 @!p1 $0x1082;
	[sflag:s4] =	ssyncset.s32 $0xFFFFF086  }
0x25: {  	[simem:s6], [sflag:s4] =	dma.local [hbm:s3], $0xF7A  }
0x26: {  	[smem:$0x3F89] =	sst s1;
	(tag) =	ssettag s2;
	_ =	strace s9  }
0x27: {  	s1 =	sld [smem:$0x3F99]  }
0x28: {  	s2 =	sld [smem:$0x3F9A]  }
0x29: {  	s4 =	sld [smem:$0x3F9C]  }
0x2a: {  	p0 =	seq.s32 s5, $0x0;
	s5 =	sld [smem:$0x3F9D]  }
0x2b: {  	s6 =	sld [smem:$0x3F9E]  }
0x2c: {  	s7 =	sld [smem:$0x3F9F]  }
0x2d: {  	s3 =	simm.s32 $0x108;
	s8 =	sld [smem:$0x3FA0]  }
0x2e: {  	s3 =	simm.s32 @!p0 $0x1082;
	s9 =	sld [smem:$0x3FA1]  }
0x2f: {  	lr =	sadd.s32 s0, s3;
	s0 =	sld [smem:$0x3F98]  }
0x30: {  	s3 =	sld [smem:$0x3F9B]  }
0x31: {  	[smem:$0x3FA4] =	sst s10  }
0x32: {  	s10 =	sld [smem:$0x3FA2];
	_ =	sdelay $0x3  }
0x33: {  	p0 =	seq.s32 s10, $0x1;
	s10 =	sld [smem:$0x3FA4];
	_ =	sdelay $0x3  }
0x34: {  	[smem:$0x3FA4] =	sst s10  }
0x35: {  	s10 =	sld [smem:$0x3FA3];
	_ =	sdelay $0x3  }
0x36: {  	p1 =	seq.s32 s10, $0x1;
	s10 =	sld [smem:$0x3FA4];
	_ =	sdelay $0x3  }
0x37: {  	[smem:$0x3FA4] =	sst s10  }
0x38: {  	s10 =	sld [smem:$0x3FA5]  }
0x39: {  	_ = 	snop;
	(pc) =	sbr.ind lr, $3  }
0x3a: {  	_ = 	snop  }
0x3b: {  	_ = 	snop  }
0x3c: {  	p2 =	seq.s32 s10, $0x1;
	s10 =	sld [smem:$0x3FA4]  }
0x3d: {  	_ =	shalt  }
0x3e: {  	_ =	shalt  }
0x3f: {  	_ =	shalt  }
0x40: {  	_ =	shalt  }
0x41: {  	_ =	shalt  }
0x42: {  	_ =	shalt  }
0x43: {  	_ =	shalt  }
0x44: {  	_ =	shalt  }
0x45: {  	_ =	shalt  }
0x46: {  	_ =	shalt  }
0x47: {  	_ =	shalt  }
0x48: {  	_ =	shalt  }
0x49: {  	_ =	shalt  }
0x4a: {  	_ =	shalt  }
0x4b: {  	_ =	shalt  }
0x4c: {  	_ =	shalt  }
0x4d: {  	_ =	shalt  }
0x4e: {  	_ =	shalt  }
0x4f: {  	_ =	shalt  }
0x50: {  	_ =	shalt  }
0x51: {  	_ =	shalt  }
0x52: {  	_ =	shalt  }
0x53: {  	_ =	shalt  }
0x54: {  	_ =	shalt  }
0x55: {  	_ =	shalt  }
0x56: {  	_ =	shalt  }
0x57: {  	_ =	shalt  }
0x58: {  	_ =	shalt  }
0x59: {  	_ =	shalt  }
0x5a: {  	_ =	shalt  }
0x5b: {  	_ =	shalt  }
0x5c: {  	_ =	shalt  }
0x5d: {  	_ =	shalt  }
0x5e: {  	_ =	shalt  }
0x5f: {  	_ =	shalt  }
0x60: {  	_ =	shalt  }
0x61: {  	_ =	shalt  }
0x62: {  	_ =	shalt  }
0x63: {  	_ =	shalt  }
0x64: {  	_ =	shalt  }
0x65: {  	_ =	shalt  }
0x66: {  	_ =	shalt  }
0x67: {  	_ =	shalt  }
0x68: {  	_ =	shalt  }
0x69: {  	_ =	shalt  }
0x6a: {  	_ =	shalt  }
0x6b: {  	_ =	shalt  }
0x6c: {  	_ =	shalt  }
0x6d: {  	_ =	shalt  }
0x6e: {  	_ =	shalt  }
0x6f: {  	_ =	shalt  }
0x70: {  	_ =	shalt  }
0x71: {  	_ =	shalt  }
0x72: {  	_ =	shalt  }
0x73: {  	_ =	shalt  }
0x74: {  	_ =	shalt  }
0x75: {  	_ =	shalt  }
0x76: {  	_ =	shalt  }
0x77: {  	_ =	shalt  }
0x78: {  	_ =	shalt  }
0x79: {  	_ =	shalt  }
0x7a: {  	_ =	shalt  }
0x7b: {  	_ =	shalt  }
0x7c: {  	_ =	shalt  }
0x7d: {  	_ =	shalt  }
0x7e: {  	_ =	shalt  }
0x7f: {  	_ =	shalt  }
0x80: {  	_ =	shalt  }
0x81: {  	_ =	shalt  }
0x82: {  	_ =	shalt  }
0x83: {  	_ =	shalt  }
0x84: {  	_ =	shalt  }
0x85: {  	_ =	shalt  }
0x86: {  	_ =	shalt  }
0x87: {  	_ =	shalt  }
.Lfunc_end0:
.L_simem_size_0:
called_computation_lowered:
.L_overlay_start_0:
0x88: {  	s2 =	sld [smem:$0x3FD9]  }
0x89: {  	s3 =	sld [smem:$0x3FFE];
	_ =	sdelay $0x1  }
0x8a: {  	s1 =	srdreg.scid  }
0x8b: {  	s0 =	sand.u32 $0x1, s1  }
0x8c: {  	s17 =	sshll.u32 s0, $0xA;
	s2 =	sadd.s32 s3, s2  }
0x8d: {  	s2 =	sadd.s32 s2, s17  }
0x8e: {  	[smem:$0x3FB0] =	sst s2  }
0x8f: {  	_ = 	snop  }
0x90: {  	(tm) =	ssettm $0x1  }
0x91: {  	s18 =	sld [smem:$0x3FFB];
	_ =	sdelay $0x3  }
0x92: {  	_ =	strace s18  }
0x93: {  	s2 =	sld [smem:$0x3FFC];
	_ =	sdelay $0x3  }
0x94: {  	_ =	strace s2  }
0x95: {  	s2 =	sld [smem:$0x3FFD];
	_ =	sdelay $0x3  }
0x96: {  	_ =	strace s2  }
0x97: {  	_ =	strace $0x8FFFFFFF  }
0x98: {  	s19 =	sld [smem:$0x3FDB];
	_ =	sdelay $0x1  }
0x99: {  	s20 =	simm.s32 $_scs_section_size  }
0x9a: {  	s4 =	simm.s32 $_size__tile_overlayer_lowered;
	s5 =	simm.s32 $_tile_overlayer_lowered  }
0x9b: {  	s6 =	simm.s32 $0x1BFF;
	s21 =	sshll.u32 s5, $0x1;
	s3 =	sadd.s32 s20, s19  }
0x9c: {  	s22 =	simm.s32 $0x0;
	s4 =	sshll.u32 s4, $0x1;
	s5 =	sadd.s32 s21, s3  }
0x9d: {  	[timem:s22], [sflag:s6] =	dma.local [hbm:s5], s4  }
0x9e: {  	_ =	swait.ge [sflag:s6], s4  }
0x9f: {  	s4 =	ssub.s32 $0x0, s4;
	[sflag:s6] =	ssyncset.done $0x0  }
0xa0: {  	[sflag:s6] =	ssyncadd.s32 s4;
	_ =	sdelay $0x1  }
0xa1: {  	s23 =	simm.s32 $0x1B8B  }
0xa2: {  	_ =	swait.ge [sflag:s23], $0x1  }
0xa3: {  	[sflag:s23] =	ssyncset.done $0x0  }
0xa4: {  	[sflag:s23] =	ssyncadd.s32 $0xFFFFFFFF  }
0xa5: {  	s4 =	sld [smem:$0x0]  }
0xa6: {  	s5 =	sand.u32 $0xFFFFFFFE, s1  }
0xa7: {  	p0 =	sne.s32 s1, s5  }
0xa8: {  	s5 =	sshll.u32 @p0 s5, $0xE  }
0xa9: {  	s5 =	sadd.s32 @p0 $0x11B8D, s5;
	s6 =	sshll.u32 @p0 s4, $0x11  }
0xaa: {  	s5 =	sor.u32 @p0 s6, s5  }
0xab: {  	[sflag:s5] =	ssyncadd.remote.s32 @p0 $0x1;
	_ =	sdelay $0x1  }
0xac: {  	s5 =	simm.s32 @p0 $0x1B8D  }
0xad: {  	_ =	swait.eq @p0 [sflag:s5], $0x1  }
0xae: {  	[sflag:s5] =	ssyncadd.s32 @p0 $0xFFFFFFFF  }
0xaf: {  	s6 =	sshll.u32 @!p0 s1, $0xE  }
0xb0: {  	s6 =	sor.u32 @!p0 $0x4000, s6;
	s5 =	simm.s32 @!p0 $0x1B8D  }
0xb1: {  	s4 =	sshll.u32 @!p0 s4, $0x11;
	s6 =	sadd.s32 @!p0 $0x11B8D, s6;
	_ =	swait.eq @!p0 [sflag:s5], $0x1  }
0xb2: {  	s4 =	sor.u32 @!p0 s4, s6;
	[sflag:s5] =	ssyncadd.s32 @!p0 $0xFFFFFFFF  }
0xb3: {  	s25 =	simm.s32 $0x1B8E;
	s24 =	sld [smem:$0x3FFE];
	[sflag:s4] =	ssyncadd.remote.s32 @!p0 $0x1  }
0xb4: {  	s26 =	simm.s32 $execute0_lowered;
	[smem:$0x3FD2] =	sst s25  }
0xb5: {  	s5 =	sshll.u32 s26, $0x1;
	_ =	strace $0x80000049;
	[dreg:$0x1] =	wrdreg $0xFFFFFFFF  }
0xb6: {  	s28 =	simm.s32 $_size_execute0_lowered;
	s3 =	sadd.s32 s3, s5;
	[dreg:$0x0] =	wrdreg $0x0  }
0xb7: {  	s5 =	sshll.u32 s28, $0x1;
	[dreg:$0x2] =	wrdreg s3  }
0xb8: {  	[dreg:$0x3] =	wrdreg s5  }
0xb9: {  	[dreg:$0x4] =	wrdreg $0xC0  }
0xba: {  	_ =	task [dreg:s22], $0x5FFFF  }
0xbb: {  	[dreg:$0x1] =	wrdreg $0xFFFFFFFF  }
0xbc: {  	[dreg:$0x0] =	wrdreg $0x60  }
0xbd: {  	[dreg:$0x2] =	wrdreg s24  }
0xbe: {  	[dreg:$0x3] =	wrdreg $0x9  }
0xbf: {  	_ =	task.clear_ibuf [dreg:s22], $0x4FFFF;
	_ =	strace $0x90000049  }
0xc0: {  	s29 =	simm.s32 $0x9;
	_ =	strace $0x8000004B  }
0xc1: {  	_ =	swait.ge [sflag:s29], $0x1  }
0xc2: {  	[sflag:s29] =	ssyncadd.s32 $0xFFFFFFFF  }
0xc3: {  	_ =	strace $0x9000004B  }
0xc4: {  	_ =	sfence  }
0xc5: {  	s30 =	sld [smem:$0x0];
	_ =	sdelay $0x2  }
0xc6: {  	s31 =	sshll.u32 s1, $0xD;
	s1 =	sshrl.u32 s1, $0x2  }
0xc7: {  	s4 =	sand.u32 $0x4000, s31;
	s1 =	sadd.s32 s1, s30  }
0xc8: {  	s0 =	sor.u32 s4, s0;
	s1 =	sshll.u32 s1, $0x11  }
0xc9: {  	s0 =	sor.u32 s1, s0  }
0xca: {  	s0 =	sadd.s32 $0x8F2B, s0  }
0xcb: {  	[sflag:s0] =	ssyncadd.remote.s32 $0x1  }
0xcc: {  	_ =	sfence.sel $0xFFFF  }
0xcd: {  	[dreg:$0x0] =	wrdreg $0xFFFFFFFF;
	(pc) =	sbr.abs _section_cstart, $3  }
0xce: {  	[dreg:$0x1] =	wrdreg $0xFFFFFFFF  }
0xcf: {  	_ =	task.clear_ibuf [dreg:s22], $0x2FFFF;
	_ =	strace $0x9FFFFFFF  }
0xd0: {  	(tm) =	ssettm $0x7FFFFFFF  }
0xd1: {  	_ =	shalt  }
tec
execute0_lowered:
.L_overlay_start_1:
0x0: {  	(tag) =	ssettag $0x1  }
0x1: {  	s1 =	srdreg.scid;
	s0 =	stileid.u32  }
0x2: {  	s1 =	sand.u32 $0x1, s1;
	s2 =	sshll.u32 s0, $0x1  }
0x3: {  	s3 =	sor.u32 s1, s2  }
0x4: {  	s5 =	smul.u32 $0xD0, s3  }
0x5: {  	s4 =	rddreg [dreg:$0x0];
	s2 =	simm.s32 $0x0;
	s6 =	smul.u32 $0x34000, s3  }
0x6: {  	[smem:$0x7FF] =	sst s2;
	s3 =	smul.u32 $0x6800, s3  }
0x7: {  	s7 =	sadd.s32 $0x13C400, s4;
	_ =	strace $0x8000004A  }
0x8: {  	s5 =	sadd.s32 s5, s4;
	s6 =	sshrl.u32 s6, $0x3;
	s3 =	sadd.s32 s7, s3  }
0x9: {  	s5 =	sadd.s32 $0x13AA00, s5;
	s31 =	sadd.s32 s7, s6;
	[dreg:$0x3] =	wrdreg s3  }
0xa: {  	[dreg:$0x2] =	wrdreg s5;
	s23 =	sadd.s32 $0x800, s31  }
0xb: {  	s24 =	sadd.s32 $0x1000, s31;
	[dreg:$0x4] =	wrdreg s23  }
0xc: {  	[dreg:$0x5] =	wrdreg s24  }
0xd: {  	s25 =	sadd.s32 $0x1800, s31;
	s5 =	rddreg [dreg:$0x2]  }
0xe: {  	s26 =	sadd.s32 $0x2000, s31;
	[dreg:$0x6] =	wrdreg s25  }
0xf: {  	s3 =	simm.s32 $0x5;
	[dreg:$0x7] =	wrdreg s26  }
0x10: {  	[tilespmem:s2], [sflag:$0x5] =	stream.linear.gather [hbm4b:s5+s2], $0x680, $0x38;
	[tilespmem:$0x8680] =	vst v63  }
0x11: {  	_ =	swait.ge [sflag:s3], $0x680  }
0x12: {  	s4 =	sadd.s32 $0x4E00, s4;
	[sflag:s3] =	ssyncset.done $0x0  }
0x13: {  	s6 =	simm.s32 $0x680;
	s5 =	simm.s32 $0x80;
	[sflag:s3] =	ssyncadd.s32 $0xFFFFF980  }
0x14: {  	[tilespmem:s6], [sflag:$0x1] =	stream.indirect.gather [hbm4b:s4+s5], $0x80, s2, s5, $0xb8;
	[tilespmem:$0x8680] =	vst v63  }
0x15: {  	s8 =	simm.s32 $0x1;
	s7 =	simm.s32 $0x4680  }
0x16: {  	[tilespmem:s7], [sflag:$0x2] =	stream.indirect.gather [hbm4b:s4+s5], $0x80, s5, s5, $0xb8;
	[tilespmem:$0x8680] =	vst v63  }
0x17: {  	_ =	swait.ge [sflag:s8], $0x4000  }
0x18: {  	[sflag:s8] =	ssyncset.done $0x0  }
0x19: {  	s9 =	simm.s32 $0x3;
	s10 =	rddreg [dreg:$0x3];
	[sflag:s8] =	ssyncadd.s32 $0xFFFFC000  }
0x1a: {  	[hbm4b:s10+s2] =	stream.linear.scatter [tilespmem:s6], [sflag:$0x3], $0x4000, $0x38;
	[tilespmem:$0x8680] =	vst v63  }
0x1b: {  	_ =	swait.ge [sflag:s9], $0x4000  }
0x1c: {  	[sflag:s9] =	ssyncset.done $0x0  }
0x1d: {  	s11 =	simm.s32 $0x2;
	s10 =	simm.s32 $0x100;
	[sflag:s9] =	ssyncadd.s32 $0xFFFFC000  }
0x1e: {  	[tilespmem:s6], [sflag:$0x1] =	stream.indirect.gather [hbm4b:s4+s5], $0x80, s10, s5, $0xb8;
	[tilespmem:$0x8680] =	vst v63  }
0x1f: {  	_ =	swait.ge [sflag:s11], $0x4000  }
0x20: {  	[sflag:s11] =	ssyncset.done $0x0  }
0x21: {  	s12 =	simm.s32 $0x4;
	s13 =	rddreg [dreg:$0x4];
	[sflag:s11] =	ssyncadd.s32 $0xFFFFC000  }
0x22: {  	[hbm4b:s13+s2] =	stream.linear.scatter [tilespmem:s7], [sflag:$0x4], $0x4000, $0x38;
	[tilespmem:$0x8680] =	vst v63  }
0x23: {  	_ =	swait.ge [sflag:s12], $0x4000  }
0x24: {  	[sflag:s12] =	ssyncset.done $0x0  }
0x25: {  	s13 =	simm.s32 $0x180;
	[sflag:s12] =	ssyncadd.s32 $0xFFFFC000  }
0x26: {  	[tilespmem:s7], [sflag:$0x2] =	stream.indirect.gather [hbm4b:s4+s5], $0x80, s13, s5, $0xb8;
	[tilespmem:$0x8680] =	vst v63  }
0x27: {  	_ =	swait.ge [sflag:s8], $0x4000  }
0x28: {  	[sflag:s8] =	ssyncset.done $0x0  }
0x29: {  	s14 =	rddreg [dreg:$0x5];
	[sflag:s8] =	ssyncadd.s32 $0xFFFFC000  }
0x2a: {  	[hbm4b:s14+s2] =	stream.linear.scatter [tilespmem:s6], [sflag:$0x3], $0x4000, $0x38;
	[tilespmem:$0x8680] =	vst v63  }
0x2b: {  	_ =	swait.ge [sflag:s9], $0x4000  }
0x2c: {  	[sflag:s9] =	ssyncset.done $0x0  }
0x2d: {  	s14 =	simm.s32 $0x200;
	[sflag:s9] =	ssyncadd.s32 $0xFFFFC000  }
0x2e: {  	[tilespmem:s6], [sflag:$0x1] =	stream.indirect.gather [hbm4b:s4+s5], $0x80, s14, s5, $0xb8;
	[tilespmem:$0x8680] =	vst v63  }
0x2f: {  	_ =	swait.ge [sflag:s11], $0x4000  }
0x30: {  	[sflag:s11] =	ssyncset.done $0x0  }
0x31: {  	s15 =	rddreg [dreg:$0x6];
	[sflag:s11] =	ssyncadd.s32 $0xFFFFC000  }
0x32: {  	[hbm4b:s15+s2] =	stream.linear.scatter [tilespmem:s7], [sflag:$0x4], $0x4000, $0x38;
	[tilespmem:$0x8680] =	vst v63  }
0x33: {  	_ =	swait.ge [sflag:s12], $0x4000  }
0x34: {  	[sflag:s12] =	ssyncset.done $0x0  }
0x35: {  	s15 =	simm.s32 $0x280;
	[sflag:s12] =	ssyncadd.s32 $0xFFFFC000  }
0x36: {  	[tilespmem:s7], [sflag:$0x2] =	stream.indirect.gather [hbm4b:s4+s5], $0x80, s15, s5, $0xb8;
	[tilespmem:$0x8680] =	vst v63  }
0x37: {  	_ =	swait.ge [sflag:s8], $0x4000  }
0x38: {  	[sflag:s8] =	ssyncset.done $0x0  }
0x39: {  	s16 =	rddreg [dreg:$0x7];
	[sflag:s8] =	ssyncadd.s32 $0xFFFFC000  }
0x3a: {  	[hbm4b:s16+s2] =	stream.linear.scatter [tilespmem:s6], [sflag:$0x3], $0x4000, $0x38;
	[tilespmem:$0x8680] =	vst v63  }
0x3b: {  	_ =	swait.ge [sflag:s9], $0x4000  }
0x3c: {  	[sflag:s9] =	ssyncset.done $0x0  }
0x3d: {  	s16 =	simm.s32 $0x300;
	[sflag:s9] =	ssyncadd.s32 $0xFFFFC000  }
0x3e: {  	[tilespmem:s6], [sflag:$0x1] =	stream.indirect.gather [hbm4b:s4+s5], $0x80, s16, s5, $0xb8;
	[tilespmem:$0x8680] =	vst v63  }
0x3f: {  	_ =	swait.ge [sflag:s11], $0x4000  }
0x40: {  	[sflag:s11] =	ssyncset.done $0x0  }
0x41: {  	s17 =	sadd.s32 $0x2800, s31;
	[sflag:s11] =	ssyncadd.s32 $0xFFFFC000  }
0x42: {  	[hbm4b:s17+s2] =	stream.linear.scatter [tilespmem:s7], [sflag:$0x4], $0x4000, $0x38;
	[tilespmem:$0x8680] =	vst v63  }
0x43: {  	_ =	swait.ge [sflag:s12], $0x4000  }
0x44: {  	[sflag:s12] =	ssyncset.done $0x0  }
0x45: {  	s18 =	simm.s32 $0x380;
	[sflag:s12] =	ssyncadd.s32 $0xFFFFC000  }
0x46: {  	[tilespmem:s7], [sflag:$0x2] =	stream.indirect.gather [hbm4b:s4+s5], $0x80, s18, s5, $0xb8;
	[tilespmem:$0x8680] =	vst v63  }
0x47: {  	_ =	swait.ge [sflag:s8], $0x4000  }
0x48: {  	[sflag:s8] =	ssyncset.done $0x0  }
0x49: {  	s19 =	sadd.s32 $0x3000, s31;
	[sflag:s8] =	ssyncadd.s32 $0xFFFFC000  }
0x4a: {  	[hbm4b:s19+s2] =	stream.linear.scatter [tilespmem:s6], [sflag:$0x3], $0x4000, $0x38;
	[tilespmem:$0x8680] =	vst v63  }
0x4b: {  	_ =	swait.ge [sflag:s9], $0x4000  }
0x4c: {  	[sflag:s9] =	ssyncset.done $0x0  }
0x4d: {  	s20 =	simm.s32 $0x400;
	[sflag:s9] =	ssyncadd.s32 $0xFFFFC000  }
0x4e: {  	[tilespmem:s6], [sflag:$0x1] =	stream.indirect.gather [hbm4b:s4+s5], $0x80, s20, s5, $0xb8;
	[tilespmem:$0x8680] =	vst v63  }
0x4f: {  	_ =	swait.ge [sflag:s11], $0x4000  }
0x50: {  	[sflag:s11] =	ssyncset.done $0x0  }
0x51: {  	s21 =	sadd.s32 $0x3800, s31;
	[sflag:s11] =	ssyncadd.s32 $0xFFFFC000  }
0x52: {  	[hbm4b:s21+s2] =	stream.linear.scatter [tilespmem:s7], [sflag:$0x4], $0x4000, $0x38;
	[tilespmem:$0x8680] =	vst v63  }
0x53: {  	_ =	swait.ge [sflag:s12], $0x4000  }
0x54: {  	[sflag:s12] =	ssyncset.done $0x0  }
0x55: {  	s22 =	simm.s32 $0x480;
	[sflag:s12] =	ssyncadd.s32 $0xFFFFC000  }
0x56: {  	[tilespmem:s7], [sflag:$0x2] =	stream.indirect.gather [hbm4b:s4+s5], $0x80, s22, s5, $0xb8;
	[tilespmem:$0x8680] =	vst v63  }
0x57: {  	_ =	swait.ge [sflag:s8], $0x4000  }
0x58: {  	[sflag:s8] =	ssyncset.done $0x0  }
0x59: {  	s23 =	sadd.s32 $0x4000, s31;
	[sflag:s8] =	ssyncadd.s32 $0xFFFFC000  }
0x5a: {  	[hbm4b:s23+s2] =	stream.linear.scatter [tilespmem:s6], [sflag:$0x3], $0x4000, $0x38;
	[tilespmem:$0x8680] =	vst v63  }
0x5b: {  	_ =	swait.ge [sflag:s9], $0x4000  }
0x5c: {  	[sflag:s9] =	ssyncset.done $0x0  }
0x5d: {  	s24 =	simm.s32 $0x500;
	[sflag:s9] =	ssyncadd.s32 $0xFFFFC000  }
0x5e: {  	[tilespmem:s6], [sflag:$0x1] =	stream.indirect.gather [hbm4b:s4+s5], $0x80, s24, s5, $0xb8;
	[tilespmem:$0x8680] =	vst v63  }
0x5f: {  	_ =	swait.ge [sflag:s11], $0x4000  }
0x60: {  	[sflag:s11] =	ssyncset.done $0x0  }
0x61: {  	s25 =	sadd.s32 $0x4800, s31;
	[sflag:s11] =	ssyncadd.s32 $0xFFFFC000  }
0x62: {  	[hbm4b:s25+s2] =	stream.linear.scatter [tilespmem:s7], [sflag:$0x4], $0x4000, $0x38;
	[tilespmem:$0x8680] =	vst v63  }
0x63: {  	_ =	swait.ge [sflag:s12], $0x4000  }
0x64: {  	[sflag:s12] =	ssyncset.done $0x0  }
0x65: {  	s26 =	simm.s32 $0x580;
	[sflag:s12] =	ssyncadd.s32 $0xFFFFC000  }
0x66: {  	[tilespmem:s7], [sflag:$0x2] =	stream.indirect.gather [hbm4b:s4+s5], $0x80, s26, s5, $0xb8;
	[tilespmem:$0x8680] =	vst v63  }
0x67: {  	_ =	swait.ge [sflag:s8], $0x4000  }
0x68: {  	[sflag:s8] =	ssyncset.done $0x0  }
0x69: {  	s28 =	sadd.s32 $0x5000, s31;
	[sflag:s8] =	ssyncadd.s32 $0xFFFFC000  }
0x6a: {  	[hbm4b:s28+s2] =	stream.linear.scatter [tilespmem:s6], [sflag:$0x3], $0x4000, $0x38;
	[tilespmem:$0x8680] =	vst v63  }
0x6b: {  	_ =	swait.ge [sflag:s9], $0x4000  }
0x6c: {  	[sflag:s9] =	ssyncset.done $0x0  }
0x6d: {  	s29 =	simm.s32 $0x600;
	[sflag:s9] =	ssyncadd.s32 $0xFFFFC000  }
0x6e: {  	[tilespmem:s6], [sflag:$0x1] =	stream.indirect.gather [hbm4b:s4+s5], $0x80, s29, s5, $0xb8;
	[tilespmem:$0x8680] =	vst v63  }
0x6f: {  	_ =	swait.ge [sflag:s11], $0x4000  }
0x70: {  	s1 =	ssub.s32 $0x2, s1;
	[sflag:s11] =	ssyncset.done $0x0  }
0x71: {  	s0 =	sshrl.u32 s1, $0x1;
	s30 =	sadd.s32 $0x5800, s31;
	[sflag:s11] =	ssyncadd.s32 $0xFFFFC000  }
0x72: {  	[hbm4b:s30+s2] =	stream.linear.scatter [tilespmem:s7], [sflag:$0x4], $0x4000, $0x38;
	[tilespmem:$0x8680] =	vst v63  }
0x73: {  	s0 =	ssub.s32 s1, s0;
	_ =	swait.ge [sflag:s8], $0x4000  }
0x74: {  	s0 =	smax.u32 s0, $0x1;
	[sflag:s8] =	ssyncset.done $0x0  }
0x75: {  	p0 =	sne.s32 s0, $0x1;
	s31 =	sadd.s32 $0x6000, s31;
	[sflag:s8] =	ssyncadd.s32 $0xFFFFC000  }
0x76: {  	[hbm4b:s31+s2] =	stream.linear.scatter [tilespmem:s6], [sflag:$0x3], $0x4000, $0x38;
	[tilespmem:$0x8680] =	vst v63  }
.Ltmp0:
0x77: {  	_ =	swait.ge [sflag:s9], $0x4000;
	(pc) =	sbr.rel @!p0 .LBB2_2-.Ltmp0, $4  }
0x78: {  	[sflag:s9] =	ssyncset.done $0x0  }
0x79: {  	[sflag:s9] =	ssyncadd.s32 $0xFFFFC000  }
0x7a: {  	_ =	swait.ge [sflag:s12], $0x4000  }
0x7b: {  	s1 =	sadd.s32 $0xFFFFFFFF, s0;
	[sflag:s12] =	ssyncset.done $0x0  }
.LBB2_1:
0x7c: {  	s0 =	rddreg [dreg:$0x2];
	[sflag:s12] =	ssyncadd.s32 $0xFFFFC000  }
0x7d: {  	[tilespmem:s2], [sflag:$0x5] =	stream.linear.gather [hbm4b:s0+s2], $0x680, $0x38;
	[tilespmem:$0x8680] =	vst v63  }
0x7e: {  	_ =	swait.ge [sflag:s3], $0x680  }
0x7f: {  	[sflag:s3] =	ssyncset.done $0x0  }
0x80: {  	[sflag:s3] =	ssyncadd.s32 $0xFFFFF980  }
0x81: {  	[tilespmem:s6], [sflag:$0x1] =	stream.indirect.gather [hbm4b:s4+s5], $0x80, s2, s5, $0xb8;
	[tilespmem:$0x8680] =	vst v63  }
0x82: {  	_ = 	snop  }
0x83: {  	[tilespmem:s7], [sflag:$0x2] =	stream.indirect.gather [hbm4b:s4+s5], $0x80, s5, s5, $0xb8;
	[tilespmem:$0x8680] =	vst v63  }
0x84: {  	_ =	swait.ge [sflag:s8], $0x4000  }
0x85: {  	[sflag:s8] =	ssyncset.done $0x0  }
0x86: {  	s0 =	rddreg [dreg:$0x3];
	[sflag:s8] =	ssyncadd.s32 $0xFFFFC000  }
0x87: {  	[hbm4b:s0+s2] =	stream.linear.scatter [tilespmem:s6], [sflag:$0x3], $0x4000, $0x38;
	[tilespmem:$0x8680] =	vst v63  }
0x88: {  	_ =	swait.ge [sflag:s9], $0x4000  }
0x89: {  	[sflag:s9] =	ssyncset.done $0x0  }
0x8a: {  	[sflag:s9] =	ssyncadd.s32 $0xFFFFC000  }
0x8b: {  	[tilespmem:s6], [sflag:$0x1] =	stream.indirect.gather [hbm4b:s4+s5], $0x80, s10, s5, $0xb8;
	[tilespmem:$0x8680] =	vst v63  }
0x8c: {  	_ =	swait.ge [sflag:s11], $0x4000  }
0x8d: {  	[sflag:s11] =	ssyncset.done $0x0  }
0x8e: {  	s0 =	rddreg [dreg:$0x4];
	[sflag:s11] =	ssyncadd.s32 $0xFFFFC000  }
0x8f: {  	[hbm4b:s0+s2] =	stream.linear.scatter [tilespmem:s7], [sflag:$0x4], $0x4000, $0x38;
	[tilespmem:$0x8680] =	vst v63  }
0x90: {  	_ =	swait.ge [sflag:s12], $0x4000  }
0x91: {  	[sflag:s12] =	ssyncset.done $0x0  }
0x92: {  	[sflag:s12] =	ssyncadd.s32 $0xFFFFC000  }
0x93: {  	[tilespmem:s7], [sflag:$0x2] =	stream.indirect.gather [hbm4b:s4+s5], $0x80, s13, s5, $0xb8;
	[tilespmem:$0x8680] =	vst v63  }
0x94: {  	_ =	swait.ge [sflag:s8], $0x4000  }
0x95: {  	[sflag:s8] =	ssyncset.done $0x0  }
0x96: {  	s0 =	rddreg [dreg:$0x5];
	[sflag:s8] =	ssyncadd.s32 $0xFFFFC000  }
0x97: {  	[hbm4b:s0+s2] =	stream.linear.scatter [tilespmem:s6], [sflag:$0x3], $0x4000, $0x38;
	[tilespmem:$0x8680] =	vst v63  }
0x98: {  	_ =	swait.ge [sflag:s9], $0x4000  }
0x99: {  	[sflag:s9] =	ssyncset.done $0x0  }
0x9a: {  	[sflag:s9] =	ssyncadd.s32 $0xFFFFC000  }
0x9b: {  	[tilespmem:s6], [sflag:$0x1] =	stream.indirect.gather [hbm4b:s4+s5], $0x80, s14, s5, $0xb8;
	[tilespmem:$0x8680] =	vst v63  }
0x9c: {  	_ =	swait.ge [sflag:s11], $0x4000  }
0x9d: {  	[sflag:s11] =	ssyncset.done $0x0  }
0x9e: {  	s0 =	rddreg [dreg:$0x6];
	[sflag:s11] =	ssyncadd.s32 $0xFFFFC000  }
0x9f: {  	[hbm4b:s0+s2] =	stream.linear.scatter [tilespmem:s7], [sflag:$0x4], $0x4000, $0x38;
	[tilespmem:$0x8680] =	vst v63  }
0xa0: {  	_ =	swait.ge [sflag:s12], $0x4000  }
0xa1: {  	[sflag:s12] =	ssyncset.done $0x0  }
0xa2: {  	[sflag:s12] =	ssyncadd.s32 $0xFFFFC000  }
0xa3: {  	[tilespmem:s7], [sflag:$0x2] =	stream.indirect.gather [hbm4b:s4+s5], $0x80, s15, s5, $0xb8;
	[tilespmem:$0x8680] =	vst v63  }
0xa4: {  	_ =	swait.ge [sflag:s8], $0x4000  }
0xa5: {  	[sflag:s8] =	ssyncset.done $0x0  }
0xa6: {  	s0 =	rddreg [dreg:$0x7];
	[sflag:s8] =	ssyncadd.s32 $0xFFFFC000  }
0xa7: {  	[hbm4b:s0+s2] =	stream.linear.scatter [tilespmem:s6], [sflag:$0x3], $0x4000, $0x38;
	[tilespmem:$0x8680] =	vst v63  }
0xa8: {  	_ =	swait.ge [sflag:s9], $0x4000  }
0xa9: {  	[sflag:s9] =	ssyncset.done $0x0  }
0xaa: {  	[sflag:s9] =	ssyncadd.s32 $0xFFFFC000  }
0xab: {  	[tilespmem:s6], [sflag:$0x1] =	stream.indirect.gather [hbm4b:s4+s5], $0x80, s16, s5, $0xb8;
	[tilespmem:$0x8680] =	vst v63  }
0xac: {  	_ =	swait.ge [sflag:s11], $0x4000  }
0xad: {  	[sflag:s11] =	ssyncset.done $0x0  }
0xae: {  	[sflag:s11] =	ssyncadd.s32 $0xFFFFC000  }
0xaf: {  	[hbm4b:s17+s2] =	stream.linear.scatter [tilespmem:s7], [sflag:$0x4], $0x4000, $0x38;
	[tilespmem:$0x8680] =	vst v63  }
0xb0: {  	_ =	swait.ge [sflag:s12], $0x4000  }
0xb1: {  	[sflag:s12] =	ssyncset.done $0x0  }
0xb2: {  	[sflag:s12] =	ssyncadd.s32 $0xFFFFC000  }
0xb3: {  	[tilespmem:s7], [sflag:$0x2] =	stream.indirect.gather [hbm4b:s4+s5], $0x80, s18, s5, $0xb8;
	[tilespmem:$0x8680] =	vst v63  }
0xb4: {  	_ =	swait.ge [sflag:s8], $0x4000  }
0xb5: {  	[sflag:s8] =	ssyncset.done $0x0  }
0xb6: {  	[sflag:s8] =	ssyncadd.s32 $0xFFFFC000  }
0xb7: {  	[hbm4b:s19+s2] =	stream.linear.scatter [tilespmem:s6], [sflag:$0x3], $0x4000, $0x38;
	[tilespmem:$0x8680] =	vst v63  }
0xb8: {  	_ =	swait.ge [sflag:s9], $0x4000  }
0xb9: {  	[sflag:s9] =	ssyncset.done $0x0  }
0xba: {  	[sflag:s9] =	ssyncadd.s32 $0xFFFFC000  }
0xbb: {  	[tilespmem:s6], [sflag:$0x1] =	stream.indirect.gather [hbm4b:s4+s5], $0x80, s20, s5, $0xb8;
	[tilespmem:$0x8680] =	vst v63  }
0xbc: {  	_ =	swait.ge [sflag:s11], $0x4000  }
0xbd: {  	[sflag:s11] =	ssyncset.done $0x0  }
0xbe: {  	[sflag:s11] =	ssyncadd.s32 $0xFFFFC000  }
0xbf: {  	[hbm4b:s21+s2] =	stream.linear.scatter [tilespmem:s7], [sflag:$0x4], $0x4000, $0x38;
	[tilespmem:$0x8680] =	vst v63  }
0xc0: {  	_ =	swait.ge [sflag:s12], $0x4000  }
0xc1: {  	[sflag:s12] =	ssyncset.done $0x0  }
0xc2: {  	[sflag:s12] =	ssyncadd.s32 $0xFFFFC000  }
0xc3: {  	[tilespmem:s7], [sflag:$0x2] =	stream.indirect.gather [hbm4b:s4+s5], $0x80, s22, s5, $0xb8;
	[tilespmem:$0x8680] =	vst v63  }
0xc4: {  	_ =	swait.ge [sflag:s8], $0x4000  }
0xc5: {  	[sflag:s8] =	ssyncset.done $0x0  }
0xc6: {  	[sflag:s8] =	ssyncadd.s32 $0xFFFFC000  }
0xc7: {  	[hbm4b:s23+s2] =	stream.linear.scatter [tilespmem:s6], [sflag:$0x3], $0x4000, $0x38;
	[tilespmem:$0x8680] =	vst v63  }
0xc8: {  	_ =	swait.ge [sflag:s9], $0x4000  }
0xc9: {  	[sflag:s9] =	ssyncset.done $0x0  }
0xca: {  	[sflag:s9] =	ssyncadd.s32 $0xFFFFC000  }
0xcb: {  	[tilespmem:s6], [sflag:$0x1] =	stream.indirect.gather [hbm4b:s4+s5], $0x80, s24, s5, $0xb8;
	[tilespmem:$0x8680] =	vst v63  }
0xcc: {  	_ =	swait.ge [sflag:s11], $0x4000  }
0xcd: {  	[sflag:s11] =	ssyncset.done $0x0  }
0xce: {  	[sflag:s11] =	ssyncadd.s32 $0xFFFFC000  }
0xcf: {  	[hbm4b:s25+s2] =	stream.linear.scatter [tilespmem:s7], [sflag:$0x4], $0x4000, $0x38;
	[tilespmem:$0x8680] =	vst v63  }
0xd0: {  	_ =	swait.ge [sflag:s12], $0x4000  }
0xd1: {  	[sflag:s12] =	ssyncset.done $0x0  }
0xd2: {  	[sflag:s12] =	ssyncadd.s32 $0xFFFFC000  }
0xd3: {  	[tilespmem:s7], [sflag:$0x2] =	stream.indirect.gather [hbm4b:s4+s5], $0x80, s26, s5, $0xb8;
	[tilespmem:$0x8680] =	vst v63  }
0xd4: {  	_ =	swait.ge [sflag:s8], $0x4000  }
0xd5: {  	[sflag:s8] =	ssyncset.done $0x0  }
0xd6: {  	[sflag:s8] =	ssyncadd.s32 $0xFFFFC000  }
0xd7: {  	[hbm4b:s28+s2] =	stream.linear.scatter [tilespmem:s6], [sflag:$0x3], $0x4000, $0x38;
	[tilespmem:$0x8680] =	vst v63  }
0xd8: {  	_ =	swait.ge [sflag:s9], $0x4000  }
0xd9: {  	[sflag:s9] =	ssyncset.done $0x0  }
0xda: {  	[sflag:s9] =	ssyncadd.s32 $0xFFFFC000  }
0xdb: {  	[tilespmem:s6], [sflag:$0x1] =	stream.indirect.gather [hbm4b:s4+s5], $0x80, s29, s5, $0xb8;
	[tilespmem:$0x8680] =	vst v63  }
0xdc: {  	_ =	swait.ge [sflag:s11], $0x4000  }
0xdd: {  	[sflag:s11] =	ssyncset.done $0x0  }
0xde: {  	[sflag:s11] =	ssyncadd.s32 $0xFFFFC000  }
0xdf: {  	[hbm4b:s30+s2] =	stream.linear.scatter [tilespmem:s7], [sflag:$0x4], $0x4000, $0x38;
	[tilespmem:$0x8680] =	vst v63  }
0xe0: {  	_ =	swait.ge [sflag:s8], $0x4000  }
0xe1: {  	[sflag:s8] =	ssyncset.done $0x0  }
0xe2: {  	p0 =	sne.s32 s1, $0x1;
	[sflag:s8] =	ssyncadd.s32 $0xFFFFC000  }
0xe3: {  	[hbm4b:s31+s2] =	stream.linear.scatter [tilespmem:s6], [sflag:$0x3], $0x4000, $0x38;
	[tilespmem:$0x8680] =	vst v63  }
.Ltmp1:
0xe4: {  	_ =	swait.ge [sflag:s9], $0x4000;
	(pc) =	sbr.rel @p0 .LBB2_1-.Ltmp1, $4  }
0xe5: {  	[sflag:s9] =	ssyncset.done $0x0  }
0xe6: {  	[sflag:s9] =	ssyncadd.s32 $0xFFFFC000  }
0xe7: {  	_ =	swait.ge [sflag:s12], $0x4000  }
0xe8: {  	s1 =	sadd.s32 $0xFFFFFFFF, s1;
	[sflag:s12] =	ssyncset.done $0x0  }
.LBB2_2:
0xe9: {  	[sflag:s12] =	ssyncadd.s32 $0xFFFFC000  }
0xea: {  	_ =	sfence.sel $0x180000  }
0xeb: {  	[bflag:$0x0] =	sbarrier.arrive $0xFFFF  }
0xec: {  	_ =	strace $0x9000004A  }
0xed: {  	s0 =	stileid.u32;
	[bflag:$0x2] =	sbarrier.arrive $0xFFFF  }
0xee: {  	p0 =	sne.s32 s0, $0x0;
	s0 =	rddreg [dreg:$0x1]  }
0xef: {  	s0 =	sadd.s32 @!p0 $0x100000, s0  }
0xf0: {  	[sflag:s0] =	ssyncadd.tile.s32 @!p0 $0x1;
	_ =	shalt  }
.Lfunc_end2:
_tile_overlayer_lowered:
.L_overlay_start_2:
0xf1: {  	(tag) =	ssettag $0x2  }
0xf2: {  	s0 =	rddreg [dreg:$0x0];
	s2 =	stileid.u32  }
0xf3: {  	s1 =	rddreg [dreg:$0x1];
	p0 =	sne.s32 s2, $0x0  }
0xf4: {  	s3 =	rddreg [dreg:$0x2];
	[bflag:$0x3] =	sbarrier.arrive $0xFFFF;
	s2 =	simm.s32 @!p0 $0x1C05  }
0xf5: {  	[timem:s3], [sflag:s2] =	dma.local @!p0 [hbm:s0], s1  }
0xf6: {  	s0 =	simm.s32 @!p0 $0x5  }
0xf7: {  	_ =	swait.ge @!p0 [sflag:s0], s1  }
0xf8: {  	s1 =	ssub.s32 @!p0 $0x0, s1;
	[sflag:s0] =	ssyncset.done @!p0 $0x0  }
0xf9: {  	[sflag:s0] =	ssyncadd.s32 @!p0 s1  }
0xfa: {  	[bflag:$0x3] =	sbarrier.arrive $0xFFFF  }
0xfb: {  	_ =	shalt  }

// kernel: kernel.9.cloned.1.call-start
scs
__scs_entry_jumppad:
0x0: {  	(pc) =	sbr.rel $0x88, $3  }
0x1: {  	(tag) =	ssettag $0x0;
	lr =	simm.s32 $0x1  }
0x2: {  	[smem:$0x3F89] =	sst lr;
	_ =	strace $0xD0000000  }
0x3: {  	_ = 	snop  }
0x4: {  	_ = 	snop  }
0x5: {  	_ = 	snop  }
0x6: {  	_ = 	snop  }
0x7: {  	_ = 	snop  }
__scs_overlays_trampoline_lowered:
0x8: {  	[smem:$0x3F98] =	sst s0  }
0x9: {  	[smem:$0x3F99] =	sst s1  }
0xa: {  	[smem:$0x3F9A] =	sst s2  }
0xb: {  	[smem:$0x3F9B] =	sst s3  }
0xc: {  	[smem:$0x3F9C] =	sst s4  }
0xd: {  	[smem:$0x3F9D] =	sst s5  }
0xe: {  	[smem:$0x3F9E] =	sst s6  }
0xf: {  	[smem:$0x3F9F] =	sst s7  }
0x10: {  	[smem:$0x3FA0] =	sst s8  }
0x11: {  	[smem:$0x3FA1] =	sst s9;
	s0 =	simm.s32 @!p0 $0x0  }
0x12: {  	s1 =	sld [smem:$0x3F87];
	s0 =	simm.s32 @p0 $0x1  }
0x13: {  	[smem:$0x3FA2] =	sst s0;
	s0 =	simm.s32 @!p1 $0x0  }
0x14: {  	s2 =	sld [smem:$0x3F86];
	s0 =	simm.s32 @p1 $0x1  }
0x15: {  	[smem:$0x3FA3] =	sst s0;
	s0 =	simm.s32 @!p2 $0x0  }
0x16: {  	s3 =	sld [smem:$0x3FDB];
	s0 =	simm.s32 @p2 $0x1  }
0x17: {  	s4 =	simm.s32 $0x1BF5;
	[smem:$0x3FA5] =	sst s0  }
0x18: {  	s0 =	sld [smem:$0x3F88];
	_ =	swait.ge [sflag:s4], $0x0  }
0x19: {  	s7 =	sld [smem:$0x3F89]  }
0x1a: {  	s8 =	sadd.s32 $0xFFFFE003, lr  }
0x1b: {  	s9 =	sadd.s32 $0xFFFFFEF7, lr;
	s5 =	simm.s32 $0xFFFFFFFF;
	p2 =	slt.u32 s8, $0xFFFFF086  }
0x1c: {  	p1 =	slt.u32 s9, $0xF7A;
	s5 =	simm.s32 @!p2 $0x0  }
0x1d: {  	s5 =	simm.s32 @p1 $0x1;
	p0 =	seq.s32 s7, s2  }
0x1e: {  	s7 =	smul.u32 @!p0 $0xF7A, s2;
	p2 =	seq.s32 @!p0 s5, $0x0  }
0x1f: {  	s9 =	smul.u32 $0xF7A, s1;
	s8 =	simm.s32 @!p0 $0x1BF5;
	p2 =	por !p2, p0  }
0x20: {  	[sflag:s8] =	ssyncset.s32 @!p0 $0xFFFFF086;
	s6 =	sadd.s32 @!p0 s3, s7;
	s7 =	simm.s32 @!p0 $0x108  }
0x21: {  	s3 =	sadd.s32 s3, s9;
	s6 =	sadd.s32 @!p0 $0x88, s6;
	s7 =	simm.s32 @p2 $0x1082  }
0x22: {  	[simem:s7], [sflag:s8] =	dma.local @!p0 [hbm:s6], $0xF7A  }
0x23: {  	s9 =	sor.u32 $0xD0000000, s2;
	s6 =	simm.s32 $0x108;
	_ =	swait.ge @!p0 [sflag:s8], $0x0  }
0x24: {  	s3 =	sadd.s32 $0x88, s3;
	s6 =	simm.s32 @!p1 $0x1082;
	[sflag:s4] =	ssyncset.s32 $0xFFFFF086  }
0x25: {  	[simem:s6], [sflag:s4] =	dma.local [hbm:s3], $0xF7A  }
0x26: {  	[smem:$0x3F89] =	sst s1;
	(tag) =	ssettag s2;
	_ =	strace s9  }
0x27: {  	s1 =	sld [smem:$0x3F99]  }
0x28: {  	s2 =	sld [smem:$0x3F9A]  }
0x29: {  	s4 =	sld [smem:$0x3F9C]  }
0x2a: {  	p0 =	seq.s32 s5, $0x0;
	s5 =	sld [smem:$0x3F9D]  }
0x2b: {  	s6 =	sld [smem:$0x3F9E]  }
0x2c: {  	s7 =	sld [smem:$0x3F9F]  }
0x2d: {  	s3 =	simm.s32 $0x108;
	s8 =	sld [smem:$0x3FA0]  }
0x2e: {  	s3 =	simm.s32 @!p0 $0x1082;
	s9 =	sld [smem:$0x3FA1]  }
0x2f: {  	lr =	sadd.s32 s0, s3;
	s0 =	sld [smem:$0x3F98]  }
0x30: {  	s3 =	sld [smem:$0x3F9B]  }
0x31: {  	[smem:$0x3FA4] =	sst s10  }
0x32: {  	s10 =	sld [smem:$0x3FA2];
	_ =	sdelay $0x3  }
0x33: {  	p0 =	seq.s32 s10, $0x1;
	s10 =	sld [smem:$0x3FA4];
	_ =	sdelay $0x3  }
0x34: {  	[smem:$0x3FA4] =	sst s10  }
0x35: {  	s10 =	sld [smem:$0x3FA3];
	_ =	sdelay $0x3  }
0x36: {  	p1 =	seq.s32 s10, $0x1;
	s10 =	sld [smem:$0x3FA4];
	_ =	sdelay $0x3  }
0x37: {  	[smem:$0x3FA4] =	sst s10  }
0x38: {  	s10 =	sld [smem:$0x3FA5]  }
0x39: {  	_ = 	snop;
	(pc) =	sbr.ind lr, $3  }
0x3a: {  	_ = 	snop  }
0x3b: {  	_ = 	snop  }
0x3c: {  	p2 =	seq.s32 s10, $0x1;
	s10 =	sld [smem:$0x3FA4]  }
0x3d: {  	_ =	shalt  }
0x3e: {  	_ =	shalt  }
0x3f: {  	_ =	shalt  }
0x40: {  	_ =	shalt  }
0x41: {  	_ =	shalt  }
0x42: {  	_ =	shalt  }
0x43: {  	_ =	shalt  }
0x44: {  	_ =	shalt  }
0x45: {  	_ =	shalt  }
0x46: {  	_ =	shalt  }
0x47: {  	_ =	shalt  }
0x48: {  	_ =	shalt  }
0x49: {  	_ =	shalt  }
0x4a: {  	_ =	shalt  }
0x4b: {  	_ =	shalt  }
0x4c: {  	_ =	shalt  }
0x4d: {  	_ =	shalt  }
0x4e: {  	_ =	shalt  }
0x4f: {  	_ =	shalt  }
0x50: {  	_ =	shalt  }
0x51: {  	_ =	shalt  }
0x52: {  	_ =	shalt  }
0x53: {  	_ =	shalt  }
0x54: {  	_ =	shalt  }
0x55: {  	_ =	shalt  }
0x56: {  	_ =	shalt  }
0x57: {  	_ =	shalt  }
0x58: {  	_ =	shalt  }
0x59: {  	_ =	shalt  }
0x5a: {  	_ =	shalt  }
0x5b: {  	_ =	shalt  }
0x5c: {  	_ =	shalt  }
0x5d: {  	_ =	shalt  }
0x5e: {  	_ =	shalt  }
0x5f: {  	_ =	shalt  }
0x60: {  	_ =	shalt  }
0x61: {  	_ =	shalt  }
0x62: {  	_ =	shalt  }
0x63: {  	_ =	shalt  }
0x64: {  	_ =	shalt  }
0x65: {  	_ =	shalt  }
0x66: {  	_ =	shalt  }
0x67: {  	_ =	shalt  }
0x68: {  	_ =	shalt  }
0x69: {  	_ =	shalt  }
0x6a: {  	_ =	shalt  }
0x6b: {  	_ =	shalt  }
0x6c: {  	_ =	shalt  }
0x6d: {  	_ =	shalt  }
0x6e: {  	_ =	shalt  }
0x6f: {  	_ =	shalt  }
0x70: {  	_ =	shalt  }
0x71: {  	_ =	shalt  }
0x72: {  	_ =	shalt  }
0x73: {  	_ =	shalt  }
0x74: {  	_ =	shalt  }
0x75: {  	_ =	shalt  }
0x76: {  	_ =	shalt  }
0x77: {  	_ =	shalt  }
0x78: {  	_ =	shalt  }
0x79: {  	_ =	shalt  }
0x7a: {  	_ =	shalt  }
0x7b: {  	_ =	shalt  }
0x7c: {  	_ =	shalt  }
0x7d: {  	_ =	shalt  }
0x7e: {  	_ =	shalt  }
0x7f: {  	_ =	shalt  }
0x80: {  	_ =	shalt  }
0x81: {  	_ =	shalt  }
0x82: {  	_ =	shalt  }
0x83: {  	_ =	shalt  }
0x84: {  	_ =	shalt  }
0x85: {  	_ =	shalt  }
0x86: {  	_ =	shalt  }
0x87: {  	_ =	shalt  }
.Lfunc_end0:
.L_simem_size_0:
called_computation.1_lowered:
.L_overlay_start_0:
0x88: {  	s2 =	sld [smem:$0x3FD9]  }
0x89: {  	s3 =	sld [smem:$0x3FFE];
	_ =	sdelay $0x1  }
0x8a: {  	s1 =	srdreg.scid  }
0x8b: {  	s0 =	sand.u32 $0x1, s1  }
0x8c: {  	s16 =	sshll.u32 s0, $0xA;
	s2 =	sadd.s32 s3, s2  }
0x8d: {  	s2 =	sadd.s32 s2, s16  }
0x8e: {  	[smem:$0x3FB0] =	sst s2  }
0x8f: {  	_ = 	snop  }
0x90: {  	(tm) =	ssettm $0x1  }
0x91: {  	s17 =	sld [smem:$0x3FFB];
	_ =	sdelay $0x3  }
0x92: {  	_ =	strace s17  }
0x93: {  	s2 =	sld [smem:$0x3FFC];
	_ =	sdelay $0x3  }
0x94: {  	_ =	strace s2  }
0x95: {  	s2 =	sld [smem:$0x3FFD];
	_ =	sdelay $0x3  }
0x96: {  	_ =	strace s2  }
0x97: {  	_ =	strace $0x8FFFFFFF  }
0x98: {  	s18 =	sld [smem:$0x3FDB];
	_ =	sdelay $0x1  }
0x99: {  	s19 =	simm.s32 $_scs_section_size  }
0x9a: {  	s4 =	simm.s32 $_size__tile_overlayer_lowered;
	s5 =	simm.s32 $_tile_overlayer_lowered  }
0x9b: {  	s22 =	simm.s32 $0x1BFF;
	s21 =	sshll.u32 s5, $0x1;
	s2 =	sadd.s32 s19, s18  }
0x9c: {  	s6 =	simm.s32 $0x0;
	s20 =	sshll.u32 s4, $0x1;
	s4 =	sadd.s32 s21, s2  }
0x9d: {  	[timem:s6], [sflag:s22] =	dma.local [hbm:s4], s20  }
0x9e: {  	_ =	swait.ge [sflag:s22], s20  }
0x9f: {  	s3 =	ssub.s32 $0x0, s20;
	[sflag:s22] =	ssyncset.done $0x0  }
0xa0: {  	[sflag:s22] =	ssyncadd.s32 s3;
	_ =	sdelay $0x1  }
0xa1: {  	s23 =	simm.s32 $0x1B8B  }
0xa2: {  	_ =	swait.ge [sflag:s23], $0x1  }
0xa3: {  	[sflag:s23] =	ssyncset.done $0x0  }
0xa4: {  	s25 =	simm.s32 $0x1B8E;
	s24 =	sld [smem:$0x3FFE];
	[sflag:s23] =	ssyncadd.s32 $0xFFFFFFFF  }
0xa5: {  	s26 =	simm.s32 $execute0_lowered;
	[smem:$0x3FD2] =	sst s25  }
0xa6: {  	s4 =	sshll.u32 s26, $0x1;
	_ =	strace $0x80000046;
	[dreg:$0x1] =	wrdreg $0xFFFFFFFF  }
0xa7: {  	s28 =	simm.s32 $_size_execute0_lowered;
	s2 =	sadd.s32 s2, s4;
	[dreg:$0x0] =	wrdreg $0x0  }
0xa8: {  	s4 =	sshll.u32 s28, $0x1;
	[dreg:$0x2] =	wrdreg s2  }
0xa9: {  	[dreg:$0x3] =	wrdreg s4  }
0xaa: {  	[dreg:$0x4] =	wrdreg $0xC0  }
0xab: {  	_ =	task [dreg:s6], $0x5FFFF  }
0xac: {  	[dreg:$0x1] =	wrdreg $0xFFFFFFFF  }
0xad: {  	[dreg:$0x0] =	wrdreg $0x60  }
0xae: {  	[dreg:$0x2] =	wrdreg s24  }
0xaf: {  	[dreg:$0x3] =	wrdreg $0xA  }
0xb0: {  	_ =	task.clear_ibuf [dreg:s6], $0x4FFFF;
	_ =	strace $0x90000046  }
0xb1: {  	s29 =	simm.s32 $0xA;
	_ =	strace $0x80000048  }
0xb2: {  	_ =	swait.ge [sflag:s29], $0x1  }
0xb3: {  	[sflag:s29] =	ssyncadd.s32 $0xFFFFFFFF  }
0xb4: {  	_ =	strace $0x90000048  }
0xb5: {  	_ =	sfence  }
0xb6: {  	s30 =	sld [smem:$0x0];
	_ =	sdelay $0x2  }
0xb7: {  	s31 =	sshll.u32 s1, $0xD;
	s1 =	sshrl.u32 s1, $0x2  }
0xb8: {  	s3 =	sand.u32 $0x4000, s31;
	s1 =	sadd.s32 s1, s30  }
0xb9: {  	s0 =	sor.u32 s3, s0;
	s1 =	sshll.u32 s1, $0x11  }
0xba: {  	s0 =	sor.u32 s1, s0  }
0xbb: {  	s0 =	sadd.s32 $0x8F2B, s0  }
0xbc: {  	[sflag:s0] =	ssyncadd.remote.s32 $0x1  }
0xbd: {  	_ =	sfence.sel $0xFFFF  }
0xbe: {  	[dreg:$0x0] =	wrdreg $0xFFFFFFFF;
	(pc) =	sbr.abs _section_cstart, $3  }
0xbf: {  	[dreg:$0x1] =	wrdreg $0xFFFFFFFF  }
0xc0: {  	_ =	task.clear_ibuf [dreg:s6], $0x2FFFF;
	_ =	strace $0x9FFFFFFF  }
0xc1: {  	(tm) =	ssettm $0x7FFFFFFF  }
tec
execute0_lowered:
.L_overlay_start_1:
0x0: {  	(tag) =	ssettag $0x1  }
0x1: {  	s1 =	srdreg.scid;
	s0 =	stileid.u32  }
0x2: {  	s1 =	sand.u32 $0x1, s1;
	s2 =	sshll.u32 s0, $0x1  }
0x3: {  	s3 =	sor.u32 s1, s2  }
0x4: {  	s5 =	smul.u32 $0xD0, s3  }
0x5: {  	s4 =	rddreg [dreg:$0x0];
	s2 =	simm.s32 $0x0;
	s6 =	smul.u32 $0x34000, s3  }
0x6: {  	[smem:$0x7FF] =	sst s2;
	s3 =	smul.u32 $0x6800, s3  }
0x7: {  	s7 =	sadd.s32 $0x6AA00, s4;
	_ =	strace $0x80000047  }
0x8: {  	s5 =	sadd.s32 s5, s4;
	s6 =	sshrl.u32 s6, $0x3;
	s3 =	sadd.s32 s7, s3  }
0x9: {  	s5 =	sadd.s32 $0x3400, s5;
	s31 =	sadd.s32 s7, s6;
	[dreg:$0x3] =	wrdreg s3  }
0xa: {  	[dreg:$0x2] =	wrdreg s5;
	s23 =	sadd.s32 $0x800, s31  }
0xb: {  	s24 =	sadd.s32 $0x1000, s31;
	[dreg:$0x4] =	wrdreg s23  }
0xc: {  	[dreg:$0x5] =	wrdreg s24  }
0xd: {  	s25 =	sadd.s32 $0x1800, s31;
	s5 =	rddreg [dreg:$0x2]  }
0xe: {  	s26 =	sadd.s32 $0x2000, s31;
	[dreg:$0x6] =	wrdreg s25  }
0xf: {  	s3 =	simm.s32 $0x5;
	[dreg:$0x7] =	wrdreg s26  }
0x10: {  	[tilespmem:s2], [sflag:$0x5] =	stream.linear.gather [hbm4b:s5+s2], $0x680, $0x38;
	[tilespmem:$0x8680] =	vst v63  }
0x11: {  	_ =	swait.ge [sflag:s3], $0x680  }
0x12: {  	s4 =	sadd.s32 $0x4E00, s4;
	[sflag:s3] =	ssyncset.done $0x0  }
0x13: {  	s6 =	simm.s32 $0x680;
	s5 =	simm.s32 $0x80;
	[sflag:s3] =	ssyncadd.s32 $0xFFFFF980  }
0x14: {  	[tilespmem:s6], [sflag:$0x1] =	stream.indirect.gather [hbm4b:s4+s5], $0x80, s2, s5, $0xb8;
	[tilespmem:$0x8680] =	vst v63  }
0x15: {  	s8 =	simm.s32 $0x1;
	s7 =	simm.s32 $0x4680  }
0x16: {  	[tilespmem:s7], [sflag:$0x2] =	stream.indirect.gather [hbm4b:s4+s5], $0x80, s5, s5, $0xb8;
	[tilespmem:$0x8680] =	vst v63  }
0x17: {  	_ =	swait.ge [sflag:s8], $0x4000  }
0x18: {  	[sflag:s8] =	ssyncset.done $0x0  }
0x19: {  	s9 =	simm.s32 $0x3;
	s10 =	rddreg [dreg:$0x3];
	[sflag:s8] =	ssyncadd.s32 $0xFFFFC000  }
0x1a: {  	[hbm4b:s10+s2] =	stream.linear.scatter [tilespmem:s6], [sflag:$0x3], $0x4000, $0x38;
	[tilespmem:$0x8680] =	vst v63  }
0x1b: {  	_ =	swait.ge [sflag:s9], $0x4000  }
0x1c: {  	[sflag:s9] =	ssyncset.done $0x0  }
0x1d: {  	s11 =	simm.s32 $0x2;
	s10 =	simm.s32 $0x100;
	[sflag:s9] =	ssyncadd.s32 $0xFFFFC000  }
0x1e: {  	[tilespmem:s6], [sflag:$0x1] =	stream.indirect.gather [hbm4b:s4+s5], $0x80, s10, s5, $0xb8;
	[tilespmem:$0x8680] =	vst v63  }
0x1f: {  	_ =	swait.ge [sflag:s11], $0x4000  }
0x20: {  	[sflag:s11] =	ssyncset.done $0x0  }
0x21: {  	s12 =	simm.s32 $0x4;
	s13 =	rddreg [dreg:$0x4];
	[sflag:s11] =	ssyncadd.s32 $0xFFFFC000  }
0x22: {  	[hbm4b:s13+s2] =	stream.linear.scatter [tilespmem:s7], [sflag:$0x4], $0x4000, $0x38;
	[tilespmem:$0x8680] =	vst v63  }
0x23: {  	_ =	swait.ge [sflag:s12], $0x4000  }
0x24: {  	[sflag:s12] =	ssyncset.done $0x0  }
0x25: {  	s13 =	simm.s32 $0x180;
	[sflag:s12] =	ssyncadd.s32 $0xFFFFC000  }
0x26: {  	[tilespmem:s7], [sflag:$0x2] =	stream.indirect.gather [hbm4b:s4+s5], $0x80, s13, s5, $0xb8;
	[tilespmem:$0x8680] =	vst v63  }
0x27: {  	_ =	swait.ge [sflag:s8], $0x4000  }
0x28: {  	[sflag:s8] =	ssyncset.done $0x0  }
0x29: {  	s14 =	rddreg [dreg:$0x5];
	[sflag:s8] =	ssyncadd.s32 $0xFFFFC000  }
0x2a: {  	[hbm4b:s14+s2] =	stream.linear.scatter [tilespmem:s6], [sflag:$0x3], $0x4000, $0x38;
	[tilespmem:$0x8680] =	vst v63  }
0x2b: {  	_ =	swait.ge [sflag:s9], $0x4000  }
0x2c: {  	[sflag:s9] =	ssyncset.done $0x0  }
0x2d: {  	s14 =	simm.s32 $0x200;
	[sflag:s9] =	ssyncadd.s32 $0xFFFFC000  }
0x2e: {  	[tilespmem:s6], [sflag:$0x1] =	stream.indirect.gather [hbm4b:s4+s5], $0x80, s14, s5, $0xb8;
	[tilespmem:$0x8680] =	vst v63  }
0x2f: {  	_ =	swait.ge [sflag:s11], $0x4000  }
0x30: {  	[sflag:s11] =	ssyncset.done $0x0  }
0x31: {  	s15 =	rddreg [dreg:$0x6];
	[sflag:s11] =	ssyncadd.s32 $0xFFFFC000  }
0x32: {  	[hbm4b:s15+s2] =	stream.linear.scatter [tilespmem:s7], [sflag:$0x4], $0x4000, $0x38;
	[tilespmem:$0x8680] =	vst v63  }
0x33: {  	_ =	swait.ge [sflag:s12], $0x4000  }
0x34: {  	[sflag:s12] =	ssyncset.done $0x0  }
0x35: {  	s15 =	simm.s32 $0x280;
	[sflag:s12] =	ssyncadd.s32 $0xFFFFC000  }
0x36: {  	[tilespmem:s7], [sflag:$0x2] =	stream.indirect.gather [hbm4b:s4+s5], $0x80, s15, s5, $0xb8;
	[tilespmem:$0x8680] =	vst v63  }
0x37: {  	_ =	swait.ge [sflag:s8], $0x4000  }
0x38: {  	[sflag:s8] =	ssyncset.done $0x0  }
0x39: {  	s16 =	rddreg [dreg:$0x7];
	[sflag:s8] =	ssyncadd.s32 $0xFFFFC000  }
0x3a: {  	[hbm4b:s16+s2] =	stream.linear.scatter [tilespmem:s6], [sflag:$0x3], $0x4000, $0x38;
	[tilespmem:$0x8680] =	vst v63  }
0x3b: {  	_ =	swait.ge [sflag:s9], $0x4000  }
0x3c: {  	[sflag:s9] =	ssyncset.done $0x0  }
0x3d: {  	s16 =	simm.s32 $0x300;
	[sflag:s9] =	ssyncadd.s32 $0xFFFFC000  }
0x3e: {  	[tilespmem:s6], [sflag:$0x1] =	stream.indirect.gather [hbm4b:s4+s5], $0x80, s16, s5, $0xb8;
	[tilespmem:$0x8680] =	vst v63  }
0x3f: {  	_ =	swait.ge [sflag:s11], $0x4000  }
0x40: {  	[sflag:s11] =	ssyncset.done $0x0  }
0x41: {  	s17 =	sadd.s32 $0x2800, s31;
	[sflag:s11] =	ssyncadd.s32 $0xFFFFC000  }
0x42: {  	[hbm4b:s17+s2] =	stream.linear.scatter [tilespmem:s7], [sflag:$0x4], $0x4000, $0x38;
	[tilespmem:$0x8680] =	vst v63  }
0x43: {  	_ =	swait.ge [sflag:s12], $0x4000  }
0x44: {  	[sflag:s12] =	ssyncset.done $0x0  }
0x45: {  	s18 =	simm.s32 $0x380;
	[sflag:s12] =	ssyncadd.s32 $0xFFFFC000  }
0x46: {  	[tilespmem:s7], [sflag:$0x2] =	stream.indirect.gather [hbm4b:s4+s5], $0x80, s18, s5, $0xb8;
	[tilespmem:$0x8680] =	vst v63  }
0x47: {  	_ =	swait.ge [sflag:s8], $0x4000  }
0x48: {  	[sflag:s8] =	ssyncset.done $0x0  }
0x49: {  	s19 =	sadd.s32 $0x3000, s31;
	[sflag:s8] =	ssyncadd.s32 $0xFFFFC000  }
0x4a: {  	[hbm4b:s19+s2] =	stream.linear.scatter [tilespmem:s6], [sflag:$0x3], $0x4000, $0x38;
	[tilespmem:$0x8680] =	vst v63  }
0x4b: {  	_ =	swait.ge [sflag:s9], $0x4000  }
0x4c: {  	[sflag:s9] =	ssyncset.done $0x0  }
0x4d: {  	s20 =	simm.s32 $0x400;
	[sflag:s9] =	ssyncadd.s32 $0xFFFFC000  }
0x4e: {  	[tilespmem:s6], [sflag:$0x1] =	stream.indirect.gather [hbm4b:s4+s5], $0x80, s20, s5, $0xb8;
	[tilespmem:$0x8680] =	vst v63  }
0x4f: {  	_ =	swait.ge [sflag:s11], $0x4000  }
0x50: {  	[sflag:s11] =	ssyncset.done $0x0  }
0x51: {  	s21 =	sadd.s32 $0x3800, s31;
	[sflag:s11] =	ssyncadd.s32 $0xFFFFC000  }
0x52: {  	[hbm4b:s21+s2] =	stream.linear.scatter [tilespmem:s7], [sflag:$0x4], $0x4000, $0x38;
	[tilespmem:$0x8680] =	vst v63  }
0x53: {  	_ =	swait.ge [sflag:s12], $0x4000  }
0x54: {  	[sflag:s12] =	ssyncset.done $0x0  }
0x55: {  	s22 =	simm.s32 $0x480;
	[sflag:s12] =	ssyncadd.s32 $0xFFFFC000  }
0x56: {  	[tilespmem:s7], [sflag:$0x2] =	stream.indirect.gather [hbm4b:s4+s5], $0x80, s22, s5, $0xb8;
	[tilespmem:$0x8680] =	vst v63  }
0x57: {  	_ =	swait.ge [sflag:s8], $0x4000  }
0x58: {  	[sflag:s8] =	ssyncset.done $0x0  }
0x59: {  	s23 =	sadd.s32 $0x4000, s31;
	[sflag:s8] =	ssyncadd.s32 $0xFFFFC000  }
0x5a: {  	[hbm4b:s23+s2] =	stream.linear.scatter [tilespmem:s6], [sflag:$0x3], $0x4000, $0x38;
	[tilespmem:$0x8680] =	vst v63  }
0x5b: {  	_ =	swait.ge [sflag:s9], $0x4000  }
0x5c: {  	[sflag:s9] =	ssyncset.done $0x0  }
0x5d: {  	s24 =	simm.s32 $0x500;
	[sflag:s9] =	ssyncadd.s32 $0xFFFFC000  }
0x5e: {  	[tilespmem:s6], [sflag:$0x1] =	stream.indirect.gather [hbm4b:s4+s5], $0x80, s24, s5, $0xb8;
	[tilespmem:$0x8680] =	vst v63  }
0x5f: {  	_ =	swait.ge [sflag:s11], $0x4000  }
0x60: {  	[sflag:s11] =	ssyncset.done $0x0  }
0x61: {  	s25 =	sadd.s32 $0x4800, s31;
	[sflag:s11] =	ssyncadd.s32 $0xFFFFC000  }
0x62: {  	[hbm4b:s25+s2] =	stream.linear.scatter [tilespmem:s7], [sflag:$0x4], $0x4000, $0x38;
	[tilespmem:$0x8680] =	vst v63  }
0x63: {  	_ =	swait.ge [sflag:s12], $0x4000  }
0x64: {  	[sflag:s12] =	ssyncset.done $0x0  }
0x65: {  	s26 =	simm.s32 $0x580;
	[sflag:s12] =	ssyncadd.s32 $0xFFFFC000  }
0x66: {  	[tilespmem:s7], [sflag:$0x2] =	stream.indirect.gather [hbm4b:s4+s5], $0x80, s26, s5, $0xb8;
	[tilespmem:$0x8680] =	vst v63  }
0x67: {  	_ =	swait.ge [sflag:s8], $0x4000  }
0x68: {  	[sflag:s8] =	ssyncset.done $0x0  }
0x69: {  	s28 =	sadd.s32 $0x5000, s31;
	[sflag:s8] =	ssyncadd.s32 $0xFFFFC000  }
0x6a: {  	[hbm4b:s28+s2] =	stream.linear.scatter [tilespmem:s6], [sflag:$0x3], $0x4000, $0x38;
	[tilespmem:$0x8680] =	vst v63  }
0x6b: {  	_ =	swait.ge [sflag:s9], $0x4000  }
0x6c: {  	[sflag:s9] =	ssyncset.done $0x0  }
0x6d: {  	s29 =	simm.s32 $0x600;
	[sflag:s9] =	ssyncadd.s32 $0xFFFFC000  }
0x6e: {  	[tilespmem:s6], [sflag:$0x1] =	stream.indirect.gather [hbm4b:s4+s5], $0x80, s29, s5, $0xb8;
	[tilespmem:$0x8680] =	vst v63  }
0x6f: {  	_ =	swait.ge [sflag:s11], $0x4000  }
0x70: {  	s1 =	ssub.s32 $0x2, s1;
	[sflag:s11] =	ssyncset.done $0x0  }
0x71: {  	s0 =	sshrl.u32 s1, $0x1;
	s30 =	sadd.s32 $0x5800, s31;
	[sflag:s11] =	ssyncadd.s32 $0xFFFFC000  }
0x72: {  	[hbm4b:s30+s2] =	stream.linear.scatter [tilespmem:s7], [sflag:$0x4], $0x4000, $0x38;
	[tilespmem:$0x8680] =	vst v63  }
0x73: {  	s0 =	ssub.s32 s1, s0;
	_ =	swait.ge [sflag:s8], $0x4000  }
0x74: {  	s0 =	smax.u32 s0, $0x1;
	[sflag:s8] =	ssyncset.done $0x0  }
0x75: {  	p0 =	sne.s32 s0, $0x1;
	s31 =	sadd.s32 $0x6000, s31;
	[sflag:s8] =	ssyncadd.s32 $0xFFFFC000  }
0x76: {  	[hbm4b:s31+s2] =	stream.linear.scatter [tilespmem:s6], [sflag:$0x3], $0x4000, $0x38;
	[tilespmem:$0x8680] =	vst v63  }
.Ltmp0:
0x77: {  	_ =	swait.ge [sflag:s9], $0x4000;
	(pc) =	sbr.rel @!p0 .LBB2_2-.Ltmp0, $4  }
0x78: {  	[sflag:s9] =	ssyncset.done $0x0  }
0x79: {  	[sflag:s9] =	ssyncadd.s32 $0xFFFFC000  }
0x7a: {  	_ =	swait.ge [sflag:s12], $0x4000  }
0x7b: {  	s1 =	sadd.s32 $0xFFFFFFFF, s0;
	[sflag:s12] =	ssyncset.done $0x0  }
.LBB2_1:
0x7c: {  	s0 =	rddreg [dreg:$0x2];
	[sflag:s12] =	ssyncadd.s32 $0xFFFFC000  }
0x7d: {  	[tilespmem:s2], [sflag:$0x5] =	stream.linear.gather [hbm4b:s0+s2], $0x680, $0x38;
	[tilespmem:$0x8680] =	vst v63  }
0x7e: {  	_ =	swait.ge [sflag:s3], $0x680  }
0x7f: {  	[sflag:s3] =	ssyncset.done $0x0  }
0x80: {  	[sflag:s3] =	ssyncadd.s32 $0xFFFFF980  }
0x81: {  	[tilespmem:s6], [sflag:$0x1] =	stream.indirect.gather [hbm4b:s4+s5], $0x80, s2, s5, $0xb8;
	[tilespmem:$0x8680] =	vst v63  }
0x82: {  	_ = 	snop  }
0x83: {  	[tilespmem:s7], [sflag:$0x2] =	stream.indirect.gather [hbm4b:s4+s5], $0x80, s5, s5, $0xb8;
	[tilespmem:$0x8680] =	vst v63  }
0x84: {  	_ =	swait.ge [sflag:s8], $0x4000  }
0x85: {  	[sflag:s8] =	ssyncset.done $0x0  }
0x86: {  	s0 =	rddreg [dreg:$0x3];
	[sflag:s8] =	ssyncadd.s32 $0xFFFFC000  }
0x87: {  	[hbm4b:s0+s2] =	stream.linear.scatter [tilespmem:s6], [sflag:$0x3], $0x4000, $0x38;
	[tilespmem:$0x8680] =	vst v63  }
0x88: {  	_ =	swait.ge [sflag:s9], $0x4000  }
0x89: {  	[sflag:s9] =	ssyncset.done $0x0  }
0x8a: {  	[sflag:s9] =	ssyncadd.s32 $0xFFFFC000  }
0x8b: {  	[tilespmem:s6], [sflag:$0x1] =	stream.indirect.gather [hbm4b:s4+s5], $0x80, s10, s5, $0xb8;
	[tilespmem:$0x8680] =	vst v63  }
0x8c: {  	_ =	swait.ge [sflag:s11], $0x4000  }
0x8d: {  	[sflag:s11] =	ssyncset.done $0x0  }
0x8e: {  	s0 =	rddreg [dreg:$0x4];
	[sflag:s11] =	ssyncadd.s32 $0xFFFFC000  }
0x8f: {  	[hbm4b:s0+s2] =	stream.linear.scatter [tilespmem:s7], [sflag:$0x4], $0x4000, $0x38;
	[tilespmem:$0x8680] =	vst v63  }
0x90: {  	_ =	swait.ge [sflag:s12], $0x4000  }
0x91: {  	[sflag:s12] =	ssyncset.done $0x0  }
0x92: {  	[sflag:s12] =	ssyncadd.s32 $0xFFFFC000  }
0x93: {  	[tilespmem:s7], [sflag:$0x2] =	stream.indirect.gather [hbm4b:s4+s5], $0x80, s13, s5, $0xb8;
	[tilespmem:$0x8680] =	vst v63  }
0x94: {  	_ =	swait.ge [sflag:s8], $0x4000  }
0x95: {  	[sflag:s8] =	ssyncset.done $0x0  }
0x96: {  	s0 =	rddreg [dreg:$0x5];
	[sflag:s8] =	ssyncadd.s32 $0xFFFFC000  }
0x97: {  	[hbm4b:s0+s2] =	stream.linear.scatter [tilespmem:s6], [sflag:$0x3], $0x4000, $0x38;
	[tilespmem:$0x8680] =	vst v63  }
0x98: {  	_ =	swait.ge [sflag:s9], $0x4000  }
0x99: {  	[sflag:s9] =	ssyncset.done $0x0  }
0x9a: {  	[sflag:s9] =	ssyncadd.s32 $0xFFFFC000  }
0x9b: {  	[tilespmem:s6], [sflag:$0x1] =	stream.indirect.gather [hbm4b:s4+s5], $0x80, s14, s5, $0xb8;
	[tilespmem:$0x8680] =	vst v63  }
0x9c: {  	_ =	swait.ge [sflag:s11], $0x4000  }
0x9d: {  	[sflag:s11] =	ssyncset.done $0x0  }
0x9e: {  	s0 =	rddreg [dreg:$0x6];
	[sflag:s11] =	ssyncadd.s32 $0xFFFFC000  }
0x9f: {  	[hbm4b:s0+s2] =	stream.linear.scatter [tilespmem:s7], [sflag:$0x4], $0x4000, $0x38;
	[tilespmem:$0x8680] =	vst v63  }
0xa0: {  	_ =	swait.ge [sflag:s12], $0x4000  }
0xa1: {  	[sflag:s12] =	ssyncset.done $0x0  }
0xa2: {  	[sflag:s12] =	ssyncadd.s32 $0xFFFFC000  }
0xa3: {  	[tilespmem:s7], [sflag:$0x2] =	stream.indirect.gather [hbm4b:s4+s5], $0x80, s15, s5, $0xb8;
	[tilespmem:$0x8680] =	vst v63  }
0xa4: {  	_ =	swait.ge [sflag:s8], $0x4000  }
0xa5: {  	[sflag:s8] =	ssyncset.done $0x0  }
0xa6: {  	s0 =	rddreg [dreg:$0x7];
	[sflag:s8] =	ssyncadd.s32 $0xFFFFC000  }
0xa7: {  	[hbm4b:s0+s2] =	stream.linear.scatter [tilespmem:s6], [sflag:$0x3], $0x4000, $0x38;
	[tilespmem:$0x8680] =	vst v63  }
0xa8: {  	_ =	swait.ge [sflag:s9], $0x4000  }
0xa9: {  	[sflag:s9] =	ssyncset.done $0x0  }
0xaa: {  	[sflag:s9] =	ssyncadd.s32 $0xFFFFC000  }
0xab: {  	[tilespmem:s6], [sflag:$0x1] =	stream.indirect.gather [hbm4b:s4+s5], $0x80, s16, s5, $0xb8;
	[tilespmem:$0x8680] =	vst v63  }
0xac: {  	_ =	swait.ge [sflag:s11], $0x4000  }
0xad: {  	[sflag:s11] =	ssyncset.done $0x0  }
0xae: {  	[sflag:s11] =	ssyncadd.s32 $0xFFFFC000  }
0xaf: {  	[hbm4b:s17+s2] =	stream.linear.scatter [tilespmem:s7], [sflag:$0x4], $0x4000, $0x38;
	[tilespmem:$0x8680] =	vst v63  }
0xb0: {  	_ =	swait.ge [sflag:s12], $0x4000  }
0xb1: {  	[sflag:s12] =	ssyncset.done $0x0  }
0xb2: {  	[sflag:s12] =	ssyncadd.s32 $0xFFFFC000  }
0xb3: {  	[tilespmem:s7], [sflag:$0x2] =	stream.indirect.gather [hbm4b:s4+s5], $0x80, s18, s5, $0xb8;
	[tilespmem:$0x8680] =	vst v63  }
0xb4: {  	_ =	swait.ge [sflag:s8], $0x4000  }
0xb5: {  	[sflag:s8] =	ssyncset.done $0x0  }
0xb6: {  	[sflag:s8] =	ssyncadd.s32 $0xFFFFC000  }
0xb7: {  	[hbm4b:s19+s2] =	stream.linear.scatter [tilespmem:s6], [sflag:$0x3], $0x4000, $0x38;
	[tilespmem:$0x8680] =	vst v63  }
0xb8: {  	_ =	swait.ge [sflag:s9], $0x4000  }
0xb9: {  	[sflag:s9] =	ssyncset.done $0x0  }
0xba: {  	[sflag:s9] =	ssyncadd.s32 $0xFFFFC000  }
0xbb: {  	[tilespmem:s6], [sflag:$0x1] =	stream.indirect.gather [hbm4b:s4+s5], $0x80, s20, s5, $0xb8;
	[tilespmem:$0x8680] =	vst v63  }
0xbc: {  	_ =	swait.ge [sflag:s11], $0x4000  }
0xbd: {  	[sflag:s11] =	ssyncset.done $0x0  }
0xbe: {  	[sflag:s11] =	ssyncadd.s32 $0xFFFFC000  }
0xbf: {  	[hbm4b:s21+s2] =	stream.linear.scatter [tilespmem:s7], [sflag:$0x4], $0x4000, $0x38;
	[tilespmem:$0x8680] =	vst v63  }
0xc0: {  	_ =	swait.ge [sflag:s12], $0x4000  }
0xc1: {  	[sflag:s12] =	ssyncset.done $0x0  }
0xc2: {  	[sflag:s12] =	ssyncadd.s32 $0xFFFFC000  }
0xc3: {  	[tilespmem:s7], [sflag:$0x2] =	stream.indirect.gather [hbm4b:s4+s5], $0x80, s22, s5, $0xb8;
	[tilespmem:$0x8680] =	vst v63  }
0xc4: {  	_ =	swait.ge [sflag:s8], $0x4000  }
0xc5: {  	[sflag:s8] =	ssyncset.done $0x0  }
0xc6: {  	[sflag:s8] =	ssyncadd.s32 $0xFFFFC000  }
0xc7: {  	[hbm4b:s23+s2] =	stream.linear.scatter [tilespmem:s6], [sflag:$0x3], $0x4000, $0x38;
	[tilespmem:$0x8680] =	vst v63  }
0xc8: {  	_ =	swait.ge [sflag:s9], $0x4000  }
0xc9: {  	[sflag:s9] =	ssyncset.done $0x0  }
0xca: {  	[sflag:s9] =	ssyncadd.s32 $0xFFFFC000  }
0xcb: {  	[tilespmem:s6], [sflag:$0x1] =	stream.indirect.gather [hbm4b:s4+s5], $0x80, s24, s5, $0xb8;
	[tilespmem:$0x8680] =	vst v63  }
0xcc: {  	_ =	swait.ge [sflag:s11], $0x4000  }
0xcd: {  	[sflag:s11] =	ssyncset.done $0x0  }
0xce: {  	[sflag:s11] =	ssyncadd.s32 $0xFFFFC000  }
0xcf: {  	[hbm4b:s25+s2] =	stream.linear.scatter [tilespmem:s7], [sflag:$0x4], $0x4000, $0x38;
	[tilespmem:$0x8680] =	vst v63  }
0xd0: {  	_ =	swait.ge [sflag:s12], $0x4000  }
0xd1: {  	[sflag:s12] =	ssyncset.done $0x0  }
0xd2: {  	[sflag:s12] =	ssyncadd.s32 $0xFFFFC000  }
0xd3: {  	[tilespmem:s7], [sflag:$0x2] =	stream.indirect.gather [hbm4b:s4+s5], $0x80, s26, s5, $0xb8;
	[tilespmem:$0x8680] =	vst v63  }
0xd4: {  	_ =	swait.ge [sflag:s8], $0x4000  }
0xd5: {  	[sflag:s8] =	ssyncset.done $0x0  }
0xd6: {  	[sflag:s8] =	ssyncadd.s32 $0xFFFFC000  }
0xd7: {  	[hbm4b:s28+s2] =	stream.linear.scatter [tilespmem:s6], [sflag:$0x3], $0x4000, $0x38;
	[tilespmem:$0x8680] =	vst v63  }
0xd8: {  	_ =	swait.ge [sflag:s9], $0x4000  }
0xd9: {  	[sflag:s9] =	ssyncset.done $0x0  }
0xda: {  	[sflag:s9] =	ssyncadd.s32 $0xFFFFC000  }
0xdb: {  	[tilespmem:s6], [sflag:$0x1] =	stream.indirect.gather [hbm4b:s4+s5], $0x80, s29, s5, $0xb8;
	[tilespmem:$0x8680] =	vst v63  }
0xdc: {  	_ =	swait.ge [sflag:s11], $0x4000  }
0xdd: {  	[sflag:s11] =	ssyncset.done $0x0  }
0xde: {  	[sflag:s11] =	ssyncadd.s32 $0xFFFFC000  }
0xdf: {  	[hbm4b:s30+s2] =	stream.linear.scatter [tilespmem:s7], [sflag:$0x4], $0x4000, $0x38;
	[tilespmem:$0x8680] =	vst v63  }
0xe0: {  	_ =	swait.ge [sflag:s8], $0x4000  }
0xe1: {  	[sflag:s8] =	ssyncset.done $0x0  }
0xe2: {  	p0 =	sne.s32 s1, $0x1;
	[sflag:s8] =	ssyncadd.s32 $0xFFFFC000  }
0xe3: {  	[hbm4b:s31+s2] =	stream.linear.scatter [tilespmem:s6], [sflag:$0x3], $0x4000, $0x38;
	[tilespmem:$0x8680] =	vst v63  }
.Ltmp1:
0xe4: {  	_ =	swait.ge [sflag:s9], $0x4000;
	(pc) =	sbr.rel @p0 .LBB2_1-.Ltmp1, $4  }
0xe5: {  	[sflag:s9] =	ssyncset.done $0x0  }
0xe6: {  	[sflag:s9] =	ssyncadd.s32 $0xFFFFC000  }
0xe7: {  	_ =	swait.ge [sflag:s12], $0x4000  }
0xe8: {  	s1 =	sadd.s32 $0xFFFFFFFF, s1;
	[sflag:s12] =	ssyncset.done $0x0  }
.LBB2_2:
0xe9: {  	[sflag:s12] =	ssyncadd.s32 $0xFFFFC000  }
0xea: {  	_ =	sfence.sel $0x180000  }
0xeb: {  	[bflag:$0x0] =	sbarrier.arrive $0xFFFF  }
0xec: {  	_ =	strace $0x90000047  }
0xed: {  	s0 =	stileid.u32;
	[bflag:$0x2] =	sbarrier.arrive $0xFFFF  }
0xee: {  	p0 =	sne.s32 s0, $0x0;
	s0 =	rddreg [dreg:$0x1]  }
0xef: {  	s0 =	sadd.s32 @!p0 $0x100000, s0  }
0xf0: {  	[sflag:s0] =	ssyncadd.tile.s32 @!p0 $0x1;
	_ =	shalt  }
.Lfunc_end2:
_tile_overlayer_lowered:
.L_overlay_start_2:
0xf1: {  	(tag) =	ssettag $0x2  }
0xf2: {  	s0 =	rddreg [dreg:$0x0];
	s2 =	stileid.u32  }
0xf3: {  	s1 =	rddreg [dreg:$0x1];
	p0 =	sne.s32 s2, $0x0  }
0xf4: {  	s3 =	rddreg [dreg:$0x2];
	[bflag:$0x3] =	sbarrier.arrive $0xFFFF;
	s2 =	simm.s32 @!p0 $0x1C05  }
0xf5: {  	[timem:s3], [sflag:s2] =	dma.local @!p0 [hbm:s0], s1  }
0xf6: {  	s0 =	simm.s32 @!p0 $0x5  }
0xf7: {  	_ =	swait.ge @!p0 [sflag:s0], s1  }
0xf8: {  	s1 =	ssub.s32 @!p0 $0x0, s1;
	[sflag:s0] =	ssyncset.done @!p0 $0x0  }
0xf9: {  	[sflag:s0] =	ssyncadd.s32 @!p0 s1  }
0xfa: {  	[bflag:$0x3] =	sbarrier.arrive $0xFFFF  }
0xfb: {  	_ =	shalt  }

</sc_bundles>
